<compile_context>
chip_gen: v7x
topology: tpu7x:2x2x1
jax: 0.10.2.dev20260603
libtpu: 0.0.44.dev20260713+nightly
codegen_flags: <defaults>
</compile_context>

<pallas_src>
import functools

import jax
import jax.numpy as jnp
from jax import lax
from jax.experimental import pallas as pl
from jax.experimental.pallas import tpu as pltpu
from jax.experimental.pallas import tpu_sc as plsc

N = 10000
E = 320000
IN = 128
H = 8
OUT = 16

NC = 2
NS = 16
NW = NC * NS
B = 128
NB = E // B
CB = 10
NCHUNKS = NB // CB
CE = CB * B
BASE_CHUNKS = NCHUNKS // NW
EXTRA = NCHUNKS - BASE_CHUNKS * NW


TC_BLK = 1000


def _tc_tables(x_ref, w_ref, sa_ref, sb_ref, a_ref, b_ref):
    wa = jnp.dot(w_ref[...], sa_ref[...], preferred_element_type=jnp.float32)
    wb = jnp.dot(w_ref[...], sb_ref[...], preferred_element_type=jnp.float32)
    x = x_ref[...]
    ta = jnp.dot(x, wa, preferred_element_type=jnp.float32)
    tb = jnp.dot(x, wb, preferred_element_type=jnp.float32)
    a_ref[:, 0:16] = ta
    b_ref[:, 0:16] = tb


def _make_tables(x, W, S_a, S_b):
    blk = pl.BlockSpec((TC_BLK, 128), lambda i: (i, 0))
    rep = pl.BlockSpec((128, 16), lambda i: (0, 0))
    return pl.pallas_call(
        _tc_tables,
        grid=(N // TC_BLK,),
        in_specs=[blk, pl.BlockSpec((128, 128), lambda i: (0, 0)), rep, rep],
        out_specs=(blk, blk),
        out_shape=(
            jax.ShapeDtypeStruct((N, 128), jnp.float32),
            jax.ShapeDtypeStruct((N, 128), jnp.float32),
        ),
        compiler_params=pltpu.CompilerParams(
            dimension_semantics=("arbitrary",)),
    )(x, W, S_a, S_b)


_sc_mesh = plsc.VectorSubcoreMesh(
    core_axis_name="c", subcore_axis_name="s", num_cores=NC, num_subcores=NS
)


@functools.partial(
    pl.kernel,
    out_type=jax.ShapeDtypeStruct((E * H,), jnp.float32),
    mesh=_sc_mesh,
    scratch_types=[
        pltpu.VMEM((2, CB, B), jnp.int32),
        pltpu.VMEM((2, CB, B), jnp.int32),
        pltpu.VMEM((2, CE, 16), jnp.float32),
        pltpu.VMEM((2, CE, 16), jnp.float32),
        pltpu.VMEM((CE * H,), jnp.float32),
        pltpu.VMEM_SHARED((N, 16), jnp.float32),
        pltpu.VMEM_SHARED((N, 16), jnp.float32),
        pltpu.SemaphoreType.DMA,
        pltpu.SemaphoreType.DMA,
        pltpu.SemaphoreType.DMA,
        pltpu.SemaphoreType.DMA,
        pltpu.SemaphoreType.DMA,
    ],
    compiler_params=pltpu.CompilerParams(
        use_tc_tiling_on_sc=False, needs_layout_passes=False),
)
def _sc_edges(ta_hbm, tb_hbm, head_hbm, tail_hbm, out_hbm,
              hidx, tidx, ra, rb, ob, spa, spb,
              sem_a0, sem_a1, sem_b0, sem_b1, sem_out):
    sid = lax.axis_index("s")
    wid = sid * NC + lax.axis_index("c")
    rows_per_sid = N // NS
    pltpu.sync_copy(
        ta_hbm.at[pl.ds(sid * rows_per_sid, rows_per_sid), pl.ds(0, 16)],
        spa.at[pl.ds(sid * rows_per_sid, rows_per_sid)])
    pltpu.sync_copy(
        tb_hbm.at[pl.ds(sid * rows_per_sid, rows_per_sid), pl.ds(0, 16)],
        spb.at[pl.ds(sid * rows_per_sid, rows_per_sid)])
    plsc.subcore_barrier()
    n = jnp.where(wid < EXTRA, BASE_CHUNKS + 1, BASE_CHUNKS)
    lane = lax.iota(jnp.int32, 16)
    lane_lo = lane < 8
    svec = (lane & 7) * B + lax.shift_right_logical(lane, 3)
    sem_a = (sem_a0, sem_a1)
    sem_b = (sem_b0, sem_b1)

    def fire(c, p):
        @pl.when(c < n)
        def _():
            rbase = (wid + c * NW) * CB
            pltpu.sync_copy(head_hbm.at[pl.ds(rbase, CB)], hidx.at[p])
            pltpu.sync_copy(tail_hbm.at[pl.ds(rbase, CB)], tidx.at[p])
            for kk in range(CB):
                pltpu.async_copy(spa.at[hidx.at[p].at[kk]],
                                 ra.at[p].at[pl.ds(kk * B, B)], sem_a[p])
                pltpu.async_copy(spb.at[tidx.at[p].at[kk]],
                                 rb.at[p].at[pl.ds(kk * B, B)], sem_b[p])

    def compute(c, p):
        @pl.when(c < n)
        def _():
            @pl.when(c >= 1)
            def _():
                pltpu.make_async_copy(
                    out_hbm.at[pl.ds(0, CE * H)], ob, sem_out).wait()
            pltpu.make_async_copy(
                spa.at[pl.ds(0, CE)], ra.at[p], sem_a[p]).wait()
            pltpu.make_async_copy(
                spb.at[pl.ds(0, CE)], rb.at[p], sem_b[p]).wait()

            @plsc.parallel_loop(0, CE // 2, unroll=16)
            def pair_body(i):
                a0 = ra[p, 2 * i, :] + rb[p, 2 * i, :]
                a1 = ra[p, 2 * i + 1, :] + rb[p, 2 * i + 1, :]
                s = jnp.where(lane_lo, a0, a1)
                w = 1.0 / (1.0 + jnp.exp(s))
                off = lax.shift_right_logical(i, 6) * (H * B) + (i & 63) * 2
                plsc.store_scatter(ob, [svec + off], w)
            obase = (wid + c * NW) * (CE * H)
            pltpu.async_copy(ob, out_hbm.at[pl.ds(obase, CE * H)], sem_out)

    fire(0, 0)

    def body(q, carry):
        c0 = 2 * q
        fire(c0 + 1, 1)
        compute(c0, 0)
        fire(c0 + 2, 0)
        compute(c0 + 1, 1)
        return carry

    lax.fori_loop(0, (BASE_CHUNKS + 2) // 2, body, 0)
    pltpu.make_async_copy(out_hbm.at[pl.ds(0, CE * H)], ob, sem_out).wait()


def kernel(concept_hidden, head, tail, W, scoring_fn_source, scoring_fn_target):
    x = concept_hidden.astype(jnp.float32)
    hsel = (jnp.arange(IN) // OUT)[:, None] == jnp.arange(H)[None, :]
    onehot = hsel.astype(jnp.float32)
    s_src = -scoring_fn_source.reshape(IN)[:, None] * onehot
    s_tgt = -scoring_fn_target.reshape(IN)[:, None] * onehot
    S_a = jnp.concatenate([s_src, s_src], axis=1)
    S_b = jnp.concatenate([s_tgt, s_tgt], axis=1)

    table_a, table_b = _make_tables(x, W.astype(jnp.float32), S_a, S_b)

    head2d = head.astype(jnp.int32).reshape(NB, B)
    tail2d = tail.astype(jnp.int32).reshape(NB, B)
    out_flat = _sc_edges(table_a, table_b, head2d, tail2d)
    return out_flat.reshape(NB, H, B).transpose(0, 2, 1).reshape(E, H)

# --- scband reference (transcript-rebuilt; emitter-appended) ---
"""Pipeline reference for scband-graph-attention-78297253806795 (READ-ONLY COPY).

The authoritative reference and input builder live on the scoring server;
editing this copy changes nothing except your own understanding.
"""

import jax, jax.numpy as jnp
import numpy as np

N = 10000
E = 320000
IN = 128
H = 8
OUT = 16


def setup_inputs(seed: int = 0) -> dict:
    key = jax.random.key(seed)
    k1, k2, k3, k4, k5, k6 = jax.random.split(key, 6)
    concept_hidden = jax.random.normal(k1, (N, IN), dtype=jnp.float32)
    head = jax.random.randint(k2, (E,), 0, N)
    tail = jax.random.randint(k3, (E,), 0, N)
    # linear_proj weight: Glorot-uniform, stored as [IN, H*OUT] for x @ W
    limit_w = float(np.sqrt(6.0 / (IN + H * OUT)))
    W = jax.random.uniform(k4, (IN, H * OUT), dtype=jnp.float32, minval=-limit_w, maxval=limit_w)
    limit_s = float(np.sqrt(6.0 / (H + OUT)))
    scoring_fn_source = jax.random.uniform(k5, (1, H, OUT), dtype=jnp.float32, minval=-limit_s, maxval=limit_s)
    scoring_fn_target = jax.random.uniform(k6, (1, H, OUT), dtype=jnp.float32, minval=-limit_s, maxval=limit_s)
    return {
        "concept_hidden": concept_hidden,
        "head": head,
        "tail": tail,
        "W": W,
        "scoring_fn_source": scoring_fn_source,
        "scoring_fn_target": scoring_fn_target,
    }


def reference(concept_hidden, head, tail, W, scoring_fn_source, scoring_fn_target):
    # linear projection, then reshape to [N, H, OUT]
    nodes_features_proj = (concept_hidden @ W).reshape(-1, H, OUT)
    # per-node, per-head scalar scores
    scores_source = (nodes_features_proj * scoring_fn_source).sum(axis=-1)  # [N, H]
    scores_target = (nodes_features_proj * scoring_fn_target).sum(axis=-1)  # [N, H]
    # lift: gather node scores to edges
    scores_source_lifted = jnp.take(scores_source, head, axis=0)  # [E, H]
    scores_target_lifted = jnp.take(scores_target, tail, axis=0)  # [E, H]
    scores_per_edge = scores_source_lifted + scores_target_lifted
    return jax.nn.sigmoid(scores_per_edge)

if __name__ == "__main__":
    import jax
    _d = setup_inputs()
    print(jax.jit(kernel)(*tuple(_d.values())))

</pallas_src>

<mosaic_0001>
#map = affine_map<(d0, d1) -> (0, 0)>
#map1 = affine_map<(d0, d1) -> (0)>
module attributes {stable_mosaic.version = 14 : i64} {
  func.func @_sc_edges(%arg0: i32, %arg1: i32, %arg2: memref<10000x128xf32, #tpu.memory_space<hbm>>, %arg3: memref<10000x128xf32, #tpu.memory_space<hbm>>, %arg4: memref<2500x128xi32, #tpu.memory_space<hbm>>, %arg5: memref<2500x128xi32, #tpu.memory_space<hbm>>, %arg6: memref<2560000xf32, #tpu.memory_space<hbm>>, %arg7: memref<2x10x128xi32, #tpu.memory_space<vmem>>, %arg8: memref<2x10x128xi32, #tpu.memory_space<vmem>>, %arg9: memref<2x1280x16xf32, #tpu.memory_space<vmem>>, %arg10: memref<2x1280x16xf32, #tpu.memory_space<vmem>>, %arg11: memref<10240xf32, #tpu.memory_space<vmem>>, %arg12: memref<10000x16xf32, #tpu.memory_space<vmem_shared>>, %arg13: memref<10000x16xf32, #tpu.memory_space<vmem_shared>>, %arg14: memref<!tpu.dma_semaphore, #tpu.memory_space<semaphore_mem>>, %arg15: memref<!tpu.dma_semaphore, #tpu.memory_space<semaphore_mem>>, %arg16: memref<!tpu.dma_semaphore, #tpu.memory_space<semaphore_mem>>, %arg17: memref<!tpu.dma_semaphore, #tpu.memory_space<semaphore_mem>>, %arg18: memref<!tpu.dma_semaphore, #tpu.memory_space<semaphore_mem>>) attributes {dimension_semantics = [#tpu.dimension_semantics<core_parallel>, #tpu.dimension_semantics<subcore_parallel>], iteration_bounds = array<i64: 2, 16>, scalar_prefetch = 0 : i64, scratch_operands = 12 : i64, tpu.core_type = #tpu.core_type<sc_vector_subcore>, window_params = [{transform_indices = #map}, {transform_indices = #map}, {transform_indices = #map}, {transform_indices = #map}, {transform_indices = #map1}]} {
    %mul3A = arith.constant 2 : i32
    %mul3A_0 = arith.muli %arg1, %mul3A : i32
    %add3A = arith.addi %mul3A_0, %arg0 : i32
    %mul3A_1 = arith.constant 625 : i32
    %mul3A_2 = arith.muli %arg1, %mul3A_1 : i32
    %mul3A_3 = arith.constant 625 : i32
    %mul3A_4 = arith.muli %arg1, %mul3A_3 : i32
    "tpu.region"() ({
      %run_scoped3A = tpu.sem_alloc : memref<!tpu.dma_semaphore, #tpu.memory_space<semaphore_mem>>
      %dma_start3A = arith.constant 0 : i32
      %dma_start3A_32 = tpu.memref_slice %arg12[%mul3A_4, %dma_start3A] : memref<10000x16xf32, #tpu.memory_space<vmem_shared>> -> memref<625x16xf32, #tpu.memory_space<vmem_shared>>
      %dma_start3A_33 = arith.constant 0 : i32
      %dma_start3A_34 = tpu.memref_slice %arg2[%mul3A_2, %dma_start3A_33] : memref<10000x128xf32, #tpu.memory_space<hbm>> -> memref<625x16xf32, #tpu.memory_space<hbm>>
      tpu.enqueue_dma source(%dma_start3A_34 : memref<625x16xf32, #tpu.memory_space<hbm>>) target(%dma_start3A_32 : memref<625x16xf32, #tpu.memory_space<vmem_shared>>) target_semaphore(%run_scoped3A : memref<!tpu.dma_semaphore, #tpu.memory_space<semaphore_mem>>)
      %dma_wait3A_35 = arith.constant 0 : i32
      %dma_wait3A_36 = tpu.memref_slice %arg12[%mul3A_4, %dma_wait3A_35] : memref<10000x16xf32, #tpu.memory_space<vmem_shared>> -> memref<625x16xf32, #tpu.memory_space<vmem_shared>>
      %dma_wait3A_37 = arith.constant 0 : i32
      %dma_wait3A_38 = tpu.memref_slice %arg2[%mul3A_2, %dma_wait3A_37] : memref<10000x128xf32, #tpu.memory_space<hbm>> -> memref<625x16xf32, #tpu.memory_space<hbm>>
      tpu.wait_dma2 semaphore(%run_scoped3A : memref<!tpu.dma_semaphore, #tpu.memory_space<semaphore_mem>>) src(%dma_wait3A_38 : memref<625x16xf32, #tpu.memory_space<hbm>>) dst(%dma_wait3A_36 : memref<625x16xf32, #tpu.memory_space<vmem_shared>>)
      tpu.yield
    }) : () -> ()
    %mul3A_5 = arith.constant 625 : i32
    %mul3A_6 = arith.muli %arg1, %mul3A_5 : i32
    %mul3A_7 = arith.constant 625 : i32
    %mul3A_8 = arith.muli %arg1, %mul3A_7 : i32
    "tpu.region"() ({
      %run_scoped3A = tpu.sem_alloc : memref<!tpu.dma_semaphore, #tpu.memory_space<semaphore_mem>>
      %dma_start3A = arith.constant 0 : i32
      %dma_start3A_32 = tpu.memref_slice %arg13[%mul3A_8, %dma_start3A] : memref<10000x16xf32, #tpu.memory_space<vmem_shared>> -> memref<625x16xf32, #tpu.memory_space<vmem_shared>>
      %dma_start3A_33 = arith.constant 0 : i32
      %dma_start3A_34 = tpu.memref_slice %arg3[%mul3A_6, %dma_start3A_33] : memref<10000x128xf32, #tpu.memory_space<hbm>> -> memref<625x16xf32, #tpu.memory_space<hbm>>
      tpu.enqueue_dma source(%dma_start3A_34 : memref<625x16xf32, #tpu.memory_space<hbm>>) target(%dma_start3A_32 : memref<625x16xf32, #tpu.memory_space<vmem_shared>>) target_semaphore(%run_scoped3A : memref<!tpu.dma_semaphore, #tpu.memory_space<semaphore_mem>>)
      %dma_wait3A_35 = arith.constant 0 : i32
      %dma_wait3A_36 = tpu.memref_slice %arg13[%mul3A_8, %dma_wait3A_35] : memref<10000x16xf32, #tpu.memory_space<vmem_shared>> -> memref<625x16xf32, #tpu.memory_space<vmem_shared>>
      %dma_wait3A_37 = arith.constant 0 : i32
      %dma_wait3A_38 = tpu.memref_slice %arg3[%mul3A_6, %dma_wait3A_37] : memref<10000x128xf32, #tpu.memory_space<hbm>> -> memref<625x16xf32, #tpu.memory_space<hbm>>
      tpu.wait_dma2 semaphore(%run_scoped3A : memref<!tpu.dma_semaphore, #tpu.memory_space<semaphore_mem>>) src(%dma_wait3A_38 : memref<625x16xf32, #tpu.memory_space<hbm>>) dst(%dma_wait3A_36 : memref<625x16xf32, #tpu.memory_space<vmem_shared>>)
      tpu.yield
    }) : () -> ()
    %barrier3A = arith.constant 0 : index
    tpu.barrier barrier_id(%barrier3A)
    %lt3A = arith.constant 26 : i32
    %lt3A_9 = arith.cmpi slt, %add3A, %lt3A : i32
    %jit3A = arith.constant 8 : i32
    %jit3A_10 = arith.constant 7 : i32
    %select_n3A = arith.select %lt3A_9, %jit3A, %jit3A_10 : i32
    %iota3A = tpu.iota {dimensions = array<i32: 0>} : vector<16xi32>
    %lt3A_11 = arith.constant 8 : i32
    %lt3A_12 = vector.broadcast %lt3A_11 : i32 to vector<16xi32>
    %lt3A_13 = arith.cmpi slt, %iota3A, %lt3A_12 : vector<16xi32>
    %and3A = arith.constant 7 : i32
    %and3A_14 = vector.broadcast %and3A : i32 to vector<16xi32>
    %and3A_15 = arith.andi %iota3A, %and3A_14 : vector<16xi32>
    %mul3A_16 = arith.constant 128 : i32
    %mul3A_17 = vector.broadcast %mul3A_16 : i32 to vector<16xi32>
    %mul3A_18 = arith.muli %and3A_15, %mul3A_17 : vector<16xi32>
    %shift_right_logical3A = arith.constant 3 : i32
    %shift_right_logical3A_19 = vector.broadcast %shift_right_logical3A : i32 to vector<16xi32>
    %shift_right_logical3A_20 = arith.shrui %iota3A, %shift_right_logical3A_19 : vector<16xi32>
    %add3A_21 = arith.addi %mul3A_18, %shift_right_logical3A_20 : vector<16xi32>
    %gt3A = arith.constant 0 : i32
    %gt3A_22 = arith.cmpi sgt, %select_n3A, %gt3A : i32
    %convert_element_type3A = arith.extui %gt3A_22 : i1 to i32
    %cond3A = arith.constant 0 : i32
    %cond3A_23 = arith.cmpi ne, %convert_element_type3A, %cond3A : i32
    scf.if %cond3A_23 {
      %add3A_32 = arith.constant 0 : i32
      %add3A_33 = arith.addi %add3A, %add3A_32 : i32
      %mul3A_34 = arith.constant 10 : i32
      %mul3A_35 = arith.muli %add3A_33, %mul3A_34 : i32
      %run_scoped3A = arith.constant 0 : i32
      "tpu.region"() ({
        %run_scoped3A_436 = tpu.sem_alloc : memref<!tpu.dma_semaphore, #tpu.memory_space<semaphore_mem>>
        %dma_start3A_437 = arith.constant 0 : i32
        %dma_start3A_438 = arith.constant 0 : i32
        %dma_start3A_439 = tpu.memref_slice %arg7[%run_scoped3A, %dma_start3A_437, %dma_start3A_438] : memref<2x10x128xi32, #tpu.memory_space<vmem>> -> memref<1x10x128xi32, #tpu.memory_space<vmem>>
        %dma_start3A_440 = tpu.memref_squeeze %dma_start3A_439 : memref<1x10x128xi32, #tpu.memory_space<vmem>> -> memref<10x128xi32, #tpu.memory_space<vmem>>
        %dma_start3A_441 = arith.constant 0 : i32
        %dma_start3A_442 = tpu.memref_slice %arg4[%mul3A_35, %dma_start3A_441] : memref<2500x128xi32, #tpu.memory_space<hbm>> -> memref<10x128xi32, #tpu.memory_space<hbm>>
        %dma_start3A_443 = arith.constant 0 : i32
        %dma_start3A_444 = arith.constant 0 : i32
        %dma_start3A_445 = tpu.memref_slice %arg7[%run_scoped3A, %dma_start3A_443, %dma_start3A_444] : memref<2x10x128xi32, #tpu.memory_space<vmem>> -> memref<1x10x128xi32, #tpu.memory_space<vmem>>
        %dma_start3A_446 = tpu.memref_squeeze %dma_start3A_445 : memref<1x10x128xi32, #tpu.memory_space<vmem>> -> memref<10x128xi32, #tpu.memory_space<vmem>>
        %dma_start3A_447 = arith.constant 0 : i32
        %dma_start3A_448 = tpu.memref_slice %arg4[%mul3A_35, %dma_start3A_447] : memref<2500x128xi32, #tpu.memory_space<hbm>> -> memref<10x128xi32, #tpu.memory_space<hbm>>
        tpu.enqueue_dma source(%dma_start3A_448 : memref<10x128xi32, #tpu.memory_space<hbm>>) target(%dma_start3A_446 : memref<10x128xi32, #tpu.memory_space<vmem>>) target_semaphore(%run_scoped3A_436 : memref<!tpu.dma_semaphore, #tpu.memory_space<semaphore_mem>>)
        %dma_wait3A_449 = arith.constant 0 : i32
        %dma_wait3A_450 = arith.constant 0 : i32
        %dma_wait3A_451 = tpu.memref_slice %arg7[%run_scoped3A, %dma_wait3A_449, %dma_wait3A_450] : memref<2x10x128xi32, #tpu.memory_space<vmem>> -> memref<1x10x128xi32, #tpu.memory_space<vmem>>
        %dma_wait3A_452 = tpu.memref_squeeze %dma_wait3A_451 : memref<1x10x128xi32, #tpu.memory_space<vmem>> -> memref<10x128xi32, #tpu.memory_space<vmem>>
        %dma_wait3A_453 = arith.constant 0 : i32
        %dma_wait3A_454 = tpu.memref_slice %arg4[%mul3A_35, %dma_wait3A_453] : memref<2500x128xi32, #tpu.memory_space<hbm>> -> memref<10x128xi32, #tpu.memory_space<hbm>>
        %dma_wait3A_455 = arith.constant 0 : i32
        %dma_wait3A_456 = arith.constant 0 : i32
        %dma_wait3A_457 = tpu.memref_slice %arg7[%run_scoped3A, %dma_wait3A_455, %dma_wait3A_456] : memref<2x10x128xi32, #tpu.memory_space<vmem>> -> memref<1x10x128xi32, #tpu.memory_space<vmem>>
        %dma_wait3A_458 = tpu.memref_squeeze %dma_wait3A_457 : memref<1x10x128xi32, #tpu.memory_space<vmem>> -> memref<10x128xi32, #tpu.memory_space<vmem>>
        %dma_wait3A_459 = arith.constant 0 : i32
        %dma_wait3A_460 = tpu.memref_slice %arg4[%mul3A_35, %dma_wait3A_459] : memref<2500x128xi32, #tpu.memory_space<hbm>> -> memref<10x128xi32, #tpu.memory_space<hbm>>
        tpu.wait_dma2 semaphore(%run_scoped3A_436 : memref<!tpu.dma_semaphore, #tpu.memory_space<semaphore_mem>>) src(%dma_wait3A_460 : memref<10x128xi32, #tpu.memory_space<hbm>>) dst(%dma_wait3A_458 : memref<10x128xi32, #tpu.memory_space<vmem>>)
        tpu.yield
      }) : () -> ()
      %run_scoped3A_36 = arith.constant 0 : i32
      "tpu.region"() ({
        %run_scoped3A_436 = tpu.sem_alloc : memref<!tpu.dma_semaphore, #tpu.memory_space<semaphore_mem>>
        %dma_start3A_437 = arith.constant 0 : i32
        %dma_start3A_438 = arith.constant 0 : i32
        %dma_start3A_439 = tpu.memref_slice %arg8[%run_scoped3A_36, %dma_start3A_437, %dma_start3A_438] : memref<2x10x128xi32, #tpu.memory_space<vmem>> -> memref<1x10x128xi32, #tpu.memory_space<vmem>>
        %dma_start3A_440 = tpu.memref_squeeze %dma_start3A_439 : memref<1x10x128xi32, #tpu.memory_space<vmem>> -> memref<10x128xi32, #tpu.memory_space<vmem>>
        %dma_start3A_441 = arith.constant 0 : i32
        %dma_start3A_442 = tpu.memref_slice %arg5[%mul3A_35, %dma_start3A_441] : memref<2500x128xi32, #tpu.memory_space<hbm>> -> memref<10x128xi32, #tpu.memory_space<hbm>>
        %dma_start3A_443 = arith.constant 0 : i32
        %dma_start3A_444 = arith.constant 0 : i32
        %dma_start3A_445 = tpu.memref_slice %arg8[%run_scoped3A_36, %dma_start3A_443, %dma_start3A_444] : memref<2x10x128xi32, #tpu.memory_space<vmem>> -> memref<1x10x128xi32, #tpu.memory_space<vmem>>
        %dma_start3A_446 = tpu.memref_squeeze %dma_start3A_445 : memref<1x10x128xi32, #tpu.memory_space<vmem>> -> memref<10x128xi32, #tpu.memory_space<vmem>>
        %dma_start3A_447 = arith.constant 0 : i32
        %dma_start3A_448 = tpu.memref_slice %arg5[%mul3A_35, %dma_start3A_447] : memref<2500x128xi32, #tpu.memory_space<hbm>> -> memref<10x128xi32, #tpu.memory_space<hbm>>
        tpu.enqueue_dma source(%dma_start3A_448 : memref<10x128xi32, #tpu.memory_space<hbm>>) target(%dma_start3A_446 : memref<10x128xi32, #tpu.memory_space<vmem>>) target_semaphore(%run_scoped3A_436 : memref<!tpu.dma_semaphore, #tpu.memory_space<semaphore_mem>>)
        %dma_wait3A_449 = arith.constant 0 : i32
        %dma_wait3A_450 = arith.constant 0 : i32
        %dma_wait3A_451 = tpu.memref_slice %arg8[%run_scoped3A_36, %dma_wait3A_449, %dma_wait3A_450] : memref<2x10x128xi32, #tpu.memory_space<vmem>> -> memref<1x10x128xi32, #tpu.memory_space<vmem>>
        %dma_wait3A_452 = tpu.memref_squeeze %dma_wait3A_451 : memref<1x10x128xi32, #tpu.memory_space<vmem>> -> memref<10x128xi32, #tpu.memory_space<vmem>>
        %dma_wait3A_453 = arith.constant 0 : i32
        %dma_wait3A_454 = tpu.memref_slice %arg5[%mul3A_35, %dma_wait3A_453] : memref<2500x128xi32, #tpu.memory_space<hbm>> -> memref<10x128xi32, #tpu.memory_space<hbm>>
        %dma_wait3A_455 = arith.constant 0 : i32
        %dma_wait3A_456 = arith.constant 0 : i32
        %dma_wait3A_457 = tpu.memref_slice %arg8[%run_scoped3A_36, %dma_wait3A_455, %dma_wait3A_456] : memref<2x10x128xi32, #tpu.memory_space<vmem>> -> memref<1x10x128xi32, #tpu.memory_space<vmem>>
        %dma_wait3A_458 = tpu.memref_squeeze %dma_wait3A_457 : memref<1x10x128xi32, #tpu.memory_space<vmem>> -> memref<10x128xi32, #tpu.memory_space<vmem>>
        %dma_wait3A_459 = arith.constant 0 : i32
        %dma_wait3A_460 = tpu.memref_slice %arg5[%mul3A_35, %dma_wait3A_459] : memref<2500x128xi32, #tpu.memory_space<hbm>> -> memref<10x128xi32, #tpu.memory_space<hbm>>
        tpu.wait_dma2 semaphore(%run_scoped3A_436 : memref<!tpu.dma_semaphore, #tpu.memory_space<semaphore_mem>>) src(%dma_wait3A_460 : memref<10x128xi32, #tpu.memory_space<hbm>>) dst(%dma_wait3A_458 : memref<10x128xi32, #tpu.memory_space<vmem>>)
        tpu.yield
      }) : () -> ()
      %dma_start3A = arith.constant 0 : i32
      %dma_start3A_37 = arith.constant 0 : i32
      %dma_start3A_38 = arith.constant 0 : i32
      %dma_start3A_39 = arith.constant 0 : i32
      %dma_start3A_40 = arith.constant 0 : i32
      %dma_start3A_41 = tpu.memref_slice %arg9[%dma_start3A_38, %dma_start3A_39, %dma_start3A_40] : memref<2x1280x16xf32, #tpu.memory_space<vmem>> -> memref<1x1280x16xf32, #tpu.memory_space<vmem>>
      %dma_start3A_42 = tpu.memref_squeeze %dma_start3A_41 : memref<1x1280x16xf32, #tpu.memory_space<vmem>> -> memref<1280x16xf32, #tpu.memory_space<vmem>>
      %dma_start3A_43 = arith.constant 0 : i32
      %dma_start3A_44 = arith.constant 0 : i32
      %dma_start3A_45 = tpu.memref_slice %dma_start3A_42[%dma_start3A_43, %dma_start3A_44] : memref<1280x16xf32, #tpu.memory_space<vmem>> -> memref<128x16xf32, #tpu.memory_space<vmem>>
      %dma_start3A_46 = arith.constant 0 : i32
      %dma_start3A_47 = arith.constant 0 : i32
      %dma_start3A_48 = tpu.memref_slice %arg7[%dma_start3A, %dma_start3A_46, %dma_start3A_47] : memref<2x10x128xi32, #tpu.memory_space<vmem>> -> memref<1x10x128xi32, #tpu.memory_space<vmem>>
      %dma_start3A_49 = tpu.memref_squeeze %dma_start3A_48 : memref<1x10x128xi32, #tpu.memory_space<vmem>> -> memref<10x128xi32, #tpu.memory_space<vmem>>
      %dma_start3A_50 = arith.constant 0 : i32
      %dma_start3A_51 = tpu.memref_slice %dma_start3A_49[%dma_start3A_37, %dma_start3A_50] : memref<10x128xi32, #tpu.memory_space<vmem>> -> memref<1x128xi32, #tpu.memory_space<vmem>>
      %dma_start3A_52 = tpu.memref_squeeze %dma_start3A_51 : memref<1x128xi32, #tpu.memory_space<vmem>> -> memref<128xi32, #tpu.memory_space<vmem>>
      %dma_start3A_53 = arith.constant 0 : i32
      %dma_start3A_54 = arith.constant 0 : i32
      %dma_start3A_55 = tpu.memref_slice %arg12[%dma_start3A_53, %dma_start3A_54] : memref<10000x16xf32, #tpu.memory_space<vmem_shared>> -> memref<10000x16xf32, #tpu.memory_space<vmem_shared>>
      tpu.enqueue_indirect_dma source(%dma_start3A_55 : memref<10000x16xf32, #tpu.memory_space<vmem_shared>>) target(%dma_start3A_45 : memref<128x16xf32, #tpu.memory_space<vmem>>) offsets(%dma_start3A_52 : memref<128xi32, #tpu.memory_space<vmem>>) semaphore(%arg14 : memref<!tpu.dma_semaphore, #tpu.memory_space<semaphore_mem>>)
      %dma_start3A_56 = arith.constant 0 : i32
      %dma_start3A_57 = arith.constant 0 : i32
      %dma_start3A_58 = arith.constant 0 : i32
      %dma_start3A_59 = arith.constant 0 : i32
      %dma_start3A_60 = arith.constant 0 : i32
      %dma_start3A_61 = tpu.memref_slice %arg10[%dma_start3A_58, %dma_start3A_59, %dma_start3A_60] : memref<2x1280x16xf32, #tpu.memory_space<vmem>> -> memref<1x1280x16xf32, #tpu.memory_space<vmem>>
      %dma_start3A_62 = tpu.memref_squeeze %dma_start3A_61 : memref<1x1280x16xf32, #tpu.memory_space<vmem>> -> memref<1280x16xf32, #tpu.memory_space<vmem>>
      %dma_start3A_63 = arith.constant 0 : i32
      %dma_start3A_64 = arith.constant 0 : i32
      %dma_start3A_65 = tpu.memref_slice %dma_start3A_62[%dma_start3A_63, %dma_start3A_64] : memref<1280x16xf32, #tpu.memory_space<vmem>> -> memref<128x16xf32, #tpu.memory_space<vmem>>
      %dma_start3A_66 = arith.constant 0 : i32
      %dma_start3A_67 = arith.constant 0 : i32
      %dma_start3A_68 = tpu.memref_slice %arg8[%dma_start3A_56, %dma_start3A_66, %dma_start3A_67] : memref<2x10x128xi32, #tpu.memory_space<vmem>> -> memref<1x10x128xi32, #tpu.memory_space<vmem>>
      %dma_start3A_69 = tpu.memref_squeeze %dma_start3A_68 : memref<1x10x128xi32, #tpu.memory_space<vmem>> -> memref<10x128xi32, #tpu.memory_space<vmem>>
      %dma_start3A_70 = arith.constant 0 : i32
      %dma_start3A_71 = tpu.memref_slice %dma_start3A_69[%dma_start3A_57, %dma_start3A_70] : memref<10x128xi32, #tpu.memory_space<vmem>> -> memref<1x128xi32, #tpu.memory_space<vmem>>
      %dma_start3A_72 = tpu.memref_squeeze %dma_start3A_71 : memref<1x128xi32, #tpu.memory_space<vmem>> -> memref<128xi32, #tpu.memory_space<vmem>>
      %dma_start3A_73 = arith.constant 0 : i32
      %dma_start3A_74 = arith.constant 0 : i32
      %dma_start3A_75 = tpu.memref_slice %arg13[%dma_start3A_73, %dma_start3A_74] : memref<10000x16xf32, #tpu.memory_space<vmem_shared>> -> memref<10000x16xf32, #tpu.memory_space<vmem_shared>>
      tpu.enqueue_indirect_dma source(%dma_start3A_75 : memref<10000x16xf32, #tpu.memory_space<vmem_shared>>) target(%dma_start3A_65 : memref<128x16xf32, #tpu.memory_space<vmem>>) offsets(%dma_start3A_72 : memref<128xi32, #tpu.memory_space<vmem>>) semaphore(%arg16 : memref<!tpu.dma_semaphore, #tpu.memory_space<semaphore_mem>>)
      %dma_start3A_76 = arith.constant 0 : i32
      %dma_start3A_77 = arith.constant 1 : i32
      %dma_start3A_78 = arith.constant 0 : i32
      %dma_start3A_79 = arith.constant 0 : i32
      %dma_start3A_80 = arith.constant 0 : i32
      %dma_start3A_81 = tpu.memref_slice %arg9[%dma_start3A_78, %dma_start3A_79, %dma_start3A_80] : memref<2x1280x16xf32, #tpu.memory_space<vmem>> -> memref<1x1280x16xf32, #tpu.memory_space<vmem>>
      %dma_start3A_82 = tpu.memref_squeeze %dma_start3A_81 : memref<1x1280x16xf32, #tpu.memory_space<vmem>> -> memref<1280x16xf32, #tpu.memory_space<vmem>>
      %dma_start3A_83 = arith.constant 128 : i32
      %dma_start3A_84 = arith.constant 0 : i32
      %dma_start3A_85 = tpu.memref_slice %dma_start3A_82[%dma_start3A_83, %dma_start3A_84] : memref<1280x16xf32, #tpu.memory_space<vmem>> -> memref<128x16xf32, #tpu.memory_space<vmem>>
      %dma_start3A_86 = arith.constant 0 : i32
      %dma_start3A_87 = arith.constant 0 : i32
      %dma_start3A_88 = tpu.memref_slice %arg7[%dma_start3A_76, %dma_start3A_86, %dma_start3A_87] : memref<2x10x128xi32, #tpu.memory_space<vmem>> -> memref<1x10x128xi32, #tpu.memory_space<vmem>>
      %dma_start3A_89 = tpu.memref_squeeze %dma_start3A_88 : memref<1x10x128xi32, #tpu.memory_space<vmem>> -> memref<10x128xi32, #tpu.memory_space<vmem>>
      %dma_start3A_90 = arith.constant 0 : i32
      %dma_start3A_91 = tpu.memref_slice %dma_start3A_89[%dma_start3A_77, %dma_start3A_90] : memref<10x128xi32, #tpu.memory_space<vmem>> -> memref<1x128xi32, #tpu.memory_space<vmem>>
      %dma_start3A_92 = tpu.memref_squeeze %dma_start3A_91 : memref<1x128xi32, #tpu.memory_space<vmem>> -> memref<128xi32, #tpu.memory_space<vmem>>
      %dma_start3A_93 = arith.constant 0 : i32
      %dma_start3A_94 = arith.constant 0 : i32
      %dma_start3A_95 = tpu.memref_slice %arg12[%dma_start3A_93, %dma_start3A_94] : memref<10000x16xf32, #tpu.memory_space<vmem_shared>> -> memref<10000x16xf32, #tpu.memory_space<vmem_shared>>
      tpu.enqueue_indirect_dma source(%dma_start3A_95 : memref<10000x16xf32, #tpu.memory_space<vmem_shared>>) target(%dma_start3A_85 : memref<128x16xf32, #tpu.memory_space<vmem>>) offsets(%dma_start3A_92 : memref<128xi32, #tpu.memory_space<vmem>>) semaphore(%arg14 : memref<!tpu.dma_semaphore, #tpu.memory_space<semaphore_mem>>)
      %dma_start3A_96 = arith.constant 0 : i32
      %dma_start3A_97 = arith.constant 1 : i32
      %dma_start3A_98 = arith.constant 0 : i32
      %dma_start3A_99 = arith.constant 0 : i32
      %dma_start3A_100 = arith.constant 0 : i32
      %dma_start3A_101 = tpu.memref_slice %arg10[%dma_start3A_98, %dma_start3A_99, %dma_start3A_100] : memref<2x1280x16xf32, #tpu.memory_space<vmem>> -> memref<1x1280x16xf32, #tpu.memory_space<vmem>>
      %dma_start3A_102 = tpu.memref_squeeze %dma_start3A_101 : memref<1x1280x16xf32, #tpu.memory_space<vmem>> -> memref<1280x16xf32, #tpu.memory_space<vmem>>
      %dma_start3A_103 = arith.constant 128 : i32
      %dma_start3A_104 = arith.constant 0 : i32
      %dma_start3A_105 = tpu.memref_slice %dma_start3A_102[%dma_start3A_103, %dma_start3A_104] : memref<1280x16xf32, #tpu.memory_space<vmem>> -> memref<128x16xf32, #tpu.memory_space<vmem>>
      %dma_start3A_106 = arith.constant 0 : i32
      %dma_start3A_107 = arith.constant 0 : i32
      %dma_start3A_108 = tpu.memref_slice %arg8[%dma_start3A_96, %dma_start3A_106, %dma_start3A_107] : memref<2x10x128xi32, #tpu.memory_space<vmem>> -> memref<1x10x128xi32, #tpu.memory_space<vmem>>
      %dma_start3A_109 = tpu.memref_squeeze %dma_start3A_108 : memref<1x10x128xi32, #tpu.memory_space<vmem>> -> memref<10x128xi32, #tpu.memory_space<vmem>>
      %dma_start3A_110 = arith.constant 0 : i32
      %dma_start3A_111 = tpu.memref_slice %dma_start3A_109[%dma_start3A_97, %dma_start3A_110] : memref<10x128xi32, #tpu.memory_space<vmem>> -> memref<1x128xi32, #tpu.memory_space<vmem>>
      %dma_start3A_112 = tpu.memref_squeeze %dma_start3A_111 : memref<1x128xi32, #tpu.memory_space<vmem>> -> memref<128xi32, #tpu.memory_space<vmem>>
      %dma_start3A_113 = arith.constant 0 : i32
      %dma_start3A_114 = arith.constant 0 : i32
      %dma_start3A_115 = tpu.memref_slice %arg13[%dma_start3A_113, %dma_start3A_114] : memref<10000x16xf32, #tpu.memory_space<vmem_shared>> -> memref<10000x16xf32, #tpu.memory_space<vmem_shared>>
      tpu.enqueue_indirect_dma source(%dma_start3A_115 : memref<10000x16xf32, #tpu.memory_space<vmem_shared>>) target(%dma_start3A_105 : memref<128x16xf32, #tpu.memory_space<vmem>>) offsets(%dma_start3A_112 : memref<128xi32, #tpu.memory_space<vmem>>) semaphore(%arg16 : memref<!tpu.dma_semaphore, #tpu.memory_space<semaphore_mem>>)
      %dma_start3A_116 = arith.constant 0 : i32
      %dma_start3A_117 = arith.constant 2 : i32
      %dma_start3A_118 = arith.constant 0 : i32
      %dma_start3A_119 = arith.constant 0 : i32
      %dma_start3A_120 = arith.constant 0 : i32
      %dma_start3A_121 = tpu.memref_slice %arg9[%dma_start3A_118, %dma_start3A_119, %dma_start3A_120] : memref<2x1280x16xf32, #tpu.memory_space<vmem>> -> memref<1x1280x16xf32, #tpu.memory_space<vmem>>
      %dma_start3A_122 = tpu.memref_squeeze %dma_start3A_121 : memref<1x1280x16xf32, #tpu.memory_space<vmem>> -> memref<1280x16xf32, #tpu.memory_space<vmem>>
      %dma_start3A_123 = arith.constant 256 : i32
      %dma_start3A_124 = arith.constant 0 : i32
      %dma_start3A_125 = tpu.memref_slice %dma_start3A_122[%dma_start3A_123, %dma_start3A_124] : memref<1280x16xf32, #tpu.memory_space<vmem>> -> memref<128x16xf32, #tpu.memory_space<vmem>>
      %dma_start3A_126 = arith.constant 0 : i32
      %dma_start3A_127 = arith.constant 0 : i32
      %dma_start3A_128 = tpu.memref_slice %arg7[%dma_start3A_116, %dma_start3A_126, %dma_start3A_127] : memref<2x10x128xi32, #tpu.memory_space<vmem>> -> memref<1x10x128xi32, #tpu.memory_space<vmem>>
      %dma_start3A_129 = tpu.memref_squeeze %dma_start3A_128 : memref<1x10x128xi32, #tpu.memory_space<vmem>> -> memref<10x128xi32, #tpu.memory_space<vmem>>
      %dma_start3A_130 = arith.constant 0 : i32
      %dma_start3A_131 = tpu.memref_slice %dma_start3A_129[%dma_start3A_117, %dma_start3A_130] : memref<10x128xi32, #tpu.memory_space<vmem>> -> memref<1x128xi32, #tpu.memory_space<vmem>>
      %dma_start3A_132 = tpu.memref_squeeze %dma_start3A_131 : memref<1x128xi32, #tpu.memory_space<vmem>> -> memref<128xi32, #tpu.memory_space<vmem>>
      %dma_start3A_133 = arith.constant 0 : i32
      %dma_start3A_134 = arith.constant 0 : i32
      %dma_start3A_135 = tpu.memref_slice %arg12[%dma_start3A_133, %dma_start3A_134] : memref<10000x16xf32, #tpu.memory_space<vmem_shared>> -> memref<10000x16xf32, #tpu.memory_space<vmem_shared>>
      tpu.enqueue_indirect_dma source(%dma_start3A_135 : memref<10000x16xf32, #tpu.memory_space<vmem_shared>>) target(%dma_start3A_125 : memref<128x16xf32, #tpu.memory_space<vmem>>) offsets(%dma_start3A_132 : memref<128xi32, #tpu.memory_space<vmem>>) semaphore(%arg14 : memref<!tpu.dma_semaphore, #tpu.memory_space<semaphore_mem>>)
      %dma_start3A_136 = arith.constant 0 : i32
      %dma_start3A_137 = arith.constant 2 : i32
      %dma_start3A_138 = arith.constant 0 : i32
      %dma_start3A_139 = arith.constant 0 : i32
      %dma_start3A_140 = arith.constant 0 : i32
      %dma_start3A_141 = tpu.memref_slice %arg10[%dma_start3A_138, %dma_start3A_139, %dma_start3A_140] : memref<2x1280x16xf32, #tpu.memory_space<vmem>> -> memref<1x1280x16xf32, #tpu.memory_space<vmem>>
      %dma_start3A_142 = tpu.memref_squeeze %dma_start3A_141 : memref<1x1280x16xf32, #tpu.memory_space<vmem>> -> memref<1280x16xf32, #tpu.memory_space<vmem>>
      %dma_start3A_143 = arith.constant 256 : i32
      %dma_start3A_144 = arith.constant 0 : i32
      %dma_start3A_145 = tpu.memref_slice %dma_start3A_142[%dma_start3A_143, %dma_start3A_144] : memref<1280x16xf32, #tpu.memory_space<vmem>> -> memref<128x16xf32, #tpu.memory_space<vmem>>
      %dma_start3A_146 = arith.constant 0 : i32
      %dma_start3A_147 = arith.constant 0 : i32
      %dma_start3A_148 = tpu.memref_slice %arg8[%dma_start3A_136, %dma_start3A_146, %dma_start3A_147] : memref<2x10x128xi32, #tpu.memory_space<vmem>> -> memref<1x10x128xi32, #tpu.memory_space<vmem>>
      %dma_start3A_149 = tpu.memref_squeeze %dma_start3A_148 : memref<1x10x128xi32, #tpu.memory_space<vmem>> -> memref<10x128xi32, #tpu.memory_space<vmem>>
      %dma_start3A_150 = arith.constant 0 : i32
      %dma_start3A_151 = tpu.memref_slice %dma_start3A_149[%dma_start3A_137, %dma_start3A_150] : memref<10x128xi32, #tpu.memory_space<vmem>> -> memref<1x128xi32, #tpu.memory_space<vmem>>
      %dma_start3A_152 = tpu.memref_squeeze %dma_start3A_151 : memref<1x128xi32, #tpu.memory_space<vmem>> -> memref<128xi32, #tpu.memory_space<vmem>>
      %dma_start3A_153 = arith.constant 0 : i32
      %dma_start3A_154 = arith.constant 0 : i32
      %dma_start3A_155 = tpu.memref_slice %arg13[%dma_start3A_153, %dma_start3A_154] : memref<10000x16xf32, #tpu.memory_space<vmem_shared>> -> memref<10000x16xf32, #tpu.memory_space<vmem_shared>>
      tpu.enqueue_indirect_dma source(%dma_start3A_155 : memref<10000x16xf32, #tpu.memory_space<vmem_shared>>) target(%dma_start3A_145 : memref<128x16xf32, #tpu.memory_space<vmem>>) offsets(%dma_start3A_152 : memref<128xi32, #tpu.memory_space<vmem>>) semaphore(%arg16 : memref<!tpu.dma_semaphore, #tpu.memory_space<semaphore_mem>>)
      %dma_start3A_156 = arith.constant 0 : i32
      %dma_start3A_157 = arith.constant 3 : i32
      %dma_start3A_158 = arith.constant 0 : i32
      %dma_start3A_159 = arith.constant 0 : i32
      %dma_start3A_160 = arith.constant 0 : i32
      %dma_start3A_161 = tpu.memref_slice %arg9[%dma_start3A_158, %dma_start3A_159, %dma_start3A_160] : memref<2x1280x16xf32, #tpu.memory_space<vmem>> -> memref<1x1280x16xf32, #tpu.memory_space<vmem>>
      %dma_start3A_162 = tpu.memref_squeeze %dma_start3A_161 : memref<1x1280x16xf32, #tpu.memory_space<vmem>> -> memref<1280x16xf32, #tpu.memory_space<vmem>>
      %dma_start3A_163 = arith.constant 384 : i32
      %dma_start3A_164 = arith.constant 0 : i32
      %dma_start3A_165 = tpu.memref_slice %dma_start3A_162[%dma_start3A_163, %dma_start3A_164] : memref<1280x16xf32, #tpu.memory_space<vmem>> -> memref<128x16xf32, #tpu.memory_space<vmem>>
      %dma_start3A_166 = arith.constant 0 : i32
      %dma_start3A_167 = arith.constant 0 : i32
      %dma_start3A_168 = tpu.memref_slice %arg7[%dma_start3A_156, %dma_start3A_166, %dma_start3A_167] : memref<2x10x128xi32, #tpu.memory_space<vmem>> -> memref<1x10x128xi32, #tpu.memory_space<vmem>>
      %dma_start3A_169 = tpu.memref_squeeze %dma_start3A_168 : memref<1x10x128xi32, #tpu.memory_space<vmem>> -> memref<10x128xi32, #tpu.memory_space<vmem>>
      %dma_start3A_170 = arith.constant 0 : i32
      %dma_start3A_171 = tpu.memref_slice %dma_start3A_169[%dma_start3A_157, %dma_start3A_170] : memref<10x128xi32, #tpu.memory_space<vmem>> -> memref<1x128xi32, #tpu.memory_space<vmem>>
      %dma_start3A_172 = tpu.memref_squeeze %dma_start3A_171 : memref<1x128xi32, #tpu.memory_space<vmem>> -> memref<128xi32, #tpu.memory_space<vmem>>
      %dma_start3A_173 = arith.constant 0 : i32
      %dma_start3A_174 = arith.constant 0 : i32
      %dma_start3A_175 = tpu.memref_slice %arg12[%dma_start3A_173, %dma_start3A_174] : memref<10000x16xf32, #tpu.memory_space<vmem_shared>> -> memref<10000x16xf32, #tpu.memory_space<vmem_shared>>
      tpu.enqueue_indirect_dma source(%dma_start3A_175 : memref<10000x16xf32, #tpu.memory_space<vmem_shared>>) target(%dma_start3A_165 : memref<128x16xf32, #tpu.memory_space<vmem>>) offsets(%dma_start3A_172 : memref<128xi32, #tpu.memory_space<vmem>>) semaphore(%arg14 : memref<!tpu.dma_semaphore, #tpu.memory_space<semaphore_mem>>)
      %dma_start3A_176 = arith.constant 0 : i32
      %dma_start3A_177 = arith.constant 3 : i32
      %dma_start3A_178 = arith.constant 0 : i32
      %dma_start3A_179 = arith.constant 0 : i32
      %dma_start3A_180 = arith.constant 0 : i32
      %dma_start3A_181 = tpu.memref_slice %arg10[%dma_start3A_178, %dma_start3A_179, %dma_start3A_180] : memref<2x1280x16xf32, #tpu.memory_space<vmem>> -> memref<1x1280x16xf32, #tpu.memory_space<vmem>>
      %dma_start3A_182 = tpu.memref_squeeze %dma_start3A_181 : memref<1x1280x16xf32, #tpu.memory_space<vmem>> -> memref<1280x16xf32, #tpu.memory_space<vmem>>
      %dma_start3A_183 = arith.constant 384 : i32
      %dma_start3A_184 = arith.constant 0 : i32
      %dma_start3A_185 = tpu.memref_slice %dma_start3A_182[%dma_start3A_183, %dma_start3A_184] : memref<1280x16xf32, #tpu.memory_space<vmem>> -> memref<128x16xf32, #tpu.memory_space<vmem>>
      %dma_start3A_186 = arith.constant 0 : i32
      %dma_start3A_187 = arith.constant 0 : i32
      %dma_start3A_188 = tpu.memref_slice %arg8[%dma_start3A_176, %dma_start3A_186, %dma_start3A_187] : memref<2x10x128xi32, #tpu.memory_space<vmem>> -> memref<1x10x128xi32, #tpu.memory_space<vmem>>
      %dma_start3A_189 = tpu.memref_squeeze %dma_start3A_188 : memref<1x10x128xi32, #tpu.memory_space<vmem>> -> memref<10x128xi32, #tpu.memory_space<vmem>>
      %dma_start3A_190 = arith.constant 0 : i32
      %dma_start3A_191 = tpu.memref_slice %dma_start3A_189[%dma_start3A_177, %dma_start3A_190] : memref<10x128xi32, #tpu.memory_space<vmem>> -> memref<1x128xi32, #tpu.memory_space<vmem>>
      %dma_start3A_192 = tpu.memref_squeeze %dma_start3A_191 : memref<1x128xi32, #tpu.memory_space<vmem>> -> memref<128xi32, #tpu.memory_space<vmem>>
      %dma_start3A_193 = arith.constant 0 : i32
      %dma_start3A_194 = arith.constant 0 : i32
      %dma_start3A_195 = tpu.memref_slice %arg13[%dma_start3A_193, %dma_start3A_194] : memref<10000x16xf32, #tpu.memory_space<vmem_shared>> -> memref<10000x16xf32, #tpu.memory_space<vmem_shared>>
      tpu.enqueue_indirect_dma source(%dma_start3A_195 : memref<10000x16xf32, #tpu.memory_space<vmem_shared>>) target(%dma_start3A_185 : memref<128x16xf32, #tpu.memory_space<vmem>>) offsets(%dma_start3A_192 : memref<128xi32, #tpu.memory_space<vmem>>) semaphore(%arg16 : memref<!tpu.dma_semaphore, #tpu.memory_space<semaphore_mem>>)
      %dma_start3A_196 = arith.constant 0 : i32
      %dma_start3A_197 = arith.constant 4 : i32
      %dma_start3A_198 = arith.constant 0 : i32
      %dma_start3A_199 = arith.constant 0 : i32
      %dma_start3A_200 = arith.constant 0 : i32
      %dma_start3A_201 = tpu.memref_slice %arg9[%dma_start3A_198, %dma_start3A_199, %dma_start3A_200] : memref<2x1280x16xf32, #tpu.memory_space<vmem>> -> memref<1x1280x16xf32, #tpu.memory_space<vmem>>
      %dma_start3A_202 = tpu.memref_squeeze %dma_start3A_201 : memref<1x1280x16xf32, #tpu.memory_space<vmem>> -> memref<1280x16xf32, #tpu.memory_space<vmem>>
      %dma_start3A_203 = arith.constant 512 : i32
      %dma_start3A_204 = arith.constant 0 : i32
      %dma_start3A_205 = tpu.memref_slice %dma_start3A_202[%dma_start3A_203, %dma_start3A_204] : memref<1280x16xf32, #tpu.memory_space<vmem>> -> memref<128x16xf32, #tpu.memory_space<vmem>>
      %dma_start3A_206 = arith.constant 0 : i32
      %dma_start3A_207 = arith.constant 0 : i32
      %dma_start3A_208 = tpu.memref_slice %arg7[%dma_start3A_196, %dma_start3A_206, %dma_start3A_207] : memref<2x10x128xi32, #tpu.memory_space<vmem>> -> memref<1x10x128xi32, #tpu.memory_space<vmem>>
      %dma_start3A_209 = tpu.memref_squeeze %dma_start3A_208 : memref<1x10x128xi32, #tpu.memory_space<vmem>> -> memref<10x128xi32, #tpu.memory_space<vmem>>
      %dma_start3A_210 = arith.constant 0 : i32
      %dma_start3A_211 = tpu.memref_slice %dma_start3A_209[%dma_start3A_197, %dma_start3A_210] : memref<10x128xi32, #tpu.memory_space<vmem>> -> memref<1x128xi32, #tpu.memory_space<vmem>>
      %dma_start3A_212 = tpu.memref_squeeze %dma_start3A_211 : memref<1x128xi32, #tpu.memory_space<vmem>> -> memref<128xi32, #tpu.memory_space<vmem>>
      %dma_start3A_213 = arith.constant 0 : i32
      %dma_start3A_214 = arith.constant 0 : i32
      %dma_start3A_215 = tpu.memref_slice %arg12[%dma_start3A_213, %dma_start3A_214] : memref<10000x16xf32, #tpu.memory_space<vmem_shared>> -> memref<10000x16xf32, #tpu.memory_space<vmem_shared>>
      tpu.enqueue_indirect_dma source(%dma_start3A_215 : memref<10000x16xf32, #tpu.memory_space<vmem_shared>>) target(%dma_start3A_205 : memref<128x16xf32, #tpu.memory_space<vmem>>) offsets(%dma_start3A_212 : memref<128xi32, #tpu.memory_space<vmem>>) semaphore(%arg14 : memref<!tpu.dma_semaphore, #tpu.memory_space<semaphore_mem>>)
      %dma_start3A_216 = arith.constant 0 : i32
      %dma_start3A_217 = arith.constant 4 : i32
      %dma_start3A_218 = arith.constant 0 : i32
      %dma_start3A_219 = arith.constant 0 : i32
      %dma_start3A_220 = arith.constant 0 : i32
      %dma_start3A_221 = tpu.memref_slice %arg10[%dma_start3A_218, %dma_start3A_219, %dma_start3A_220] : memref<2x1280x16xf32, #tpu.memory_space<vmem>> -> memref<1x1280x16xf32, #tpu.memory_space<vmem>>
      %dma_start3A_222 = tpu.memref_squeeze %dma_start3A_221 : memref<1x1280x16xf32, #tpu.memory_space<vmem>> -> memref<1280x16xf32, #tpu.memory_space<vmem>>
      %dma_start3A_223 = arith.constant 512 : i32
      %dma_start3A_224 = arith.constant 0 : i32
      %dma_start3A_225 = tpu.memref_slice %dma_start3A_222[%dma_start3A_223, %dma_start3A_224] : memref<1280x16xf32, #tpu.memory_space<vmem>> -> memref<128x16xf32, #tpu.memory_space<vmem>>
      %dma_start3A_226 = arith.constant 0 : i32
      %dma_start3A_227 = arith.constant 0 : i32
      %dma_start3A_228 = tpu.memref_slice %arg8[%dma_start3A_216, %dma_start3A_226, %dma_start3A_227] : memref<2x10x128xi32, #tpu.memory_space<vmem>> -> memref<1x10x128xi32, #tpu.memory_space<vmem>>
      %dma_start3A_229 = tpu.memref_squeeze %dma_start3A_228 : memref<1x10x128xi32, #tpu.memory_space<vmem>> -> memref<10x128xi32, #tpu.memory_space<vmem>>
      %dma_start3A_230 = arith.constant 0 : i32
      %dma_start3A_231 = tpu.memref_slice %dma_start3A_229[%dma_start3A_217, %dma_start3A_230] : memref<10x128xi32, #tpu.memory_space<vmem>> -> memref<1x128xi32, #tpu.memory_space<vmem>>
      %dma_start3A_232 = tpu.memref_squeeze %dma_start3A_231 : memref<1x128xi32, #tpu.memory_space<vmem>> -> memref<128xi32, #tpu.memory_space<vmem>>
      %dma_start3A_233 = arith.constant 0 : i32
      %dma_start3A_234 = arith.constant 0 : i32
      %dma_start3A_235 = tpu.memref_slice %arg13[%dma_start3A_233, %dma_start3A_234] : memref<10000x16xf32, #tpu.memory_space<vmem_shared>> -> memref<10000x16xf32, #tpu.memory_space<vmem_shared>>
      tpu.enqueue_indirect_dma source(%dma_start3A_235 : memref<10000x16xf32, #tpu.memory_space<vmem_shared>>) target(%dma_start3A_225 : memref<128x16xf32, #tpu.memory_space<vmem>>) offsets(%dma_start3A_232 : memref<128xi32, #tpu.memory_space<vmem>>) semaphore(%arg16 : memref<!tpu.dma_semaphore, #tpu.memory_space<semaphore_mem>>)
      %dma_start3A_236 = arith.constant 0 : i32
      %dma_start3A_237 = arith.constant 5 : i32
      %dma_start3A_238 = arith.constant 0 : i32
      %dma_start3A_239 = arith.constant 0 : i32
      %dma_start3A_240 = arith.constant 0 : i32
      %dma_start3A_241 = tpu.memref_slice %arg9[%dma_start3A_238, %dma_start3A_239, %dma_start3A_240] : memref<2x1280x16xf32, #tpu.memory_space<vmem>> -> memref<1x1280x16xf32, #tpu.memory_space<vmem>>
      %dma_start3A_242 = tpu.memref_squeeze %dma_start3A_241 : memref<1x1280x16xf32, #tpu.memory_space<vmem>> -> memref<1280x16xf32, #tpu.memory_space<vmem>>
      %dma_start3A_243 = arith.constant 640 : i32
      %dma_start3A_244 = arith.constant 0 : i32
      %dma_start3A_245 = tpu.memref_slice %dma_start3A_242[%dma_start3A_243, %dma_start3A_244] : memref<1280x16xf32, #tpu.memory_space<vmem>> -> memref<128x16xf32, #tpu.memory_space<vmem>>
      %dma_start3A_246 = arith.constant 0 : i32
      %dma_start3A_247 = arith.constant 0 : i32
      %dma_start3A_248 = tpu.memref_slice %arg7[%dma_start3A_236, %dma_start3A_246, %dma_start3A_247] : memref<2x10x128xi32, #tpu.memory_space<vmem>> -> memref<1x10x128xi32, #tpu.memory_space<vmem>>
      %dma_start3A_249 = tpu.memref_squeeze %dma_start3A_248 : memref<1x10x128xi32, #tpu.memory_space<vmem>> -> memref<10x128xi32, #tpu.memory_space<vmem>>
      %dma_start3A_250 = arith.constant 0 : i32
      %dma_start3A_251 = tpu.memref_slice %dma_start3A_249[%dma_start3A_237, %dma_start3A_250] : memref<10x128xi32, #tpu.memory_space<vmem>> -> memref<1x128xi32, #tpu.memory_space<vmem>>
      %dma_start3A_252 = tpu.memref_squeeze %dma_start3A_251 : memref<1x128xi32, #tpu.memory_space<vmem>> -> memref<128xi32, #tpu.memory_space<vmem>>
      %dma_start3A_253 = arith.constant 0 : i32
      %dma_start3A_254 = arith.constant 0 : i32
      %dma_start3A_255 = tpu.memref_slice %arg12[%dma_start3A_253, %dma_start3A_254] : memref<10000x16xf32, #tpu.memory_space<vmem_shared>> -> memref<10000x16xf32, #tpu.memory_space<vmem_shared>>
      tpu.enqueue_indirect_dma source(%dma_start3A_255 : memref<10000x16xf32, #tpu.memory_space<vmem_shared>>) target(%dma_start3A_245 : memref<128x16xf32, #tpu.memory_space<vmem>>) offsets(%dma_start3A_252 : memref<128xi32, #tpu.memory_space<vmem>>) semaphore(%arg14 : memref<!tpu.dma_semaphore, #tpu.memory_space<semaphore_mem>>)
      %dma_start3A_256 = arith.constant 0 : i32
      %dma_start3A_257 = arith.constant 5 : i32
      %dma_start3A_258 = arith.constant 0 : i32
      %dma_start3A_259 = arith.constant 0 : i32
      %dma_start3A_260 = arith.constant 0 : i32
      %dma_start3A_261 = tpu.memref_slice %arg10[%dma_start3A_258, %dma_start3A_259, %dma_start3A_260] : memref<2x1280x16xf32, #tpu.memory_space<vmem>> -> memref<1x1280x16xf32, #tpu.memory_space<vmem>>
      %dma_start3A_262 = tpu.memref_squeeze %dma_start3A_261 : memref<1x1280x16xf32, #tpu.memory_space<vmem>> -> memref<1280x16xf32, #tpu.memory_space<vmem>>
      %dma_start3A_263 = arith.constant 640 : i32
      %dma_start3A_264 = arith.constant 0 : i32
      %dma_start3A_265 = tpu.memref_slice %dma_start3A_262[%dma_start3A_263, %dma_start3A_264] : memref<1280x16xf32, #tpu.memory_space<vmem>> -> memref<128x16xf32, #tpu.memory_space<vmem>>
      %dma_start3A_266 = arith.constant 0 : i32
      %dma_start3A_267 = arith.constant 0 : i32
      %dma_start3A_268 = tpu.memref_slice %arg8[%dma_start3A_256, %dma_start3A_266, %dma_start3A_267] : memref<2x10x128xi32, #tpu.memory_space<vmem>> -> memref<1x10x128xi32, #tpu.memory_space<vmem>>
      %dma_start3A_269 = tpu.memref_squeeze %dma_start3A_268 : memref<1x10x128xi32, #tpu.memory_space<vmem>> -> memref<10x128xi32, #tpu.memory_space<vmem>>
      %dma_start3A_270 = arith.constant 0 : i32
      %dma_start3A_271 = tpu.memref_slice %dma_start3A_269[%dma_start3A_257, %dma_start3A_270] : memref<10x128xi32, #tpu.memory_space<vmem>> -> memref<1x128xi32, #tpu.memory_space<vmem>>
      %dma_start3A_272 = tpu.memref_squeeze %dma_start3A_271 : memref<1x128xi32, #tpu.memory_space<vmem>> -> memref<128xi32, #tpu.memory_space<vmem>>
      %dma_start3A_273 = arith.constant 0 : i32
      %dma_start3A_274 = arith.constant 0 : i32
      %dma_start3A_275 = tpu.memref_slice %arg13[%dma_start3A_273, %dma_start3A_274] : memref<10000x16xf32, #tpu.memory_space<vmem_shared>> -> memref<10000x16xf32, #tpu.memory_space<vmem_shared>>
      tpu.enqueue_indirect_dma source(%dma_start3A_275 : memref<10000x16xf32, #tpu.memory_space<vmem_shared>>) target(%dma_start3A_265 : memref<128x16xf32, #tpu.memory_space<vmem>>) offsets(%dma_start3A_272 : memref<128xi32, #tpu.memory_space<vmem>>) semaphore(%arg16 : memref<!tpu.dma_semaphore, #tpu.memory_space<semaphore_mem>>)
      %dma_start3A_276 = arith.constant 0 : i32
      %dma_start3A_277 = arith.constant 6 : i32
      %dma_start3A_278 = arith.constant 0 : i32
      %dma_start3A_279 = arith.constant 0 : i32
      %dma_start3A_280 = arith.constant 0 : i32
      %dma_start3A_281 = tpu.memref_slice %arg9[%dma_start3A_278, %dma_start3A_279, %dma_start3A_280] : memref<2x1280x16xf32, #tpu.memory_space<vmem>> -> memref<1x1280x16xf32, #tpu.memory_space<vmem>>
      %dma_start3A_282 = tpu.memref_squeeze %dma_start3A_281 : memref<1x1280x16xf32, #tpu.memory_space<vmem>> -> memref<1280x16xf32, #tpu.memory_space<vmem>>
      %dma_start3A_283 = arith.constant 768 : i32
      %dma_start3A_284 = arith.constant 0 : i32
      %dma_start3A_285 = tpu.memref_slice %dma_start3A_282[%dma_start3A_283, %dma_start3A_284] : memref<1280x16xf32, #tpu.memory_space<vmem>> -> memref<128x16xf32, #tpu.memory_space<vmem>>
      %dma_start3A_286 = arith.constant 0 : i32
      %dma_start3A_287 = arith.constant 0 : i32
      %dma_start3A_288 = tpu.memref_slice %arg7[%dma_start3A_276, %dma_start3A_286, %dma_start3A_287] : memref<2x10x128xi32, #tpu.memory_space<vmem>> -> memref<1x10x128xi32, #tpu.memory_space<vmem>>
      %dma_start3A_289 = tpu.memref_squeeze %dma_start3A_288 : memref<1x10x128xi32, #tpu.memory_space<vmem>> -> memref<10x128xi32, #tpu.memory_space<vmem>>
      %dma_start3A_290 = arith.constant 0 : i32
      %dma_start3A_291 = tpu.memref_slice %dma_start3A_289[%dma_start3A_277, %dma_start3A_290] : memref<10x128xi32, #tpu.memory_space<vmem>> -> memref<1x128xi32, #tpu.memory_space<vmem>>
      %dma_start3A_292 = tpu.memref_squeeze %dma_start3A_291 : memref<1x128xi32, #tpu.memory_space<vmem>> -> memref<128xi32, #tpu.memory_space<vmem>>
      %dma_start3A_293 = arith.constant 0 : i32
      %dma_start3A_294 = arith.constant 0 : i32
      %dma_start3A_295 = tpu.memref_slice %arg12[%dma_start3A_293, %dma_start3A_294] : memref<10000x16xf32, #tpu.memory_space<vmem_shared>> -> memref<10000x16xf32, #tpu.memory_space<vmem_shared>>
      tpu.enqueue_indirect_dma source(%dma_start3A_295 : memref<10000x16xf32, #tpu.memory_space<vmem_shared>>) target(%dma_start3A_285 : memref<128x16xf32, #tpu.memory_space<vmem>>) offsets(%dma_start3A_292 : memref<128xi32, #tpu.memory_space<vmem>>) semaphore(%arg14 : memref<!tpu.dma_semaphore, #tpu.memory_space<semaphore_mem>>)
      %dma_start3A_296 = arith.constant 0 : i32
      %dma_start3A_297 = arith.constant 6 : i32
      %dma_start3A_298 = arith.constant 0 : i32
      %dma_start3A_299 = arith.constant 0 : i32
      %dma_start3A_300 = arith.constant 0 : i32
      %dma_start3A_301 = tpu.memref_slice %arg10[%dma_start3A_298, %dma_start3A_299, %dma_start3A_300] : memref<2x1280x16xf32, #tpu.memory_space<vmem>> -> memref<1x1280x16xf32, #tpu.memory_space<vmem>>
      %dma_start3A_302 = tpu.memref_squeeze %dma_start3A_301 : memref<1x1280x16xf32, #tpu.memory_space<vmem>> -> memref<1280x16xf32, #tpu.memory_space<vmem>>
      %dma_start3A_303 = arith.constant 768 : i32
      %dma_start3A_304 = arith.constant 0 : i32
      %dma_start3A_305 = tpu.memref_slice %dma_start3A_302[%dma_start3A_303, %dma_start3A_304] : memref<1280x16xf32, #tpu.memory_space<vmem>> -> memref<128x16xf32, #tpu.memory_space<vmem>>
      %dma_start3A_306 = arith.constant 0 : i32
      %dma_start3A_307 = arith.constant 0 : i32
      %dma_start3A_308 = tpu.memref_slice %arg8[%dma_start3A_296, %dma_start3A_306, %dma_start3A_307] : memref<2x10x128xi32, #tpu.memory_space<vmem>> -> memref<1x10x128xi32, #tpu.memory_space<vmem>>
      %dma_start3A_309 = tpu.memref_squeeze %dma_start3A_308 : memref<1x10x128xi32, #tpu.memory_space<vmem>> -> memref<10x128xi32, #tpu.memory_space<vmem>>
      %dma_start3A_310 = arith.constant 0 : i32
      %dma_start3A_311 = tpu.memref_slice %dma_start3A_309[%dma_start3A_297, %dma_start3A_310] : memref<10x128xi32, #tpu.memory_space<vmem>> -> memref<1x128xi32, #tpu.memory_space<vmem>>
      %dma_start3A_312 = tpu.memref_squeeze %dma_start3A_311 : memref<1x128xi32, #tpu.memory_space<vmem>> -> memref<128xi32, #tpu.memory_space<vmem>>
      %dma_start3A_313 = arith.constant 0 : i32
      %dma_start3A_314 = arith.constant 0 : i32
      %dma_start3A_315 = tpu.memref_slice %arg13[%dma_start3A_313, %dma_start3A_314] : memref<10000x16xf32, #tpu.memory_space<vmem_shared>> -> memref<10000x16xf32, #tpu.memory_space<vmem_shared>>
      tpu.enqueue_indirect_dma source(%dma_start3A_315 : memref<10000x16xf32, #tpu.memory_space<vmem_shared>>) target(%dma_start3A_305 : memref<128x16xf32, #tpu.memory_space<vmem>>) offsets(%dma_start3A_312 : memref<128xi32, #tpu.memory_space<vmem>>) semaphore(%arg16 : memref<!tpu.dma_semaphore, #tpu.memory_space<semaphore_mem>>)
      %dma_start3A_316 = arith.constant 0 : i32
      %dma_start3A_317 = arith.constant 7 : i32
      %dma_start3A_318 = arith.constant 0 : i32
      %dma_start3A_319 = arith.constant 0 : i32
      %dma_start3A_320 = arith.constant 0 : i32
      %dma_start3A_321 = tpu.memref_slice %arg9[%dma_start3A_318, %dma_start3A_319, %dma_start3A_320] : memref<2x1280x16xf32, #tpu.memory_space<vmem>> -> memref<1x1280x16xf32, #tpu.memory_space<vmem>>
      %dma_start3A_322 = tpu.memref_squeeze %dma_start3A_321 : memref<1x1280x16xf32, #tpu.memory_space<vmem>> -> memref<1280x16xf32, #tpu.memory_space<vmem>>
      %dma_start3A_323 = arith.constant 896 : i32
      %dma_start3A_324 = arith.constant 0 : i32
      %dma_start3A_325 = tpu.memref_slice %dma_start3A_322[%dma_start3A_323, %dma_start3A_324] : memref<1280x16xf32, #tpu.memory_space<vmem>> -> memref<128x16xf32, #tpu.memory_space<vmem>>
      %dma_start3A_326 = arith.constant 0 : i32
      %dma_start3A_327 = arith.constant 0 : i32
      %dma_start3A_328 = tpu.memref_slice %arg7[%dma_start3A_316, %dma_start3A_326, %dma_start3A_327] : memref<2x10x128xi32, #tpu.memory_space<vmem>> -> memref<1x10x128xi32, #tpu.memory_space<vmem>>
      %dma_start3A_329 = tpu.memref_squeeze %dma_start3A_328 : memref<1x10x128xi32, #tpu.memory_space<vmem>> -> memref<10x128xi32, #tpu.memory_space<vmem>>
      %dma_start3A_330 = arith.constant 0 : i32
      %dma_start3A_331 = tpu.memref_slice %dma_start3A_329[%dma_start3A_317, %dma_start3A_330] : memref<10x128xi32, #tpu.memory_space<vmem>> -> memref<1x128xi32, #tpu.memory_space<vmem>>
      %dma_start3A_332 = tpu.memref_squeeze %dma_start3A_331 : memref<1x128xi32, #tpu.memory_space<vmem>> -> memref<128xi32, #tpu.memory_space<vmem>>
      %dma_start3A_333 = arith.constant 0 : i32
      %dma_start3A_334 = arith.constant 0 : i32
      %dma_start3A_335 = tpu.memref_slice %arg12[%dma_start3A_333, %dma_start3A_334] : memref<10000x16xf32, #tpu.memory_space<vmem_shared>> -> memref<10000x16xf32, #tpu.memory_space<vmem_shared>>
      tpu.enqueue_indirect_dma source(%dma_start3A_335 : memref<10000x16xf32, #tpu.memory_space<vmem_shared>>) target(%dma_start3A_325 : memref<128x16xf32, #tpu.memory_space<vmem>>) offsets(%dma_start3A_332 : memref<128xi32, #tpu.memory_space<vmem>>) semaphore(%arg14 : memref<!tpu.dma_semaphore, #tpu.memory_space<semaphore_mem>>)
      %dma_start3A_336 = arith.constant 0 : i32
      %dma_start3A_337 = arith.constant 7 : i32
      %dma_start3A_338 = arith.constant 0 : i32
      %dma_start3A_339 = arith.constant 0 : i32
      %dma_start3A_340 = arith.constant 0 : i32
      %dma_start3A_341 = tpu.memref_slice %arg10[%dma_start3A_338, %dma_start3A_339, %dma_start3A_340] : memref<2x1280x16xf32, #tpu.memory_space<vmem>> -> memref<1x1280x16xf32, #tpu.memory_space<vmem>>
      %dma_start3A_342 = tpu.memref_squeeze %dma_start3A_341 : memref<1x1280x16xf32, #tpu.memory_space<vmem>> -> memref<1280x16xf32, #tpu.memory_space<vmem>>
      %dma_start3A_343 = arith.constant 896 : i32
      %dma_start3A_344 = arith.constant 0 : i32
      %dma_start3A_345 = tpu.memref_slice %dma_start3A_342[%dma_start3A_343, %dma_start3A_344] : memref<1280x16xf32, #tpu.memory_space<vmem>> -> memref<128x16xf32, #tpu.memory_space<vmem>>
      %dma_start3A_346 = arith.constant 0 : i32
      %dma_start3A_347 = arith.constant 0 : i32
      %dma_start3A_348 = tpu.memref_slice %arg8[%dma_start3A_336, %dma_start3A_346, %dma_start3A_347] : memref<2x10x128xi32, #tpu.memory_space<vmem>> -> memref<1x10x128xi32, #tpu.memory_space<vmem>>
      %dma_start3A_349 = tpu.memref_squeeze %dma_start3A_348 : memref<1x10x128xi32, #tpu.memory_space<vmem>> -> memref<10x128xi32, #tpu.memory_space<vmem>>
      %dma_start3A_350 = arith.constant 0 : i32
      %dma_start3A_351 = tpu.memref_slice %dma_start3A_349[%dma_start3A_337, %dma_start3A_350] : memref<10x128xi32, #tpu.memory_space<vmem>> -> memref<1x128xi32, #tpu.memory_space<vmem>>
      %dma_start3A_352 = tpu.memref_squeeze %dma_start3A_351 : memref<1x128xi32, #tpu.memory_space<vmem>> -> memref<128xi32, #tpu.memory_space<vmem>>
      %dma_start3A_353 = arith.constant 0 : i32
      %dma_start3A_354 = arith.constant 0 : i32
      %dma_start3A_355 = tpu.memref_slice %arg13[%dma_start3A_353, %dma_start3A_354] : memref<10000x16xf32, #tpu.memory_space<vmem_shared>> -> memref<10000x16xf32, #tpu.memory_space<vmem_shared>>
      tpu.enqueue_indirect_dma source(%dma_start3A_355 : memref<10000x16xf32, #tpu.memory_space<vmem_shared>>) target(%dma_start3A_345 : memref<128x16xf32, #tpu.memory_space<vmem>>) offsets(%dma_start3A_352 : memref<128xi32, #tpu.memory_space<vmem>>) semaphore(%arg16 : memref<!tpu.dma_semaphore, #tpu.memory_space<semaphore_mem>>)
      %dma_start3A_356 = arith.constant 0 : i32
      %dma_start3A_357 = arith.constant 8 : i32
      %dma_start3A_358 = arith.constant 0 : i32
      %dma_start3A_359 = arith.constant 0 : i32
      %dma_start3A_360 = arith.constant 0 : i32
      %dma_start3A_361 = tpu.memref_slice %arg9[%dma_start3A_358, %dma_start3A_359, %dma_start3A_360] : memref<2x1280x16xf32, #tpu.memory_space<vmem>> -> memref<1x1280x16xf32, #tpu.memory_space<vmem>>
      %dma_start3A_362 = tpu.memref_squeeze %dma_start3A_361 : memref<1x1280x16xf32, #tpu.memory_space<vmem>> -> memref<1280x16xf32, #tpu.memory_space<vmem>>
      %dma_start3A_363 = arith.constant 1024 : i32
      %dma_start3A_364 = arith.constant 0 : i32
      %dma_start3A_365 = tpu.memref_slice %dma_start3A_362[%dma_start3A_363, %dma_start3A_364] : memref<1280x16xf32, #tpu.memory_space<vmem>> -> memref<128x16xf32, #tpu.memory_space<vmem>>
      %dma_start3A_366 = arith.constant 0 : i32
      %dma_start3A_367 = arith.constant 0 : i32
      %dma_start3A_368 = tpu.memref_slice %arg7[%dma_start3A_356, %dma_start3A_366, %dma_start3A_367] : memref<2x10x128xi32, #tpu.memory_space<vmem>> -> memref<1x10x128xi32, #tpu.memory_space<vmem>>
      %dma_start3A_369 = tpu.memref_squeeze %dma_start3A_368 : memref<1x10x128xi32, #tpu.memory_space<vmem>> -> memref<10x128xi32, #tpu.memory_space<vmem>>
      %dma_start3A_370 = arith.constant 0 : i32
      %dma_start3A_371 = tpu.memref_slice %dma_start3A_369[%dma_start3A_357, %dma_start3A_370] : memref<10x128xi32, #tpu.memory_space<vmem>> -> memref<1x128xi32, #tpu.memory_space<vmem>>
      %dma_start3A_372 = tpu.memref_squeeze %dma_start3A_371 : memref<1x128xi32, #tpu.memory_space<vmem>> -> memref<128xi32, #tpu.memory_space<vmem>>
      %dma_start3A_373 = arith.constant 0 : i32
      %dma_start3A_374 = arith.constant 0 : i32
      %dma_start3A_375 = tpu.memref_slice %arg12[%dma_start3A_373, %dma_start3A_374] : memref<10000x16xf32, #tpu.memory_space<vmem_shared>> -> memref<10000x16xf32, #tpu.memory_space<vmem_shared>>
      tpu.enqueue_indirect_dma source(%dma_start3A_375 : memref<10000x16xf32, #tpu.memory_space<vmem_shared>>) target(%dma_start3A_365 : memref<128x16xf32, #tpu.memory_space<vmem>>) offsets(%dma_start3A_372 : memref<128xi32, #tpu.memory_space<vmem>>) semaphore(%arg14 : memref<!tpu.dma_semaphore, #tpu.memory_space<semaphore_mem>>)
      %dma_start3A_376 = arith.constant 0 : i32
      %dma_start3A_377 = arith.constant 8 : i32
      %dma_start3A_378 = arith.constant 0 : i32
      %dma_start3A_379 = arith.constant 0 : i32
      %dma_start3A_380 = arith.constant 0 : i32
      %dma_start3A_381 = tpu.memref_slice %arg10[%dma_start3A_378, %dma_start3A_379, %dma_start3A_380] : memref<2x1280x16xf32, #tpu.memory_space<vmem>> -> memref<1x1280x16xf32, #tpu.memory_space<vmem>>
      %dma_start3A_382 = tpu.memref_squeeze %dma_start3A_381 : memref<1x1280x16xf32, #tpu.memory_space<vmem>> -> memref<1280x16xf32, #tpu.memory_space<vmem>>
      %dma_start3A_383 = arith.constant 1024 : i32
      %dma_start3A_384 = arith.constant 0 : i32
      %dma_start3A_385 = tpu.memref_slice %dma_start3A_382[%dma_start3A_383, %dma_start3A_384] : memref<1280x16xf32, #tpu.memory_space<vmem>> -> memref<128x16xf32, #tpu.memory_space<vmem>>
      %dma_start3A_386 = arith.constant 0 : i32
      %dma_start3A_387 = arith.constant 0 : i32
      %dma_start3A_388 = tpu.memref_slice %arg8[%dma_start3A_376, %dma_start3A_386, %dma_start3A_387] : memref<2x10x128xi32, #tpu.memory_space<vmem>> -> memref<1x10x128xi32, #tpu.memory_space<vmem>>
      %dma_start3A_389 = tpu.memref_squeeze %dma_start3A_388 : memref<1x10x128xi32, #tpu.memory_space<vmem>> -> memref<10x128xi32, #tpu.memory_space<vmem>>
      %dma_start3A_390 = arith.constant 0 : i32
      %dma_start3A_391 = tpu.memref_slice %dma_start3A_389[%dma_start3A_377, %dma_start3A_390] : memref<10x128xi32, #tpu.memory_space<vmem>> -> memref<1x128xi32, #tpu.memory_space<vmem>>
      %dma_start3A_392 = tpu.memref_squeeze %dma_start3A_391 : memref<1x128xi32, #tpu.memory_space<vmem>> -> memref<128xi32, #tpu.memory_space<vmem>>
      %dma_start3A_393 = arith.constant 0 : i32
      %dma_start3A_394 = arith.constant 0 : i32
      %dma_start3A_395 = tpu.memref_slice %arg13[%dma_start3A_393, %dma_start3A_394] : memref<10000x16xf32, #tpu.memory_space<vmem_shared>> -> memref<10000x16xf32, #tpu.memory_space<vmem_shared>>
      tpu.enqueue_indirect_dma source(%dma_start3A_395 : memref<10000x16xf32, #tpu.memory_space<vmem_shared>>) target(%dma_start3A_385 : memref<128x16xf32, #tpu.memory_space<vmem>>) offsets(%dma_start3A_392 : memref<128xi32, #tpu.memory_space<vmem>>) semaphore(%arg16 : memref<!tpu.dma_semaphore, #tpu.memory_space<semaphore_mem>>)
      %dma_start3A_396 = arith.constant 0 : i32
      %dma_start3A_397 = arith.constant 9 : i32
      %dma_start3A_398 = arith.constant 0 : i32
      %dma_start3A_399 = arith.constant 0 : i32
      %dma_start3A_400 = arith.constant 0 : i32
      %dma_start3A_401 = tpu.memref_slice %arg9[%dma_start3A_398, %dma_start3A_399, %dma_start3A_400] : memref<2x1280x16xf32, #tpu.memory_space<vmem>> -> memref<1x1280x16xf32, #tpu.memory_space<vmem>>
      %dma_start3A_402 = tpu.memref_squeeze %dma_start3A_401 : memref<1x1280x16xf32, #tpu.memory_space<vmem>> -> memref<1280x16xf32, #tpu.memory_space<vmem>>
      %dma_start3A_403 = arith.constant 1152 : i32
      %dma_start3A_404 = arith.constant 0 : i32
      %dma_start3A_405 = tpu.memref_slice %dma_start3A_402[%dma_start3A_403, %dma_start3A_404] : memref<1280x16xf32, #tpu.memory_space<vmem>> -> memref<128x16xf32, #tpu.memory_space<vmem>>
      %dma_start3A_406 = arith.constant 0 : i32
      %dma_start3A_407 = arith.constant 0 : i32
      %dma_start3A_408 = tpu.memref_slice %arg7[%dma_start3A_396, %dma_start3A_406, %dma_start3A_407] : memref<2x10x128xi32, #tpu.memory_space<vmem>> -> memref<1x10x128xi32, #tpu.memory_space<vmem>>
      %dma_start3A_409 = tpu.memref_squeeze %dma_start3A_408 : memref<1x10x128xi32, #tpu.memory_space<vmem>> -> memref<10x128xi32, #tpu.memory_space<vmem>>
      %dma_start3A_410 = arith.constant 0 : i32
      %dma_start3A_411 = tpu.memref_slice %dma_start3A_409[%dma_start3A_397, %dma_start3A_410] : memref<10x128xi32, #tpu.memory_space<vmem>> -> memref<1x128xi32, #tpu.memory_space<vmem>>
      %dma_start3A_412 = tpu.memref_squeeze %dma_start3A_411 : memref<1x128xi32, #tpu.memory_space<vmem>> -> memref<128xi32, #tpu.memory_space<vmem>>
      %dma_start3A_413 = arith.constant 0 : i32
      %dma_start3A_414 = arith.constant 0 : i32
      %dma_start3A_415 = tpu.memref_slice %arg12[%dma_start3A_413, %dma_start3A_414] : memref<10000x16xf32, #tpu.memory_space<vmem_shared>> -> memref<10000x16xf32, #tpu.memory_space<vmem_shared>>
      tpu.enqueue_indirect_dma source(%dma_start3A_415 : memref<10000x16xf32, #tpu.memory_space<vmem_shared>>) target(%dma_start3A_405 : memref<128x16xf32, #tpu.memory_space<vmem>>) offsets(%dma_start3A_412 : memref<128xi32, #tpu.memory_space<vmem>>) semaphore(%arg14 : memref<!tpu.dma_semaphore, #tpu.memory_space<semaphore_mem>>)
      %dma_start3A_416 = arith.constant 0 : i32
      %dma_start3A_417 = arith.constant 9 : i32
      %dma_start3A_418 = arith.constant 0 : i32
      %dma_start3A_419 = arith.constant 0 : i32
      %dma_start3A_420 = arith.constant 0 : i32
      %dma_start3A_421 = tpu.memref_slice %arg10[%dma_start3A_418, %dma_start3A_419, %dma_start3A_420] : memref<2x1280x16xf32, #tpu.memory_space<vmem>> -> memref<1x1280x16xf32, #tpu.memory_space<vmem>>
      %dma_start3A_422 = tpu.memref_squeeze %dma_start3A_421 : memref<1x1280x16xf32, #tpu.memory_space<vmem>> -> memref<1280x16xf32, #tpu.memory_space<vmem>>
      %dma_start3A_423 = arith.constant 1152 : i32
      %dma_start3A_424 = arith.constant 0 : i32
      %dma_start3A_425 = tpu.memref_slice %dma_start3A_422[%dma_start3A_423, %dma_start3A_424] : memref<1280x16xf32, #tpu.memory_space<vmem>> -> memref<128x16xf32, #tpu.memory_space<vmem>>
      %dma_start3A_426 = arith.constant 0 : i32
      %dma_start3A_427 = arith.constant 0 : i32
      %dma_start3A_428 = tpu.memref_slice %arg8[%dma_start3A_416, %dma_start3A_426, %dma_start3A_427] : memref<2x10x128xi32, #tpu.memory_space<vmem>> -> memref<1x10x128xi32, #tpu.memory_space<vmem>>
      %dma_start3A_429 = tpu.memref_squeeze %dma_start3A_428 : memref<1x10x128xi32, #tpu.memory_space<vmem>> -> memref<10x128xi32, #tpu.memory_space<vmem>>
      %dma_start3A_430 = arith.constant 0 : i32
      %dma_start3A_431 = tpu.memref_slice %dma_start3A_429[%dma_start3A_417, %dma_start3A_430] : memref<10x128xi32, #tpu.memory_space<vmem>> -> memref<1x128xi32, #tpu.memory_space<vmem>>
      %dma_start3A_432 = tpu.memref_squeeze %dma_start3A_431 : memref<1x128xi32, #tpu.memory_space<vmem>> -> memref<128xi32, #tpu.memory_space<vmem>>
      %dma_start3A_433 = arith.constant 0 : i32
      %dma_start3A_434 = arith.constant 0 : i32
      %dma_start3A_435 = tpu.memref_slice %arg13[%dma_start3A_433, %dma_start3A_434] : memref<10000x16xf32, #tpu.memory_space<vmem_shared>> -> memref<10000x16xf32, #tpu.memory_space<vmem_shared>>
      tpu.enqueue_indirect_dma source(%dma_start3A_435 : memref<10000x16xf32, #tpu.memory_space<vmem_shared>>) target(%dma_start3A_425 : memref<128x16xf32, #tpu.memory_space<vmem>>) offsets(%dma_start3A_432 : memref<128xi32, #tpu.memory_space<vmem>>) semaphore(%arg16 : memref<!tpu.dma_semaphore, #tpu.memory_space<semaphore_mem>>)
    } else {
    }
    %scan3A = arith.constant 0 : i32
    %scan3A_24 = arith.constant 0 : i32
    %scan3A_25 = arith.constant 4 : i32
    %scan3A_26 = arith.addi %scan3A_24, %scan3A_25 : i32
    %scan3A_27 = arith.constant 1 : i32
    scf.for %scan3A_32 = %scan3A_24 to %scan3A_26 step %scan3A_27  : i32 {
      %mul3A_33 = arith.constant 2 : i32
      %mul3A_34 = arith.muli %mul3A_33, %scan3A_32 : i32
      %add3A_35 = arith.constant 1 : i32
      %add3A_36 = arith.addi %mul3A_34, %add3A_35 : i32
      %lt3A_37 = arith.cmpi slt, %add3A_36, %select_n3A : i32
      %convert_element_type3A_38 = arith.extui %lt3A_37 : i1 to i32
      %cond3A_39 = arith.constant 0 : i32
      %cond3A_40 = arith.cmpi ne, %convert_element_type3A_38, %cond3A_39 : i32
      scf.if %cond3A_40 {
        %mul3A_57 = arith.constant 32 : i32
        %mul3A_58 = arith.muli %add3A_36, %mul3A_57 : i32
        %add3A_59 = arith.addi %add3A, %mul3A_58 : i32
        %mul3A_60 = arith.constant 10 : i32
        %mul3A_61 = arith.muli %add3A_59, %mul3A_60 : i32
        %run_scoped3A = arith.constant 1 : i32
        "tpu.region"() ({
          %run_scoped3A_462 = tpu.sem_alloc : memref<!tpu.dma_semaphore, #tpu.memory_space<semaphore_mem>>
          %dma_start3A_463 = arith.constant 0 : i32
          %dma_start3A_464 = arith.constant 0 : i32
          %dma_start3A_465 = tpu.memref_slice %arg7[%run_scoped3A, %dma_start3A_463, %dma_start3A_464] : memref<2x10x128xi32, #tpu.memory_space<vmem>> -> memref<1x10x128xi32, #tpu.memory_space<vmem>>
          %dma_start3A_466 = tpu.memref_squeeze %dma_start3A_465 : memref<1x10x128xi32, #tpu.memory_space<vmem>> -> memref<10x128xi32, #tpu.memory_space<vmem>>
          %dma_start3A_467 = arith.constant 0 : i32
          %dma_start3A_468 = tpu.memref_slice %arg4[%mul3A_61, %dma_start3A_467] : memref<2500x128xi32, #tpu.memory_space<hbm>> -> memref<10x128xi32, #tpu.memory_space<hbm>>
          %dma_start3A_469 = arith.constant 0 : i32
          %dma_start3A_470 = arith.constant 0 : i32
          %dma_start3A_471 = tpu.memref_slice %arg7[%run_scoped3A, %dma_start3A_469, %dma_start3A_470] : memref<2x10x128xi32, #tpu.memory_space<vmem>> -> memref<1x10x128xi32, #tpu.memory_space<vmem>>
          %dma_start3A_472 = tpu.memref_squeeze %dma_start3A_471 : memref<1x10x128xi32, #tpu.memory_space<vmem>> -> memref<10x128xi32, #tpu.memory_space<vmem>>
          %dma_start3A_473 = arith.constant 0 : i32
          %dma_start3A_474 = tpu.memref_slice %arg4[%mul3A_61, %dma_start3A_473] : memref<2500x128xi32, #tpu.memory_space<hbm>> -> memref<10x128xi32, #tpu.memory_space<hbm>>
          tpu.enqueue_dma source(%dma_start3A_474 : memref<10x128xi32, #tpu.memory_space<hbm>>) target(%dma_start3A_472 : memref<10x128xi32, #tpu.memory_space<vmem>>) target_semaphore(%run_scoped3A_462 : memref<!tpu.dma_semaphore, #tpu.memory_space<semaphore_mem>>)
          %dma_wait3A_475 = arith.constant 0 : i32
          %dma_wait3A_476 = arith.constant 0 : i32
          %dma_wait3A_477 = tpu.memref_slice %arg7[%run_scoped3A, %dma_wait3A_475, %dma_wait3A_476] : memref<2x10x128xi32, #tpu.memory_space<vmem>> -> memref<1x10x128xi32, #tpu.memory_space<vmem>>
          %dma_wait3A_478 = tpu.memref_squeeze %dma_wait3A_477 : memref<1x10x128xi32, #tpu.memory_space<vmem>> -> memref<10x128xi32, #tpu.memory_space<vmem>>
          %dma_wait3A_479 = arith.constant 0 : i32
          %dma_wait3A_480 = tpu.memref_slice %arg4[%mul3A_61, %dma_wait3A_479] : memref<2500x128xi32, #tpu.memory_space<hbm>> -> memref<10x128xi32, #tpu.memory_space<hbm>>
          %dma_wait3A_481 = arith.constant 0 : i32
          %dma_wait3A_482 = arith.constant 0 : i32
          %dma_wait3A_483 = tpu.memref_slice %arg7[%run_scoped3A, %dma_wait3A_481, %dma_wait3A_482] : memref<2x10x128xi32, #tpu.memory_space<vmem>> -> memref<1x10x128xi32, #tpu.memory_space<vmem>>
          %dma_wait3A_484 = tpu.memref_squeeze %dma_wait3A_483 : memref<1x10x128xi32, #tpu.memory_space<vmem>> -> memref<10x128xi32, #tpu.memory_space<vmem>>
          %dma_wait3A_485 = arith.constant 0 : i32
          %dma_wait3A_486 = tpu.memref_slice %arg4[%mul3A_61, %dma_wait3A_485] : memref<2500x128xi32, #tpu.memory_space<hbm>> -> memref<10x128xi32, #tpu.memory_space<hbm>>
          tpu.wait_dma2 semaphore(%run_scoped3A_462 : memref<!tpu.dma_semaphore, #tpu.memory_space<semaphore_mem>>) src(%dma_wait3A_486 : memref<10x128xi32, #tpu.memory_space<hbm>>) dst(%dma_wait3A_484 : memref<10x128xi32, #tpu.memory_space<vmem>>)
          tpu.yield
        }) : () -> ()
        %run_scoped3A_62 = arith.constant 1 : i32
        "tpu.region"() ({
          %run_scoped3A_462 = tpu.sem_alloc : memref<!tpu.dma_semaphore, #tpu.memory_space<semaphore_mem>>
          %dma_start3A_463 = arith.constant 0 : i32
          %dma_start3A_464 = arith.constant 0 : i32
          %dma_start3A_465 = tpu.memref_slice %arg8[%run_scoped3A_62, %dma_start3A_463, %dma_start3A_464] : memref<2x10x128xi32, #tpu.memory_space<vmem>> -> memref<1x10x128xi32, #tpu.memory_space<vmem>>
          %dma_start3A_466 = tpu.memref_squeeze %dma_start3A_465 : memref<1x10x128xi32, #tpu.memory_space<vmem>> -> memref<10x128xi32, #tpu.memory_space<vmem>>
          %dma_start3A_467 = arith.constant 0 : i32
          %dma_start3A_468 = tpu.memref_slice %arg5[%mul3A_61, %dma_start3A_467] : memref<2500x128xi32, #tpu.memory_space<hbm>> -> memref<10x128xi32, #tpu.memory_space<hbm>>
          %dma_start3A_469 = arith.constant 0 : i32
          %dma_start3A_470 = arith.constant 0 : i32
          %dma_start3A_471 = tpu.memref_slice %arg8[%run_scoped3A_62, %dma_start3A_469, %dma_start3A_470] : memref<2x10x128xi32, #tpu.memory_space<vmem>> -> memref<1x10x128xi32, #tpu.memory_space<vmem>>
          %dma_start3A_472 = tpu.memref_squeeze %dma_start3A_471 : memref<1x10x128xi32, #tpu.memory_space<vmem>> -> memref<10x128xi32, #tpu.memory_space<vmem>>
          %dma_start3A_473 = arith.constant 0 : i32
          %dma_start3A_474 = tpu.memref_slice %arg5[%mul3A_61, %dma_start3A_473] : memref<2500x128xi32, #tpu.memory_space<hbm>> -> memref<10x128xi32, #tpu.memory_space<hbm>>
          tpu.enqueue_dma source(%dma_start3A_474 : memref<10x128xi32, #tpu.memory_space<hbm>>) target(%dma_start3A_472 : memref<10x128xi32, #tpu.memory_space<vmem>>) target_semaphore(%run_scoped3A_462 : memref<!tpu.dma_semaphore, #tpu.memory_space<semaphore_mem>>)
          %dma_wait3A_475 = arith.constant 0 : i32
          %dma_wait3A_476 = arith.constant 0 : i32
          %dma_wait3A_477 = tpu.memref_slice %arg8[%run_scoped3A_62, %dma_wait3A_475, %dma_wait3A_476] : memref<2x10x128xi32, #tpu.memory_space<vmem>> -> memref<1x10x128xi32, #tpu.memory_space<vmem>>
          %dma_wait3A_478 = tpu.memref_squeeze %dma_wait3A_477 : memref<1x10x128xi32, #tpu.memory_space<vmem>> -> memref<10x128xi32, #tpu.memory_space<vmem>>
          %dma_wait3A_479 = arith.constant 0 : i32
          %dma_wait3A_480 = tpu.memref_slice %arg5[%mul3A_61, %dma_wait3A_479] : memref<2500x128xi32, #tpu.memory_space<hbm>> -> memref<10x128xi32, #tpu.memory_space<hbm>>
          %dma_wait3A_481 = arith.constant 0 : i32
          %dma_wait3A_482 = arith.constant 0 : i32
          %dma_wait3A_483 = tpu.memref_slice %arg8[%run_scoped3A_62, %dma_wait3A_481, %dma_wait3A_482] : memref<2x10x128xi32, #tpu.memory_space<vmem>> -> memref<1x10x128xi32, #tpu.memory_space<vmem>>
          %dma_wait3A_484 = tpu.memref_squeeze %dma_wait3A_483 : memref<1x10x128xi32, #tpu.memory_space<vmem>> -> memref<10x128xi32, #tpu.memory_space<vmem>>
          %dma_wait3A_485 = arith.constant 0 : i32
          %dma_wait3A_486 = tpu.memref_slice %arg5[%mul3A_61, %dma_wait3A_485] : memref<2500x128xi32, #tpu.memory_space<hbm>> -> memref<10x128xi32, #tpu.memory_space<hbm>>
          tpu.wait_dma2 semaphore(%run_scoped3A_462 : memref<!tpu.dma_semaphore, #tpu.memory_space<semaphore_mem>>) src(%dma_wait3A_486 : memref<10x128xi32, #tpu.memory_space<hbm>>) dst(%dma_wait3A_484 : memref<10x128xi32, #tpu.memory_space<vmem>>)
          tpu.yield
        }) : () -> ()
        %dma_start3A = arith.constant 1 : i32
        %dma_start3A_63 = arith.constant 0 : i32
        %dma_start3A_64 = arith.constant 1 : i32
        %dma_start3A_65 = arith.constant 0 : i32
        %dma_start3A_66 = arith.constant 0 : i32
        %dma_start3A_67 = tpu.memref_slice %arg9[%dma_start3A_64, %dma_start3A_65, %dma_start3A_66] : memref<2x1280x16xf32, #tpu.memory_space<vmem>> -> memref<1x1280x16xf32, #tpu.memory_space<vmem>>
        %dma_start3A_68 = tpu.memref_squeeze %dma_start3A_67 : memref<1x1280x16xf32, #tpu.memory_space<vmem>> -> memref<1280x16xf32, #tpu.memory_space<vmem>>
        %dma_start3A_69 = arith.constant 0 : i32
        %dma_start3A_70 = arith.constant 0 : i32
        %dma_start3A_71 = tpu.memref_slice %dma_start3A_68[%dma_start3A_69, %dma_start3A_70] : memref<1280x16xf32, #tpu.memory_space<vmem>> -> memref<128x16xf32, #tpu.memory_space<vmem>>
        %dma_start3A_72 = arith.constant 0 : i32
        %dma_start3A_73 = arith.constant 0 : i32
        %dma_start3A_74 = tpu.memref_slice %arg7[%dma_start3A, %dma_start3A_72, %dma_start3A_73] : memref<2x10x128xi32, #tpu.memory_space<vmem>> -> memref<1x10x128xi32, #tpu.memory_space<vmem>>
        %dma_start3A_75 = tpu.memref_squeeze %dma_start3A_74 : memref<1x10x128xi32, #tpu.memory_space<vmem>> -> memref<10x128xi32, #tpu.memory_space<vmem>>
        %dma_start3A_76 = arith.constant 0 : i32
        %dma_start3A_77 = tpu.memref_slice %dma_start3A_75[%dma_start3A_63, %dma_start3A_76] : memref<10x128xi32, #tpu.memory_space<vmem>> -> memref<1x128xi32, #tpu.memory_space<vmem>>
        %dma_start3A_78 = tpu.memref_squeeze %dma_start3A_77 : memref<1x128xi32, #tpu.memory_space<vmem>> -> memref<128xi32, #tpu.memory_space<vmem>>
        %dma_start3A_79 = arith.constant 0 : i32
        %dma_start3A_80 = arith.constant 0 : i32
        %dma_start3A_81 = tpu.memref_slice %arg12[%dma_start3A_79, %dma_start3A_80] : memref<10000x16xf32, #tpu.memory_space<vmem_shared>> -> memref<10000x16xf32, #tpu.memory_space<vmem_shared>>
        tpu.enqueue_indirect_dma source(%dma_start3A_81 : memref<10000x16xf32, #tpu.memory_space<vmem_shared>>) target(%dma_start3A_71 : memref<128x16xf32, #tpu.memory_space<vmem>>) offsets(%dma_start3A_78 : memref<128xi32, #tpu.memory_space<vmem>>) semaphore(%arg15 : memref<!tpu.dma_semaphore, #tpu.memory_space<semaphore_mem>>)
        %dma_start3A_82 = arith.constant 1 : i32
        %dma_start3A_83 = arith.constant 0 : i32
        %dma_start3A_84 = arith.constant 1 : i32
        %dma_start3A_85 = arith.constant 0 : i32
        %dma_start3A_86 = arith.constant 0 : i32
        %dma_start3A_87 = tpu.memref_slice %arg10[%dma_start3A_84, %dma_start3A_85, %dma_start3A_86] : memref<2x1280x16xf32, #tpu.memory_space<vmem>> -> memref<1x1280x16xf32, #tpu.memory_space<vmem>>
        %dma_start3A_88 = tpu.memref_squeeze %dma_start3A_87 : memref<1x1280x16xf32, #tpu.memory_space<vmem>> -> memref<1280x16xf32, #tpu.memory_space<vmem>>
        %dma_start3A_89 = arith.constant 0 : i32
        %dma_start3A_90 = arith.constant 0 : i32
        %dma_start3A_91 = tpu.memref_slice %dma_start3A_88[%dma_start3A_89, %dma_start3A_90] : memref<1280x16xf32, #tpu.memory_space<vmem>> -> memref<128x16xf32, #tpu.memory_space<vmem>>
        %dma_start3A_92 = arith.constant 0 : i32
        %dma_start3A_93 = arith.constant 0 : i32
        %dma_start3A_94 = tpu.memref_slice %arg8[%dma_start3A_82, %dma_start3A_92, %dma_start3A_93] : memref<2x10x128xi32, #tpu.memory_space<vmem>> -> memref<1x10x128xi32, #tpu.memory_space<vmem>>
        %dma_start3A_95 = tpu.memref_squeeze %dma_start3A_94 : memref<1x10x128xi32, #tpu.memory_space<vmem>> -> memref<10x128xi32, #tpu.memory_space<vmem>>
        %dma_start3A_96 = arith.constant 0 : i32
        %dma_start3A_97 = tpu.memref_slice %dma_start3A_95[%dma_start3A_83, %dma_start3A_96] : memref<10x128xi32, #tpu.memory_space<vmem>> -> memref<1x128xi32, #tpu.memory_space<vmem>>
        %dma_start3A_98 = tpu.memref_squeeze %dma_start3A_97 : memref<1x128xi32, #tpu.memory_space<vmem>> -> memref<128xi32, #tpu.memory_space<vmem>>
        %dma_start3A_99 = arith.constant 0 : i32
        %dma_start3A_100 = arith.constant 0 : i32
        %dma_start3A_101 = tpu.memref_slice %arg13[%dma_start3A_99, %dma_start3A_100] : memref<10000x16xf32, #tpu.memory_space<vmem_shared>> -> memref<10000x16xf32, #tpu.memory_space<vmem_shared>>
        tpu.enqueue_indirect_dma source(%dma_start3A_101 : memref<10000x16xf32, #tpu.memory_space<vmem_shared>>) target(%dma_start3A_91 : memref<128x16xf32, #tpu.memory_space<vmem>>) offsets(%dma_start3A_98 : memref<128xi32, #tpu.memory_space<vmem>>) semaphore(%arg17 : memref<!tpu.dma_semaphore, #tpu.memory_space<semaphore_mem>>)
        %dma_start3A_102 = arith.constant 1 : i32
        %dma_start3A_103 = arith.constant 1 : i32
        %dma_start3A_104 = arith.constant 1 : i32
        %dma_start3A_105 = arith.constant 0 : i32
        %dma_start3A_106 = arith.constant 0 : i32
        %dma_start3A_107 = tpu.memref_slice %arg9[%dma_start3A_104, %dma_start3A_105, %dma_start3A_106] : memref<2x1280x16xf32, #tpu.memory_space<vmem>> -> memref<1x1280x16xf32, #tpu.memory_space<vmem>>
        %dma_start3A_108 = tpu.memref_squeeze %dma_start3A_107 : memref<1x1280x16xf32, #tpu.memory_space<vmem>> -> memref<1280x16xf32, #tpu.memory_space<vmem>>
        %dma_start3A_109 = arith.constant 128 : i32
        %dma_start3A_110 = arith.constant 0 : i32
        %dma_start3A_111 = tpu.memref_slice %dma_start3A_108[%dma_start3A_109, %dma_start3A_110] : memref<1280x16xf32, #tpu.memory_space<vmem>> -> memref<128x16xf32, #tpu.memory_space<vmem>>
        %dma_start3A_112 = arith.constant 0 : i32
        %dma_start3A_113 = arith.constant 0 : i32
        %dma_start3A_114 = tpu.memref_slice %arg7[%dma_start3A_102, %dma_start3A_112, %dma_start3A_113] : memref<2x10x128xi32, #tpu.memory_space<vmem>> -> memref<1x10x128xi32, #tpu.memory_space<vmem>>
        %dma_start3A_115 = tpu.memref_squeeze %dma_start3A_114 : memref<1x10x128xi32, #tpu.memory_space<vmem>> -> memref<10x128xi32, #tpu.memory_space<vmem>>
        %dma_start3A_116 = arith.constant 0 : i32
        %dma_start3A_117 = tpu.memref_slice %dma_start3A_115[%dma_start3A_103, %dma_start3A_116] : memref<10x128xi32, #tpu.memory_space<vmem>> -> memref<1x128xi32, #tpu.memory_space<vmem>>
        %dma_start3A_118 = tpu.memref_squeeze %dma_start3A_117 : memref<1x128xi32, #tpu.memory_space<vmem>> -> memref<128xi32, #tpu.memory_space<vmem>>
        %dma_start3A_119 = arith.constant 0 : i32
        %dma_start3A_120 = arith.constant 0 : i32
        %dma_start3A_121 = tpu.memref_slice %arg12[%dma_start3A_119, %dma_start3A_120] : memref<10000x16xf32, #tpu.memory_space<vmem_shared>> -> memref<10000x16xf32, #tpu.memory_space<vmem_shared>>
        tpu.enqueue_indirect_dma source(%dma_start3A_121 : memref<10000x16xf32, #tpu.memory_space<vmem_shared>>) target(%dma_start3A_111 : memref<128x16xf32, #tpu.memory_space<vmem>>) offsets(%dma_start3A_118 : memref<128xi32, #tpu.memory_space<vmem>>) semaphore(%arg15 : memref<!tpu.dma_semaphore, #tpu.memory_space<semaphore_mem>>)
        %dma_start3A_122 = arith.constant 1 : i32
        %dma_start3A_123 = arith.constant 1 : i32
        %dma_start3A_124 = arith.constant 1 : i32
        %dma_start3A_125 = arith.constant 0 : i32
        %dma_start3A_126 = arith.constant 0 : i32
        %dma_start3A_127 = tpu.memref_slice %arg10[%dma_start3A_124, %dma_start3A_125, %dma_start3A_126] : memref<2x1280x16xf32, #tpu.memory_space<vmem>> -> memref<1x1280x16xf32, #tpu.memory_space<vmem>>
        %dma_start3A_128 = tpu.memref_squeeze %dma_start3A_127 : memref<1x1280x16xf32, #tpu.memory_space<vmem>> -> memref<1280x16xf32, #tpu.memory_space<vmem>>
        %dma_start3A_129 = arith.constant 128 : i32
        %dma_start3A_130 = arith.constant 0 : i32
        %dma_start3A_131 = tpu.memref_slice %dma_start3A_128[%dma_start3A_129, %dma_start3A_130] : memref<1280x16xf32, #tpu.memory_space<vmem>> -> memref<128x16xf32, #tpu.memory_space<vmem>>
        %dma_start3A_132 = arith.constant 0 : i32
        %dma_start3A_133 = arith.constant 0 : i32
        %dma_start3A_134 = tpu.memref_slice %arg8[%dma_start3A_122, %dma_start3A_132, %dma_start3A_133] : memref<2x10x128xi32, #tpu.memory_space<vmem>> -> memref<1x10x128xi32, #tpu.memory_space<vmem>>
        %dma_start3A_135 = tpu.memref_squeeze %dma_start3A_134 : memref<1x10x128xi32, #tpu.memory_space<vmem>> -> memref<10x128xi32, #tpu.memory_space<vmem>>
        %dma_start3A_136 = arith.constant 0 : i32
        %dma_start3A_137 = tpu.memref_slice %dma_start3A_135[%dma_start3A_123, %dma_start3A_136] : memref<10x128xi32, #tpu.memory_space<vmem>> -> memref<1x128xi32, #tpu.memory_space<vmem>>
        %dma_start3A_138 = tpu.memref_squeeze %dma_start3A_137 : memref<1x128xi32, #tpu.memory_space<vmem>> -> memref<128xi32, #tpu.memory_space<vmem>>
        %dma_start3A_139 = arith.constant 0 : i32
        %dma_start3A_140 = arith.constant 0 : i32
        %dma_start3A_141 = tpu.memref_slice %arg13[%dma_start3A_139, %dma_start3A_140] : memref<10000x16xf32, #tpu.memory_space<vmem_shared>> -> memref<10000x16xf32, #tpu.memory_space<vmem_shared>>
        tpu.enqueue_indirect_dma source(%dma_start3A_141 : memref<10000x16xf32, #tpu.memory_space<vmem_shared>>) target(%dma_start3A_131 : memref<128x16xf32, #tpu.memory_space<vmem>>) offsets(%dma_start3A_138 : memref<128xi32, #tpu.memory_space<vmem>>) semaphore(%arg17 : memref<!tpu.dma_semaphore, #tpu.memory_space<semaphore_mem>>)
        %dma_start3A_142 = arith.constant 1 : i32
        %dma_start3A_143 = arith.constant 2 : i32
        %dma_start3A_144 = arith.constant 1 : i32
        %dma_start3A_145 = arith.constant 0 : i32
        %dma_start3A_146 = arith.constant 0 : i32
        %dma_start3A_147 = tpu.memref_slice %arg9[%dma_start3A_144, %dma_start3A_145, %dma_start3A_146] : memref<2x1280x16xf32, #tpu.memory_space<vmem>> -> memref<1x1280x16xf32, #tpu.memory_space<vmem>>
        %dma_start3A_148 = tpu.memref_squeeze %dma_start3A_147 : memref<1x1280x16xf32, #tpu.memory_space<vmem>> -> memref<1280x16xf32, #tpu.memory_space<vmem>>
        %dma_start3A_149 = arith.constant 256 : i32
        %dma_start3A_150 = arith.constant 0 : i32
        %dma_start3A_151 = tpu.memref_slice %dma_start3A_148[%dma_start3A_149, %dma_start3A_150] : memref<1280x16xf32, #tpu.memory_space<vmem>> -> memref<128x16xf32, #tpu.memory_space<vmem>>
        %dma_start3A_152 = arith.constant 0 : i32
        %dma_start3A_153 = arith.constant 0 : i32
        %dma_start3A_154 = tpu.memref_slice %arg7[%dma_start3A_142, %dma_start3A_152, %dma_start3A_153] : memref<2x10x128xi32, #tpu.memory_space<vmem>> -> memref<1x10x128xi32, #tpu.memory_space<vmem>>
        %dma_start3A_155 = tpu.memref_squeeze %dma_start3A_154 : memref<1x10x128xi32, #tpu.memory_space<vmem>> -> memref<10x128xi32, #tpu.memory_space<vmem>>
        %dma_start3A_156 = arith.constant 0 : i32
        %dma_start3A_157 = tpu.memref_slice %dma_start3A_155[%dma_start3A_143, %dma_start3A_156] : memref<10x128xi32, #tpu.memory_space<vmem>> -> memref<1x128xi32, #tpu.memory_space<vmem>>
        %dma_start3A_158 = tpu.memref_squeeze %dma_start3A_157 : memref<1x128xi32, #tpu.memory_space<vmem>> -> memref<128xi32, #tpu.memory_space<vmem>>
        %dma_start3A_159 = arith.constant 0 : i32
        %dma_start3A_160 = arith.constant 0 : i32
        %dma_start3A_161 = tpu.memref_slice %arg12[%dma_start3A_159, %dma_start3A_160] : memref<10000x16xf32, #tpu.memory_space<vmem_shared>> -> memref<10000x16xf32, #tpu.memory_space<vmem_shared>>
        tpu.enqueue_indirect_dma source(%dma_start3A_161 : memref<10000x16xf32, #tpu.memory_space<vmem_shared>>) target(%dma_start3A_151 : memref<128x16xf32, #tpu.memory_space<vmem>>) offsets(%dma_start3A_158 : memref<128xi32, #tpu.memory_space<vmem>>) semaphore(%arg15 : memref<!tpu.dma_semaphore, #tpu.memory_space<semaphore_mem>>)
        %dma_start3A_162 = arith.constant 1 : i32
        %dma_start3A_163 = arith.constant 2 : i32
        %dma_start3A_164 = arith.constant 1 : i32
        %dma_start3A_165 = arith.constant 0 : i32
        %dma_start3A_166 = arith.constant 0 : i32
        %dma_start3A_167 = tpu.memref_slice %arg10[%dma_start3A_164, %dma_start3A_165, %dma_start3A_166] : memref<2x1280x16xf32, #tpu.memory_space<vmem>> -> memref<1x1280x16xf32, #tpu.memory_space<vmem>>
        %dma_start3A_168 = tpu.memref_squeeze %dma_start3A_167 : memref<1x1280x16xf32, #tpu.memory_space<vmem>> -> memref<1280x16xf32, #tpu.memory_space<vmem>>
        %dma_start3A_169 = arith.constant 256 : i32
        %dma_start3A_170 = arith.constant 0 : i32
        %dma_start3A_171 = tpu.memref_slice %dma_start3A_168[%dma_start3A_169, %dma_start3A_170] : memref<1280x16xf32, #tpu.memory_space<vmem>> -> memref<128x16xf32, #tpu.memory_space<vmem>>
        %dma_start3A_172 = arith.constant 0 : i32
        %dma_start3A_173 = arith.constant 0 : i32
        %dma_start3A_174 = tpu.memref_slice %arg8[%dma_start3A_162, %dma_start3A_172, %dma_start3A_173] : memref<2x10x128xi32, #tpu.memory_space<vmem>> -> memref<1x10x128xi32, #tpu.memory_space<vmem>>
        %dma_start3A_175 = tpu.memref_squeeze %dma_start3A_174 : memref<1x10x128xi32, #tpu.memory_space<vmem>> -> memref<10x128xi32, #tpu.memory_space<vmem>>
        %dma_start3A_176 = arith.constant 0 : i32
        %dma_start3A_177 = tpu.memref_slice %dma_start3A_175[%dma_start3A_163, %dma_start3A_176] : memref<10x128xi32, #tpu.memory_space<vmem>> -> memref<1x128xi32, #tpu.memory_space<vmem>>
        %dma_start3A_178 = tpu.memref_squeeze %dma_start3A_177 : memref<1x128xi32, #tpu.memory_space<vmem>> -> memref<128xi32, #tpu.memory_space<vmem>>
        %dma_start3A_179 = arith.constant 0 : i32
        %dma_start3A_180 = arith.constant 0 : i32
        %dma_start3A_181 = tpu.memref_slice %arg13[%dma_start3A_179, %dma_start3A_180] : memref<10000x16xf32, #tpu.memory_space<vmem_shared>> -> memref<10000x16xf32, #tpu.memory_space<vmem_shared>>
        tpu.enqueue_indirect_dma source(%dma_start3A_181 : memref<10000x16xf32, #tpu.memory_space<vmem_shared>>) target(%dma_start3A_171 : memref<128x16xf32, #tpu.memory_space<vmem>>) offsets(%dma_start3A_178 : memref<128xi32, #tpu.memory_space<vmem>>) semaphore(%arg17 : memref<!tpu.dma_semaphore, #tpu.memory_space<semaphore_mem>>)
        %dma_start3A_182 = arith.constant 1 : i32
        %dma_start3A_183 = arith.constant 3 : i32
        %dma_start3A_184 = arith.constant 1 : i32
        %dma_start3A_185 = arith.constant 0 : i32
        %dma_start3A_186 = arith.constant 0 : i32
        %dma_start3A_187 = tpu.memref_slice %arg9[%dma_start3A_184, %dma_start3A_185, %dma_start3A_186] : memref<2x1280x16xf32, #tpu.memory_space<vmem>> -> memref<1x1280x16xf32, #tpu.memory_space<vmem>>
        %dma_start3A_188 = tpu.memref_squeeze %dma_start3A_187 : memref<1x1280x16xf32, #tpu.memory_space<vmem>> -> memref<1280x16xf32, #tpu.memory_space<vmem>>
        %dma_start3A_189 = arith.constant 384 : i32
        %dma_start3A_190 = arith.constant 0 : i32
        %dma_start3A_191 = tpu.memref_slice %dma_start3A_188[%dma_start3A_189, %dma_start3A_190] : memref<1280x16xf32, #tpu.memory_space<vmem>> -> memref<128x16xf32, #tpu.memory_space<vmem>>
        %dma_start3A_192 = arith.constant 0 : i32
        %dma_start3A_193 = arith.constant 0 : i32
        %dma_start3A_194 = tpu.memref_slice %arg7[%dma_start3A_182, %dma_start3A_192, %dma_start3A_193] : memref<2x10x128xi32, #tpu.memory_space<vmem>> -> memref<1x10x128xi32, #tpu.memory_space<vmem>>
        %dma_start3A_195 = tpu.memref_squeeze %dma_start3A_194 : memref<1x10x128xi32, #tpu.memory_space<vmem>> -> memref<10x128xi32, #tpu.memory_space<vmem>>
        %dma_start3A_196 = arith.constant 0 : i32
        %dma_start3A_197 = tpu.memref_slice %dma_start3A_195[%dma_start3A_183, %dma_start3A_196] : memref<10x128xi32, #tpu.memory_space<vmem>> -> memref<1x128xi32, #tpu.memory_space<vmem>>
        %dma_start3A_198 = tpu.memref_squeeze %dma_start3A_197 : memref<1x128xi32, #tpu.memory_space<vmem>> -> memref<128xi32, #tpu.memory_space<vmem>>
        %dma_start3A_199 = arith.constant 0 : i32
        %dma_start3A_200 = arith.constant 0 : i32
        %dma_start3A_201 = tpu.memref_slice %arg12[%dma_start3A_199, %dma_start3A_200] : memref<10000x16xf32, #tpu.memory_space<vmem_shared>> -> memref<10000x16xf32, #tpu.memory_space<vmem_shared>>
        tpu.enqueue_indirect_dma source(%dma_start3A_201 : memref<10000x16xf32, #tpu.memory_space<vmem_shared>>) target(%dma_start3A_191 : memref<128x16xf32, #tpu.memory_space<vmem>>) offsets(%dma_start3A_198 : memref<128xi32, #tpu.memory_space<vmem>>) semaphore(%arg15 : memref<!tpu.dma_semaphore, #tpu.memory_space<semaphore_mem>>)
        %dma_start3A_202 = arith.constant 1 : i32
        %dma_start3A_203 = arith.constant 3 : i32
        %dma_start3A_204 = arith.constant 1 : i32
        %dma_start3A_205 = arith.constant 0 : i32
        %dma_start3A_206 = arith.constant 0 : i32
        %dma_start3A_207 = tpu.memref_slice %arg10[%dma_start3A_204, %dma_start3A_205, %dma_start3A_206] : memref<2x1280x16xf32, #tpu.memory_space<vmem>> -> memref<1x1280x16xf32, #tpu.memory_space<vmem>>
        %dma_start3A_208 = tpu.memref_squeeze %dma_start3A_207 : memref<1x1280x16xf32, #tpu.memory_space<vmem>> -> memref<1280x16xf32, #tpu.memory_space<vmem>>
        %dma_start3A_209 = arith.constant 384 : i32
        %dma_start3A_210 = arith.constant 0 : i32
        %dma_start3A_211 = tpu.memref_slice %dma_start3A_208[%dma_start3A_209, %dma_start3A_210] : memref<1280x16xf32, #tpu.memory_space<vmem>> -> memref<128x16xf32, #tpu.memory_space<vmem>>
        %dma_start3A_212 = arith.constant 0 : i32
        %dma_start3A_213 = arith.constant 0 : i32
        %dma_start3A_214 = tpu.memref_slice %arg8[%dma_start3A_202, %dma_start3A_212, %dma_start3A_213] : memref<2x10x128xi32, #tpu.memory_space<vmem>> -> memref<1x10x128xi32, #tpu.memory_space<vmem>>
        %dma_start3A_215 = tpu.memref_squeeze %dma_start3A_214 : memref<1x10x128xi32, #tpu.memory_space<vmem>> -> memref<10x128xi32, #tpu.memory_space<vmem>>
        %dma_start3A_216 = arith.constant 0 : i32
        %dma_start3A_217 = tpu.memref_slice %dma_start3A_215[%dma_start3A_203, %dma_start3A_216] : memref<10x128xi32, #tpu.memory_space<vmem>> -> memref<1x128xi32, #tpu.memory_space<vmem>>
        %dma_start3A_218 = tpu.memref_squeeze %dma_start3A_217 : memref<1x128xi32, #tpu.memory_space<vmem>> -> memref<128xi32, #tpu.memory_space<vmem>>
        %dma_start3A_219 = arith.constant 0 : i32
        %dma_start3A_220 = arith.constant 0 : i32
        %dma_start3A_221 = tpu.memref_slice %arg13[%dma_start3A_219, %dma_start3A_220] : memref<10000x16xf32, #tpu.memory_space<vmem_shared>> -> memref<10000x16xf32, #tpu.memory_space<vmem_shared>>
        tpu.enqueue_indirect_dma source(%dma_start3A_221 : memref<10000x16xf32, #tpu.memory_space<vmem_shared>>) target(%dma_start3A_211 : memref<128x16xf32, #tpu.memory_space<vmem>>) offsets(%dma_start3A_218 : memref<128xi32, #tpu.memory_space<vmem>>) semaphore(%arg17 : memref<!tpu.dma_semaphore, #tpu.memory_space<semaphore_mem>>)
        %dma_start3A_222 = arith.constant 1 : i32
        %dma_start3A_223 = arith.constant 4 : i32
        %dma_start3A_224 = arith.constant 1 : i32
        %dma_start3A_225 = arith.constant 0 : i32
        %dma_start3A_226 = arith.constant 0 : i32
        %dma_start3A_227 = tpu.memref_slice %arg9[%dma_start3A_224, %dma_start3A_225, %dma_start3A_226] : memref<2x1280x16xf32, #tpu.memory_space<vmem>> -> memref<1x1280x16xf32, #tpu.memory_space<vmem>>
        %dma_start3A_228 = tpu.memref_squeeze %dma_start3A_227 : memref<1x1280x16xf32, #tpu.memory_space<vmem>> -> memref<1280x16xf32, #tpu.memory_space<vmem>>
        %dma_start3A_229 = arith.constant 512 : i32
        %dma_start3A_230 = arith.constant 0 : i32
        %dma_start3A_231 = tpu.memref_slice %dma_start3A_228[%dma_start3A_229, %dma_start3A_230] : memref<1280x16xf32, #tpu.memory_space<vmem>> -> memref<128x16xf32, #tpu.memory_space<vmem>>
        %dma_start3A_232 = arith.constant 0 : i32
        %dma_start3A_233 = arith.constant 0 : i32
        %dma_start3A_234 = tpu.memref_slice %arg7[%dma_start3A_222, %dma_start3A_232, %dma_start3A_233] : memref<2x10x128xi32, #tpu.memory_space<vmem>> -> memref<1x10x128xi32, #tpu.memory_space<vmem>>
        %dma_start3A_235 = tpu.memref_squeeze %dma_start3A_234 : memref<1x10x128xi32, #tpu.memory_space<vmem>> -> memref<10x128xi32, #tpu.memory_space<vmem>>
        %dma_start3A_236 = arith.constant 0 : i32
        %dma_start3A_237 = tpu.memref_slice %dma_start3A_235[%dma_start3A_223, %dma_start3A_236] : memref<10x128xi32, #tpu.memory_space<vmem>> -> memref<1x128xi32, #tpu.memory_space<vmem>>
        %dma_start3A_238 = tpu.memref_squeeze %dma_start3A_237 : memref<1x128xi32, #tpu.memory_space<vmem>> -> memref<128xi32, #tpu.memory_space<vmem>>
        %dma_start3A_239 = arith.constant 0 : i32
        %dma_start3A_240 = arith.constant 0 : i32
        %dma_start3A_241 = tpu.memref_slice %arg12[%dma_start3A_239, %dma_start3A_240] : memref<10000x16xf32, #tpu.memory_space<vmem_shared>> -> memref<10000x16xf32, #tpu.memory_space<vmem_shared>>
        tpu.enqueue_indirect_dma source(%dma_start3A_241 : memref<10000x16xf32, #tpu.memory_space<vmem_shared>>) target(%dma_start3A_231 : memref<128x16xf32, #tpu.memory_space<vmem>>) offsets(%dma_start3A_238 : memref<128xi32, #tpu.memory_space<vmem>>) semaphore(%arg15 : memref<!tpu.dma_semaphore, #tpu.memory_space<semaphore_mem>>)
        %dma_start3A_242 = arith.constant 1 : i32
        %dma_start3A_243 = arith.constant 4 : i32
        %dma_start3A_244 = arith.constant 1 : i32
        %dma_start3A_245 = arith.constant 0 : i32
        %dma_start3A_246 = arith.constant 0 : i32
        %dma_start3A_247 = tpu.memref_slice %arg10[%dma_start3A_244, %dma_start3A_245, %dma_start3A_246] : memref<2x1280x16xf32, #tpu.memory_space<vmem>> -> memref<1x1280x16xf32, #tpu.memory_space<vmem>>
        %dma_start3A_248 = tpu.memref_squeeze %dma_start3A_247 : memref<1x1280x16xf32, #tpu.memory_space<vmem>> -> memref<1280x16xf32, #tpu.memory_space<vmem>>
        %dma_start3A_249 = arith.constant 512 : i32
        %dma_start3A_250 = arith.constant 0 : i32
        %dma_start3A_251 = tpu.memref_slice %dma_start3A_248[%dma_start3A_249, %dma_start3A_250] : memref<1280x16xf32, #tpu.memory_space<vmem>> -> memref<128x16xf32, #tpu.memory_space<vmem>>
        %dma_start3A_252 = arith.constant 0 : i32
        %dma_start3A_253 = arith.constant 0 : i32
        %dma_start3A_254 = tpu.memref_slice %arg8[%dma_start3A_242, %dma_start3A_252, %dma_start3A_253] : memref<2x10x128xi32, #tpu.memory_space<vmem>> -> memref<1x10x128xi32, #tpu.memory_space<vmem>>
        %dma_start3A_255 = tpu.memref_squeeze %dma_start3A_254 : memref<1x10x128xi32, #tpu.memory_space<vmem>> -> memref<10x128xi32, #tpu.memory_space<vmem>>
        %dma_start3A_256 = arith.constant 0 : i32
        %dma_start3A_257 = tpu.memref_slice %dma_start3A_255[%dma_start3A_243, %dma_start3A_256] : memref<10x128xi32, #tpu.memory_space<vmem>> -> memref<1x128xi32, #tpu.memory_space<vmem>>
        %dma_start3A_258 = tpu.memref_squeeze %dma_start3A_257 : memref<1x128xi32, #tpu.memory_space<vmem>> -> memref<128xi32, #tpu.memory_space<vmem>>
        %dma_start3A_259 = arith.constant 0 : i32
        %dma_start3A_260 = arith.constant 0 : i32
        %dma_start3A_261 = tpu.memref_slice %arg13[%dma_start3A_259, %dma_start3A_260] : memref<10000x16xf32, #tpu.memory_space<vmem_shared>> -> memref<10000x16xf32, #tpu.memory_space<vmem_shared>>
        tpu.enqueue_indirect_dma source(%dma_start3A_261 : memref<10000x16xf32, #tpu.memory_space<vmem_shared>>) target(%dma_start3A_251 : memref<128x16xf32, #tpu.memory_space<vmem>>) offsets(%dma_start3A_258 : memref<128xi32, #tpu.memory_space<vmem>>) semaphore(%arg17 : memref<!tpu.dma_semaphore, #tpu.memory_space<semaphore_mem>>)
        %dma_start3A_262 = arith.constant 1 : i32
        %dma_start3A_263 = arith.constant 5 : i32
        %dma_start3A_264 = arith.constant 1 : i32
        %dma_start3A_265 = arith.constant 0 : i32
        %dma_start3A_266 = arith.constant 0 : i32
        %dma_start3A_267 = tpu.memref_slice %arg9[%dma_start3A_264, %dma_start3A_265, %dma_start3A_266] : memref<2x1280x16xf32, #tpu.memory_space<vmem>> -> memref<1x1280x16xf32, #tpu.memory_space<vmem>>
        %dma_start3A_268 = tpu.memref_squeeze %dma_start3A_267 : memref<1x1280x16xf32, #tpu.memory_space<vmem>> -> memref<1280x16xf32, #tpu.memory_space<vmem>>
        %dma_start3A_269 = arith.constant 640 : i32
        %dma_start3A_270 = arith.constant 0 : i32
        %dma_start3A_271 = tpu.memref_slice %dma_start3A_268[%dma_start3A_269, %dma_start3A_270] : memref<1280x16xf32, #tpu.memory_space<vmem>> -> memref<128x16xf32, #tpu.memory_space<vmem>>
        %dma_start3A_272 = arith.constant 0 : i32
        %dma_start3A_273 = arith.constant 0 : i32
        %dma_start3A_274 = tpu.memref_slice %arg7[%dma_start3A_262, %dma_start3A_272, %dma_start3A_273] : memref<2x10x128xi32, #tpu.memory_space<vmem>> -> memref<1x10x128xi32, #tpu.memory_space<vmem>>
        %dma_start3A_275 = tpu.memref_squeeze %dma_start3A_274 : memref<1x10x128xi32, #tpu.memory_space<vmem>> -> memref<10x128xi32, #tpu.memory_space<vmem>>
        %dma_start3A_276 = arith.constant 0 : i32
        %dma_start3A_277 = tpu.memref_slice %dma_start3A_275[%dma_start3A_263, %dma_start3A_276] : memref<10x128xi32, #tpu.memory_space<vmem>> -> memref<1x128xi32, #tpu.memory_space<vmem>>
        %dma_start3A_278 = tpu.memref_squeeze %dma_start3A_277 : memref<1x128xi32, #tpu.memory_space<vmem>> -> memref<128xi32, #tpu.memory_space<vmem>>
        %dma_start3A_279 = arith.constant 0 : i32
        %dma_start3A_280 = arith.constant 0 : i32
        %dma_start3A_281 = tpu.memref_slice %arg12[%dma_start3A_279, %dma_start3A_280] : memref<10000x16xf32, #tpu.memory_space<vmem_shared>> -> memref<10000x16xf32, #tpu.memory_space<vmem_shared>>
        tpu.enqueue_indirect_dma source(%dma_start3A_281 : memref<10000x16xf32, #tpu.memory_space<vmem_shared>>) target(%dma_start3A_271 : memref<128x16xf32, #tpu.memory_space<vmem>>) offsets(%dma_start3A_278 : memref<128xi32, #tpu.memory_space<vmem>>) semaphore(%arg15 : memref<!tpu.dma_semaphore, #tpu.memory_space<semaphore_mem>>)
        %dma_start3A_282 = arith.constant 1 : i32
        %dma_start3A_283 = arith.constant 5 : i32
        %dma_start3A_284 = arith.constant 1 : i32
        %dma_start3A_285 = arith.constant 0 : i32
        %dma_start3A_286 = arith.constant 0 : i32
        %dma_start3A_287 = tpu.memref_slice %arg10[%dma_start3A_284, %dma_start3A_285, %dma_start3A_286] : memref<2x1280x16xf32, #tpu.memory_space<vmem>> -> memref<1x1280x16xf32, #tpu.memory_space<vmem>>
        %dma_start3A_288 = tpu.memref_squeeze %dma_start3A_287 : memref<1x1280x16xf32, #tpu.memory_space<vmem>> -> memref<1280x16xf32, #tpu.memory_space<vmem>>
        %dma_start3A_289 = arith.constant 640 : i32
        %dma_start3A_290 = arith.constant 0 : i32
        %dma_start3A_291 = tpu.memref_slice %dma_start3A_288[%dma_start3A_289, %dma_start3A_290] : memref<1280x16xf32, #tpu.memory_space<vmem>> -> memref<128x16xf32, #tpu.memory_space<vmem>>
        %dma_start3A_292 = arith.constant 0 : i32
        %dma_start3A_293 = arith.constant 0 : i32
        %dma_start3A_294 = tpu.memref_slice %arg8[%dma_start3A_282, %dma_start3A_292, %dma_start3A_293] : memref<2x10x128xi32, #tpu.memory_space<vmem>> -> memref<1x10x128xi32, #tpu.memory_space<vmem>>
        %dma_start3A_295 = tpu.memref_squeeze %dma_start3A_294 : memref<1x10x128xi32, #tpu.memory_space<vmem>> -> memref<10x128xi32, #tpu.memory_space<vmem>>
        %dma_start3A_296 = arith.constant 0 : i32
        %dma_start3A_297 = tpu.memref_slice %dma_start3A_295[%dma_start3A_283, %dma_start3A_296] : memref<10x128xi32, #tpu.memory_space<vmem>> -> memref<1x128xi32, #tpu.memory_space<vmem>>
        %dma_start3A_298 = tpu.memref_squeeze %dma_start3A_297 : memref<1x128xi32, #tpu.memory_space<vmem>> -> memref<128xi32, #tpu.memory_space<vmem>>
        %dma_start3A_299 = arith.constant 0 : i32
        %dma_start3A_300 = arith.constant 0 : i32
        %dma_start3A_301 = tpu.memref_slice %arg13[%dma_start3A_299, %dma_start3A_300] : memref<10000x16xf32, #tpu.memory_space<vmem_shared>> -> memref<10000x16xf32, #tpu.memory_space<vmem_shared>>
        tpu.enqueue_indirect_dma source(%dma_start3A_301 : memref<10000x16xf32, #tpu.memory_space<vmem_shared>>) target(%dma_start3A_291 : memref<128x16xf32, #tpu.memory_space<vmem>>) offsets(%dma_start3A_298 : memref<128xi32, #tpu.memory_space<vmem>>) semaphore(%arg17 : memref<!tpu.dma_semaphore, #tpu.memory_space<semaphore_mem>>)
        %dma_start3A_302 = arith.constant 1 : i32
        %dma_start3A_303 = arith.constant 6 : i32
        %dma_start3A_304 = arith.constant 1 : i32
        %dma_start3A_305 = arith.constant 0 : i32
        %dma_start3A_306 = arith.constant 0 : i32
        %dma_start3A_307 = tpu.memref_slice %arg9[%dma_start3A_304, %dma_start3A_305, %dma_start3A_306] : memref<2x1280x16xf32, #tpu.memory_space<vmem>> -> memref<1x1280x16xf32, #tpu.memory_space<vmem>>
        %dma_start3A_308 = tpu.memref_squeeze %dma_start3A_307 : memref<1x1280x16xf32, #tpu.memory_space<vmem>> -> memref<1280x16xf32, #tpu.memory_space<vmem>>
        %dma_start3A_309 = arith.constant 768 : i32
        %dma_start3A_310 = arith.constant 0 : i32
        %dma_start3A_311 = tpu.memref_slice %dma_start3A_308[%dma_start3A_309, %dma_start3A_310] : memref<1280x16xf32, #tpu.memory_space<vmem>> -> memref<128x16xf32, #tpu.memory_space<vmem>>
        %dma_start3A_312 = arith.constant 0 : i32
        %dma_start3A_313 = arith.constant 0 : i32
        %dma_start3A_314 = tpu.memref_slice %arg7[%dma_start3A_302, %dma_start3A_312, %dma_start3A_313] : memref<2x10x128xi32, #tpu.memory_space<vmem>> -> memref<1x10x128xi32, #tpu.memory_space<vmem>>
        %dma_start3A_315 = tpu.memref_squeeze %dma_start3A_314 : memref<1x10x128xi32, #tpu.memory_space<vmem>> -> memref<10x128xi32, #tpu.memory_space<vmem>>
        %dma_start3A_316 = arith.constant 0 : i32
        %dma_start3A_317 = tpu.memref_slice %dma_start3A_315[%dma_start3A_303, %dma_start3A_316] : memref<10x128xi32, #tpu.memory_space<vmem>> -> memref<1x128xi32, #tpu.memory_space<vmem>>
        %dma_start3A_318 = tpu.memref_squeeze %dma_start3A_317 : memref<1x128xi32, #tpu.memory_space<vmem>> -> memref<128xi32, #tpu.memory_space<vmem>>
        %dma_start3A_319 = arith.constant 0 : i32
        %dma_start3A_320 = arith.constant 0 : i32
        %dma_start3A_321 = tpu.memref_slice %arg12[%dma_start3A_319, %dma_start3A_320] : memref<10000x16xf32, #tpu.memory_space<vmem_shared>> -> memref<10000x16xf32, #tpu.memory_space<vmem_shared>>
        tpu.enqueue_indirect_dma source(%dma_start3A_321 : memref<10000x16xf32, #tpu.memory_space<vmem_shared>>) target(%dma_start3A_311 : memref<128x16xf32, #tpu.memory_space<vmem>>) offsets(%dma_start3A_318 : memref<128xi32, #tpu.memory_space<vmem>>) semaphore(%arg15 : memref<!tpu.dma_semaphore, #tpu.memory_space<semaphore_mem>>)
        %dma_start3A_322 = arith.constant 1 : i32
        %dma_start3A_323 = arith.constant 6 : i32
        %dma_start3A_324 = arith.constant 1 : i32
        %dma_start3A_325 = arith.constant 0 : i32
        %dma_start3A_326 = arith.constant 0 : i32
        %dma_start3A_327 = tpu.memref_slice %arg10[%dma_start3A_324, %dma_start3A_325, %dma_start3A_326] : memref<2x1280x16xf32, #tpu.memory_space<vmem>> -> memref<1x1280x16xf32, #tpu.memory_space<vmem>>
        %dma_start3A_328 = tpu.memref_squeeze %dma_start3A_327 : memref<1x1280x16xf32, #tpu.memory_space<vmem>> -> memref<1280x16xf32, #tpu.memory_space<vmem>>
        %dma_start3A_329 = arith.constant 768 : i32
        %dma_start3A_330 = arith.constant 0 : i32
        %dma_start3A_331 = tpu.memref_slice %dma_start3A_328[%dma_start3A_329, %dma_start3A_330] : memref<1280x16xf32, #tpu.memory_space<vmem>> -> memref<128x16xf32, #tpu.memory_space<vmem>>
        %dma_start3A_332 = arith.constant 0 : i32
        %dma_start3A_333 = arith.constant 0 : i32
        %dma_start3A_334 = tpu.memref_slice %arg8[%dma_start3A_322, %dma_start3A_332, %dma_start3A_333] : memref<2x10x128xi32, #tpu.memory_space<vmem>> -> memref<1x10x128xi32, #tpu.memory_space<vmem>>
        %dma_start3A_335 = tpu.memref_squeeze %dma_start3A_334 : memref<1x10x128xi32, #tpu.memory_space<vmem>> -> memref<10x128xi32, #tpu.memory_space<vmem>>
        %dma_start3A_336 = arith.constant 0 : i32
        %dma_start3A_337 = tpu.memref_slice %dma_start3A_335[%dma_start3A_323, %dma_start3A_336] : memref<10x128xi32, #tpu.memory_space<vmem>> -> memref<1x128xi32, #tpu.memory_space<vmem>>
        %dma_start3A_338 = tpu.memref_squeeze %dma_start3A_337 : memref<1x128xi32, #tpu.memory_space<vmem>> -> memref<128xi32, #tpu.memory_space<vmem>>
        %dma_start3A_339 = arith.constant 0 : i32
        %dma_start3A_340 = arith.constant 0 : i32
        %dma_start3A_341 = tpu.memref_slice %arg13[%dma_start3A_339, %dma_start3A_340] : memref<10000x16xf32, #tpu.memory_space<vmem_shared>> -> memref<10000x16xf32, #tpu.memory_space<vmem_shared>>
        tpu.enqueue_indirect_dma source(%dma_start3A_341 : memref<10000x16xf32, #tpu.memory_space<vmem_shared>>) target(%dma_start3A_331 : memref<128x16xf32, #tpu.memory_space<vmem>>) offsets(%dma_start3A_338 : memref<128xi32, #tpu.memory_space<vmem>>) semaphore(%arg17 : memref<!tpu.dma_semaphore, #tpu.memory_space<semaphore_mem>>)
        %dma_start3A_342 = arith.constant 1 : i32
        %dma_start3A_343 = arith.constant 7 : i32
        %dma_start3A_344 = arith.constant 1 : i32
        %dma_start3A_345 = arith.constant 0 : i32
        %dma_start3A_346 = arith.constant 0 : i32
        %dma_start3A_347 = tpu.memref_slice %arg9[%dma_start3A_344, %dma_start3A_345, %dma_start3A_346] : memref<2x1280x16xf32, #tpu.memory_space<vmem>> -> memref<1x1280x16xf32, #tpu.memory_space<vmem>>
        %dma_start3A_348 = tpu.memref_squeeze %dma_start3A_347 : memref<1x1280x16xf32, #tpu.memory_space<vmem>> -> memref<1280x16xf32, #tpu.memory_space<vmem>>
        %dma_start3A_349 = arith.constant 896 : i32
        %dma_start3A_350 = arith.constant 0 : i32
        %dma_start3A_351 = tpu.memref_slice %dma_start3A_348[%dma_start3A_349, %dma_start3A_350] : memref<1280x16xf32, #tpu.memory_space<vmem>> -> memref<128x16xf32, #tpu.memory_space<vmem>>
        %dma_start3A_352 = arith.constant 0 : i32
        %dma_start3A_353 = arith.constant 0 : i32
        %dma_start3A_354 = tpu.memref_slice %arg7[%dma_start3A_342, %dma_start3A_352, %dma_start3A_353] : memref<2x10x128xi32, #tpu.memory_space<vmem>> -> memref<1x10x128xi32, #tpu.memory_space<vmem>>
        %dma_start3A_355 = tpu.memref_squeeze %dma_start3A_354 : memref<1x10x128xi32, #tpu.memory_space<vmem>> -> memref<10x128xi32, #tpu.memory_space<vmem>>
        %dma_start3A_356 = arith.constant 0 : i32
        %dma_start3A_357 = tpu.memref_slice %dma_start3A_355[%dma_start3A_343, %dma_start3A_356] : memref<10x128xi32, #tpu.memory_space<vmem>> -> memref<1x128xi32, #tpu.memory_space<vmem>>
        %dma_start3A_358 = tpu.memref_squeeze %dma_start3A_357 : memref<1x128xi32, #tpu.memory_space<vmem>> -> memref<128xi32, #tpu.memory_space<vmem>>
        %dma_start3A_359 = arith.constant 0 : i32
        %dma_start3A_360 = arith.constant 0 : i32
        %dma_start3A_361 = tpu.memref_slice %arg12[%dma_start3A_359, %dma_start3A_360] : memref<10000x16xf32, #tpu.memory_space<vmem_shared>> -> memref<10000x16xf32, #tpu.memory_space<vmem_shared>>
        tpu.enqueue_indirect_dma source(%dma_start3A_361 : memref<10000x16xf32, #tpu.memory_space<vmem_shared>>) target(%dma_start3A_351 : memref<128x16xf32, #tpu.memory_space<vmem>>) offsets(%dma_start3A_358 : memref<128xi32, #tpu.memory_space<vmem>>) semaphore(%arg15 : memref<!tpu.dma_semaphore, #tpu.memory_space<semaphore_mem>>)
        %dma_start3A_362 = arith.constant 1 : i32
        %dma_start3A_363 = arith.constant 7 : i32
        %dma_start3A_364 = arith.constant 1 : i32
        %dma_start3A_365 = arith.constant 0 : i32
        %dma_start3A_366 = arith.constant 0 : i32
        %dma_start3A_367 = tpu.memref_slice %arg10[%dma_start3A_364, %dma_start3A_365, %dma_start3A_366] : memref<2x1280x16xf32, #tpu.memory_space<vmem>> -> memref<1x1280x16xf32, #tpu.memory_space<vmem>>
        %dma_start3A_368 = tpu.memref_squeeze %dma_start3A_367 : memref<1x1280x16xf32, #tpu.memory_space<vmem>> -> memref<1280x16xf32, #tpu.memory_space<vmem>>
        %dma_start3A_369 = arith.constant 896 : i32
        %dma_start3A_370 = arith.constant 0 : i32
        %dma_start3A_371 = tpu.memref_slice %dma_start3A_368[%dma_start3A_369, %dma_start3A_370] : memref<1280x16xf32, #tpu.memory_space<vmem>> -> memref<128x16xf32, #tpu.memory_space<vmem>>
        %dma_start3A_372 = arith.constant 0 : i32
        %dma_start3A_373 = arith.constant 0 : i32
        %dma_start3A_374 = tpu.memref_slice %arg8[%dma_start3A_362, %dma_start3A_372, %dma_start3A_373] : memref<2x10x128xi32, #tpu.memory_space<vmem>> -> memref<1x10x128xi32, #tpu.memory_space<vmem>>
        %dma_start3A_375 = tpu.memref_squeeze %dma_start3A_374 : memref<1x10x128xi32, #tpu.memory_space<vmem>> -> memref<10x128xi32, #tpu.memory_space<vmem>>
        %dma_start3A_376 = arith.constant 0 : i32
        %dma_start3A_377 = tpu.memref_slice %dma_start3A_375[%dma_start3A_363, %dma_start3A_376] : memref<10x128xi32, #tpu.memory_space<vmem>> -> memref<1x128xi32, #tpu.memory_space<vmem>>
        %dma_start3A_378 = tpu.memref_squeeze %dma_start3A_377 : memref<1x128xi32, #tpu.memory_space<vmem>> -> memref<128xi32, #tpu.memory_space<vmem>>
        %dma_start3A_379 = arith.constant 0 : i32
        %dma_start3A_380 = arith.constant 0 : i32
        %dma_start3A_381 = tpu.memref_slice %arg13[%dma_start3A_379, %dma_start3A_380] : memref<10000x16xf32, #tpu.memory_space<vmem_shared>> -> memref<10000x16xf32, #tpu.memory_space<vmem_shared>>
        tpu.enqueue_indirect_dma source(%dma_start3A_381 : memref<10000x16xf32, #tpu.memory_space<vmem_shared>>) target(%dma_start3A_371 : memref<128x16xf32, #tpu.memory_space<vmem>>) offsets(%dma_start3A_378 : memref<128xi32, #tpu.memory_space<vmem>>) semaphore(%arg17 : memref<!tpu.dma_semaphore, #tpu.memory_space<semaphore_mem>>)
        %dma_start3A_382 = arith.constant 1 : i32
        %dma_start3A_383 = arith.constant 8 : i32
        %dma_start3A_384 = arith.constant 1 : i32
        %dma_start3A_385 = arith.constant 0 : i32
        %dma_start3A_386 = arith.constant 0 : i32
        %dma_start3A_387 = tpu.memref_slice %arg9[%dma_start3A_384, %dma_start3A_385, %dma_start3A_386] : memref<2x1280x16xf32, #tpu.memory_space<vmem>> -> memref<1x1280x16xf32, #tpu.memory_space<vmem>>
        %dma_start3A_388 = tpu.memref_squeeze %dma_start3A_387 : memref<1x1280x16xf32, #tpu.memory_space<vmem>> -> memref<1280x16xf32, #tpu.memory_space<vmem>>
        %dma_start3A_389 = arith.constant 1024 : i32
        %dma_start3A_390 = arith.constant 0 : i32
        %dma_start3A_391 = tpu.memref_slice %dma_start3A_388[%dma_start3A_389, %dma_start3A_390] : memref<1280x16xf32, #tpu.memory_space<vmem>> -> memref<128x16xf32, #tpu.memory_space<vmem>>
        %dma_start3A_392 = arith.constant 0 : i32
        %dma_start3A_393 = arith.constant 0 : i32
        %dma_start3A_394 = tpu.memref_slice %arg7[%dma_start3A_382, %dma_start3A_392, %dma_start3A_393] : memref<2x10x128xi32, #tpu.memory_space<vmem>> -> memref<1x10x128xi32, #tpu.memory_space<vmem>>
        %dma_start3A_395 = tpu.memref_squeeze %dma_start3A_394 : memref<1x10x128xi32, #tpu.memory_space<vmem>> -> memref<10x128xi32, #tpu.memory_space<vmem>>
        %dma_start3A_396 = arith.constant 0 : i32
        %dma_start3A_397 = tpu.memref_slice %dma_start3A_395[%dma_start3A_383, %dma_start3A_396] : memref<10x128xi32, #tpu.memory_space<vmem>> -> memref<1x128xi32, #tpu.memory_space<vmem>>
        %dma_start3A_398 = tpu.memref_squeeze %dma_start3A_397 : memref<1x128xi32, #tpu.memory_space<vmem>> -> memref<128xi32, #tpu.memory_space<vmem>>
        %dma_start3A_399 = arith.constant 0 : i32
        %dma_start3A_400 = arith.constant 0 : i32
        %dma_start3A_401 = tpu.memref_slice %arg12[%dma_start3A_399, %dma_start3A_400] : memref<10000x16xf32, #tpu.memory_space<vmem_shared>> -> memref<10000x16xf32, #tpu.memory_space<vmem_shared>>
        tpu.enqueue_indirect_dma source(%dma_start3A_401 : memref<10000x16xf32, #tpu.memory_space<vmem_shared>>) target(%dma_start3A_391 : memref<128x16xf32, #tpu.memory_space<vmem>>) offsets(%dma_start3A_398 : memref<128xi32, #tpu.memory_space<vmem>>) semaphore(%arg15 : memref<!tpu.dma_semaphore, #tpu.memory_space<semaphore_mem>>)
        %dma_start3A_402 = arith.constant 1 : i32
        %dma_start3A_403 = arith.constant 8 : i32
        %dma_start3A_404 = arith.constant 1 : i32
        %dma_start3A_405 = arith.constant 0 : i32
        %dma_start3A_406 = arith.constant 0 : i32
        %dma_start3A_407 = tpu.memref_slice %arg10[%dma_start3A_404, %dma_start3A_405, %dma_start3A_406] : memref<2x1280x16xf32, #tpu.memory_space<vmem>> -> memref<1x1280x16xf32, #tpu.memory_space<vmem>>
        %dma_start3A_408 = tpu.memref_squeeze %dma_start3A_407 : memref<1x1280x16xf32, #tpu.memory_space<vmem>> -> memref<1280x16xf32, #tpu.memory_space<vmem>>
        %dma_start3A_409 = arith.constant 1024 : i32
        %dma_start3A_410 = arith.constant 0 : i32
        %dma_start3A_411 = tpu.memref_slice %dma_start3A_408[%dma_start3A_409, %dma_start3A_410] : memref<1280x16xf32, #tpu.memory_space<vmem>> -> memref<128x16xf32, #tpu.memory_space<vmem>>
        %dma_start3A_412 = arith.constant 0 : i32
        %dma_start3A_413 = arith.constant 0 : i32
        %dma_start3A_414 = tpu.memref_slice %arg8[%dma_start3A_402, %dma_start3A_412, %dma_start3A_413] : memref<2x10x128xi32, #tpu.memory_space<vmem>> -> memref<1x10x128xi32, #tpu.memory_space<vmem>>
        %dma_start3A_415 = tpu.memref_squeeze %dma_start3A_414 : memref<1x10x128xi32, #tpu.memory_space<vmem>> -> memref<10x128xi32, #tpu.memory_space<vmem>>
        %dma_start3A_416 = arith.constant 0 : i32
        %dma_start3A_417 = tpu.memref_slice %dma_start3A_415[%dma_start3A_403, %dma_start3A_416] : memref<10x128xi32, #tpu.memory_space<vmem>> -> memref<1x128xi32, #tpu.memory_space<vmem>>
        %dma_start3A_418 = tpu.memref_squeeze %dma_start3A_417 : memref<1x128xi32, #tpu.memory_space<vmem>> -> memref<128xi32, #tpu.memory_space<vmem>>
        %dma_start3A_419 = arith.constant 0 : i32
        %dma_start3A_420 = arith.constant 0 : i32
        %dma_start3A_421 = tpu.memref_slice %arg13[%dma_start3A_419, %dma_start3A_420] : memref<10000x16xf32, #tpu.memory_space<vmem_shared>> -> memref<10000x16xf32, #tpu.memory_space<vmem_shared>>
        tpu.enqueue_indirect_dma source(%dma_start3A_421 : memref<10000x16xf32, #tpu.memory_space<vmem_shared>>) target(%dma_start3A_411 : memref<128x16xf32, #tpu.memory_space<vmem>>) offsets(%dma_start3A_418 : memref<128xi32, #tpu.memory_space<vmem>>) semaphore(%arg17 : memref<!tpu.dma_semaphore, #tpu.memory_space<semaphore_mem>>)
        %dma_start3A_422 = arith.constant 1 : i32
        %dma_start3A_423 = arith.constant 9 : i32
        %dma_start3A_424 = arith.constant 1 : i32
        %dma_start3A_425 = arith.constant 0 : i32
        %dma_start3A_426 = arith.constant 0 : i32
        %dma_start3A_427 = tpu.memref_slice %arg9[%dma_start3A_424, %dma_start3A_425, %dma_start3A_426] : memref<2x1280x16xf32, #tpu.memory_space<vmem>> -> memref<1x1280x16xf32, #tpu.memory_space<vmem>>
        %dma_start3A_428 = tpu.memref_squeeze %dma_start3A_427 : memref<1x1280x16xf32, #tpu.memory_space<vmem>> -> memref<1280x16xf32, #tpu.memory_space<vmem>>
        %dma_start3A_429 = arith.constant 1152 : i32
        %dma_start3A_430 = arith.constant 0 : i32
        %dma_start3A_431 = tpu.memref_slice %dma_start3A_428[%dma_start3A_429, %dma_start3A_430] : memref<1280x16xf32, #tpu.memory_space<vmem>> -> memref<128x16xf32, #tpu.memory_space<vmem>>
        %dma_start3A_432 = arith.constant 0 : i32
        %dma_start3A_433 = arith.constant 0 : i32
        %dma_start3A_434 = tpu.memref_slice %arg7[%dma_start3A_422, %dma_start3A_432, %dma_start3A_433] : memref<2x10x128xi32, #tpu.memory_space<vmem>> -> memref<1x10x128xi32, #tpu.memory_space<vmem>>
        %dma_start3A_435 = tpu.memref_squeeze %dma_start3A_434 : memref<1x10x128xi32, #tpu.memory_space<vmem>> -> memref<10x128xi32, #tpu.memory_space<vmem>>
        %dma_start3A_436 = arith.constant 0 : i32
        %dma_start3A_437 = tpu.memref_slice %dma_start3A_435[%dma_start3A_423, %dma_start3A_436] : memref<10x128xi32, #tpu.memory_space<vmem>> -> memref<1x128xi32, #tpu.memory_space<vmem>>
        %dma_start3A_438 = tpu.memref_squeeze %dma_start3A_437 : memref<1x128xi32, #tpu.memory_space<vmem>> -> memref<128xi32, #tpu.memory_space<vmem>>
        %dma_start3A_439 = arith.constant 0 : i32
        %dma_start3A_440 = arith.constant 0 : i32
        %dma_start3A_441 = tpu.memref_slice %arg12[%dma_start3A_439, %dma_start3A_440] : memref<10000x16xf32, #tpu.memory_space<vmem_shared>> -> memref<10000x16xf32, #tpu.memory_space<vmem_shared>>
        tpu.enqueue_indirect_dma source(%dma_start3A_441 : memref<10000x16xf32, #tpu.memory_space<vmem_shared>>) target(%dma_start3A_431 : memref<128x16xf32, #tpu.memory_space<vmem>>) offsets(%dma_start3A_438 : memref<128xi32, #tpu.memory_space<vmem>>) semaphore(%arg15 : memref<!tpu.dma_semaphore, #tpu.memory_space<semaphore_mem>>)
        %dma_start3A_442 = arith.constant 1 : i32
        %dma_start3A_443 = arith.constant 9 : i32
        %dma_start3A_444 = arith.constant 1 : i32
        %dma_start3A_445 = arith.constant 0 : i32
        %dma_start3A_446 = arith.constant 0 : i32
        %dma_start3A_447 = tpu.memref_slice %arg10[%dma_start3A_444, %dma_start3A_445, %dma_start3A_446] : memref<2x1280x16xf32, #tpu.memory_space<vmem>> -> memref<1x1280x16xf32, #tpu.memory_space<vmem>>
        %dma_start3A_448 = tpu.memref_squeeze %dma_start3A_447 : memref<1x1280x16xf32, #tpu.memory_space<vmem>> -> memref<1280x16xf32, #tpu.memory_space<vmem>>
        %dma_start3A_449 = arith.constant 1152 : i32
        %dma_start3A_450 = arith.constant 0 : i32
        %dma_start3A_451 = tpu.memref_slice %dma_start3A_448[%dma_start3A_449, %dma_start3A_450] : memref<1280x16xf32, #tpu.memory_space<vmem>> -> memref<128x16xf32, #tpu.memory_space<vmem>>
        %dma_start3A_452 = arith.constant 0 : i32
        %dma_start3A_453 = arith.constant 0 : i32
        %dma_start3A_454 = tpu.memref_slice %arg8[%dma_start3A_442, %dma_start3A_452, %dma_start3A_453] : memref<2x10x128xi32, #tpu.memory_space<vmem>> -> memref<1x10x128xi32, #tpu.memory_space<vmem>>
        %dma_start3A_455 = tpu.memref_squeeze %dma_start3A_454 : memref<1x10x128xi32, #tpu.memory_space<vmem>> -> memref<10x128xi32, #tpu.memory_space<vmem>>
        %dma_start3A_456 = arith.constant 0 : i32
        %dma_start3A_457 = tpu.memref_slice %dma_start3A_455[%dma_start3A_443, %dma_start3A_456] : memref<10x128xi32, #tpu.memory_space<vmem>> -> memref<1x128xi32, #tpu.memory_space<vmem>>
        %dma_start3A_458 = tpu.memref_squeeze %dma_start3A_457 : memref<1x128xi32, #tpu.memory_space<vmem>> -> memref<128xi32, #tpu.memory_space<vmem>>
        %dma_start3A_459 = arith.constant 0 : i32
        %dma_start3A_460 = arith.constant 0 : i32
        %dma_start3A_461 = tpu.memref_slice %arg13[%dma_start3A_459, %dma_start3A_460] : memref<10000x16xf32, #tpu.memory_space<vmem_shared>> -> memref<10000x16xf32, #tpu.memory_space<vmem_shared>>
        tpu.enqueue_indirect_dma source(%dma_start3A_461 : memref<10000x16xf32, #tpu.memory_space<vmem_shared>>) target(%dma_start3A_451 : memref<128x16xf32, #tpu.memory_space<vmem>>) offsets(%dma_start3A_458 : memref<128xi32, #tpu.memory_space<vmem>>) semaphore(%arg17 : memref<!tpu.dma_semaphore, #tpu.memory_space<semaphore_mem>>)
      } else {
      }
      %lt3A_41 = arith.cmpi slt, %mul3A_34, %select_n3A : i32
      %convert_element_type3A_42 = arith.extui %lt3A_41 : i1 to i32
      %cond3A_43 = arith.constant 0 : i32
      %cond3A_44 = arith.cmpi ne, %convert_element_type3A_42, %cond3A_43 : i32
      scf.if %cond3A_44 {
        %ge3A = arith.constant 1 : i32
        %ge3A_57 = arith.cmpi sge, %mul3A_34, %ge3A : i32
        %convert_element_type3A_58 = arith.extui %ge3A_57 : i1 to i32
        %cond3A_59 = arith.constant 0 : i32
        %cond3A_60 = arith.cmpi ne, %convert_element_type3A_58, %cond3A_59 : i32
        scf.if %cond3A_60 {
          %dma_wait3A_99 = arith.constant 0 : i32
          %dma_wait3A_100 = tpu.memref_slice %arg6[%dma_wait3A_99] : memref<2560000xf32, #tpu.memory_space<hbm>> -> memref<10240xf32, #tpu.memory_space<hbm>>
          %dma_wait3A_101 = arith.constant 0 : i32
          %dma_wait3A_102 = tpu.memref_slice %arg6[%dma_wait3A_101] : memref<2560000xf32, #tpu.memory_space<hbm>> -> memref<10240xf32, #tpu.memory_space<hbm>>
          tpu.wait_dma2 semaphore(%arg18 : memref<!tpu.dma_semaphore, #tpu.memory_space<semaphore_mem>>) src(%dma_wait3A_102 : memref<10240xf32, #tpu.memory_space<hbm>>) dst(%arg11 : memref<10240xf32, #tpu.memory_space<vmem>>)
        } else {
        }
        %dma_wait3A_61 = arith.constant 0 : i32
        %dma_wait3A_62 = arith.constant 0 : i32
        %dma_wait3A_63 = arith.constant 0 : i32
        %dma_wait3A_64 = tpu.memref_slice %arg9[%dma_wait3A_61, %dma_wait3A_62, %dma_wait3A_63] : memref<2x1280x16xf32, #tpu.memory_space<vmem>> -> memref<1x1280x16xf32, #tpu.memory_space<vmem>>
        %dma_wait3A_65 = tpu.memref_squeeze %dma_wait3A_64 : memref<1x1280x16xf32, #tpu.memory_space<vmem>> -> memref<1280x16xf32, #tpu.memory_space<vmem>>
        %dma_wait3A_66 = arith.constant 0 : i32
        %dma_wait3A_67 = arith.constant 0 : i32
        %dma_wait3A_68 = tpu.memref_slice %arg12[%dma_wait3A_66, %dma_wait3A_67] : memref<10000x16xf32, #tpu.memory_space<vmem_shared>> -> memref<1280x16xf32, #tpu.memory_space<vmem_shared>>
        %dma_wait3A_69 = arith.constant 0 : i32
        %dma_wait3A_70 = arith.constant 0 : i32
        %dma_wait3A_71 = tpu.memref_slice %arg9[%dma_wait3A_61, %dma_wait3A_69, %dma_wait3A_70] : memref<2x1280x16xf32, #tpu.memory_space<vmem>> -> memref<1x1280x16xf32, #tpu.memory_space<vmem>>
        %dma_wait3A_72 = tpu.memref_squeeze %dma_wait3A_71 : memref<1x1280x16xf32, #tpu.memory_space<vmem>> -> memref<1280x16xf32, #tpu.memory_space<vmem>>
        %dma_wait3A_73 = arith.constant 0 : i32
        %dma_wait3A_74 = arith.constant 0 : i32
        %dma_wait3A_75 = tpu.memref_slice %arg12[%dma_wait3A_73, %dma_wait3A_74] : memref<10000x16xf32, #tpu.memory_space<vmem_shared>> -> memref<1280x16xf32, #tpu.memory_space<vmem_shared>>
        tpu.wait_dma2 semaphore(%arg14 : memref<!tpu.dma_semaphore, #tpu.memory_space<semaphore_mem>>) src(%dma_wait3A_75 : memref<1280x16xf32, #tpu.memory_space<vmem_shared>>) dst(%dma_wait3A_72 : memref<1280x16xf32, #tpu.memory_space<vmem>>)
        %dma_wait3A_76 = arith.constant 0 : i32
        %dma_wait3A_77 = arith.constant 0 : i32
        %dma_wait3A_78 = arith.constant 0 : i32
        %dma_wait3A_79 = tpu.memref_slice %arg10[%dma_wait3A_76, %dma_wait3A_77, %dma_wait3A_78] : memref<2x1280x16xf32, #tpu.memory_space<vmem>> -> memref<1x1280x16xf32, #tpu.memory_space<vmem>>
        %dma_wait3A_80 = tpu.memref_squeeze %dma_wait3A_79 : memref<1x1280x16xf32, #tpu.memory_space<vmem>> -> memref<1280x16xf32, #tpu.memory_space<vmem>>
        %dma_wait3A_81 = arith.constant 0 : i32
        %dma_wait3A_82 = arith.constant 0 : i32
        %dma_wait3A_83 = tpu.memref_slice %arg13[%dma_wait3A_81, %dma_wait3A_82] : memref<10000x16xf32, #tpu.memory_space<vmem_shared>> -> memref<1280x16xf32, #tpu.memory_space<vmem_shared>>
        %dma_wait3A_84 = arith.constant 0 : i32
        %dma_wait3A_85 = arith.constant 0 : i32
        %dma_wait3A_86 = tpu.memref_slice %arg10[%dma_wait3A_76, %dma_wait3A_84, %dma_wait3A_85] : memref<2x1280x16xf32, #tpu.memory_space<vmem>> -> memref<1x1280x16xf32, #tpu.memory_space<vmem>>
        %dma_wait3A_87 = tpu.memref_squeeze %dma_wait3A_86 : memref<1x1280x16xf32, #tpu.memory_space<vmem>> -> memref<1280x16xf32, #tpu.memory_space<vmem>>
        %dma_wait3A_88 = arith.constant 0 : i32
        %dma_wait3A_89 = arith.constant 0 : i32
        %dma_wait3A_90 = tpu.memref_slice %arg13[%dma_wait3A_88, %dma_wait3A_89] : memref<10000x16xf32, #tpu.memory_space<vmem_shared>> -> memref<1280x16xf32, #tpu.memory_space<vmem_shared>>
        tpu.wait_dma2 semaphore(%arg16 : memref<!tpu.dma_semaphore, #tpu.memory_space<semaphore_mem>>) src(%dma_wait3A_90 : memref<1280x16xf32, #tpu.memory_space<vmem_shared>>) dst(%dma_wait3A_87 : memref<1280x16xf32, #tpu.memory_space<vmem>>)
        %parallel_loop3A = arith.constant 0 : i32
        %parallel_loop3A_91 = arith.constant 640 : i32
        %parallel_loop3A_92 = arith.constant 1 : i32
        scf.for %parallel_loop3A_99 = %parallel_loop3A to %parallel_loop3A_91 step %parallel_loop3A_92  : i32 {
          %parallel_loop3A_100 = arith.constant 2 : i32
          %parallel_loop3A_101 = arith.muli %parallel_loop3A_100, %parallel_loop3A_99 : i32
          %parallel_loop3A_102 = arith.constant 0 : i32
          %parallel_loop3A_103 = arith.index_cast %parallel_loop3A_102 : i32 to index
          %parallel_loop3A_104 = arith.index_cast %parallel_loop3A_101 : i32 to index
          %parallel_loop3A_105 = arith.constant 0 : index
          %parallel_loop3A_106 = tpu.vector_load %arg9[%parallel_loop3A_103, %parallel_loop3A_104, %parallel_loop3A_105] {strides = array<i32>} : memref<2x1280x16xf32, #tpu.memory_space<vmem>>, vector<16xf32>,
          %parallel_loop3A_107 = arith.constant 2 : i32
          %parallel_loop3A_108 = arith.muli %parallel_loop3A_107, %parallel_loop3A_99 : i32
          %parallel_loop3A_109 = arith.constant 0 : i32
          %parallel_loop3A_110 = arith.index_cast %parallel_loop3A_109 : i32 to index
          %parallel_loop3A_111 = arith.index_cast %parallel_loop3A_108 : i32 to index
          %parallel_loop3A_112 = arith.constant 0 : index
          %parallel_loop3A_113 = tpu.vector_load %arg10[%parallel_loop3A_110, %parallel_loop3A_111, %parallel_loop3A_112] {strides = array<i32>} : memref<2x1280x16xf32, #tpu.memory_space<vmem>>, vector<16xf32>,
          %parallel_loop3A_114 = arith.addf %parallel_loop3A_106, %parallel_loop3A_113 : vector<16xf32>
          %parallel_loop3A_115 = arith.constant 2 : i32
          %parallel_loop3A_116 = arith.muli %parallel_loop3A_115, %parallel_loop3A_99 : i32
          %parallel_loop3A_117 = arith.constant 1 : i32
          %parallel_loop3A_118 = arith.addi %parallel_loop3A_116, %parallel_loop3A_117 : i32
          %parallel_loop3A_119 = arith.constant 0 : i32
          %parallel_loop3A_120 = arith.index_cast %parallel_loop3A_119 : i32 to index
          %parallel_loop3A_121 = arith.index_cast %parallel_loop3A_118 : i32 to index
          %parallel_loop3A_122 = arith.constant 0 : index
          %parallel_loop3A_123 = tpu.vector_load %arg9[%parallel_loop3A_120, %parallel_loop3A_121, %parallel_loop3A_122] {strides = array<i32>} : memref<2x1280x16xf32, #tpu.memory_space<vmem>>, vector<16xf32>,
          %parallel_loop3A_124 = arith.constant 2 : i32
          %parallel_loop3A_125 = arith.muli %parallel_loop3A_124, %parallel_loop3A_99 : i32
          %parallel_loop3A_126 = arith.constant 1 : i32
          %parallel_loop3A_127 = arith.addi %parallel_loop3A_125, %parallel_loop3A_126 : i32
          %parallel_loop3A_128 = arith.constant 0 : i32
          %parallel_loop3A_129 = arith.index_cast %parallel_loop3A_128 : i32 to index
          %parallel_loop3A_130 = arith.index_cast %parallel_loop3A_127 : i32 to index
          %parallel_loop3A_131 = arith.constant 0 : index
          %parallel_loop3A_132 = tpu.vector_load %arg10[%parallel_loop3A_129, %parallel_loop3A_130, %parallel_loop3A_131] {strides = array<i32>} : memref<2x1280x16xf32, #tpu.memory_space<vmem>>, vector<16xf32>,
          %parallel_loop3A_133 = arith.addf %parallel_loop3A_123, %parallel_loop3A_132 : vector<16xf32>
          %parallel_loop3A_134 = arith.select %lt3A_13, %parallel_loop3A_114, %parallel_loop3A_133 : vector<16xi1>, vector<16xf32>
          %parallel_loop3A_135 = math.exp %parallel_loop3A_134 : vector<16xf32>
          %parallel_loop3A_136 = arith.constant 1.000000e+00 : f32
          %parallel_loop3A_137 = vector.broadcast %parallel_loop3A_136 : f32 to vector<16xf32>
          %parallel_loop3A_138 = arith.addf %parallel_loop3A_137, %parallel_loop3A_135 : vector<16xf32>
          %parallel_loop3A_139 = arith.constant 1.000000e+00 : f32
          %parallel_loop3A_140 = vector.broadcast %parallel_loop3A_139 : f32 to vector<16xf32>
          %parallel_loop3A_141 = arith.divf %parallel_loop3A_140, %parallel_loop3A_138 : vector<16xf32>
          %parallel_loop3A_142 = arith.constant 6 : i32
          %parallel_loop3A_143 = arith.shrui %parallel_loop3A_99, %parallel_loop3A_142 : i32
          %parallel_loop3A_144 = arith.constant 1024 : i32
          %parallel_loop3A_145 = arith.muli %parallel_loop3A_143, %parallel_loop3A_144 : i32
          %parallel_loop3A_146 = arith.constant 63 : i32
          %parallel_loop3A_147 = arith.andi %parallel_loop3A_99, %parallel_loop3A_146 : i32
          %parallel_loop3A_148 = arith.constant 2 : i32
          %parallel_loop3A_149 = arith.muli %parallel_loop3A_147, %parallel_loop3A_148 : i32
          %parallel_loop3A_150 = arith.addi %parallel_loop3A_145, %parallel_loop3A_149 : i32
          %parallel_loop3A_151 = vector.broadcast %parallel_loop3A_150 : i32 to vector<16xi32>
          %parallel_loop3A_152 = arith.addi %add3A_21, %parallel_loop3A_151 : vector<16xi32>
          tpu.vector_store_idx %arg11[%parallel_loop3A_152], %parallel_loop3A_141 : memref<10240xf32, #tpu.memory_space<vmem>>[vector<16xi32>], vector<16xf32>,
        } {sc.loop_unroll_factor = 16 : i64, sc.parallel_access}
        %mul3A_93 = arith.constant 32 : i32
        %mul3A_94 = arith.muli %mul3A_34, %mul3A_93 : i32
        %add3A_95 = arith.addi %add3A, %mul3A_94 : i32
        %mul3A_96 = arith.constant 10240 : i32
        %mul3A_97 = arith.muli %add3A_95, %mul3A_96 : i32
        %dma_start3A = tpu.memref_slice %arg6[%mul3A_97] : memref<2560000xf32, #tpu.memory_space<hbm>> -> memref<10240xf32, #tpu.memory_space<hbm>>
        %dma_start3A_98 = tpu.memref_slice %arg6[%mul3A_97] : memref<2560000xf32, #tpu.memory_space<hbm>> -> memref<10240xf32, #tpu.memory_space<hbm>>
        tpu.enqueue_dma source(%arg11 : memref<10240xf32, #tpu.memory_space<vmem>>) target(%dma_start3A_98 : memref<10240xf32, #tpu.memory_space<hbm>>) target_semaphore(%arg18 : memref<!tpu.dma_semaphore, #tpu.memory_space<semaphore_mem>>)
      } else {
      }
      %add3A_45 = arith.constant 2 : i32
      %add3A_46 = arith.addi %mul3A_34, %add3A_45 : i32
      %lt3A_47 = arith.cmpi slt, %add3A_46, %select_n3A : i32
      %convert_element_type3A_48 = arith.extui %lt3A_47 : i1 to i32
      %cond3A_49 = arith.constant 0 : i32
      %cond3A_50 = arith.cmpi ne, %convert_element_type3A_48, %cond3A_49 : i32
      scf.if %cond3A_50 {
        %mul3A_57 = arith.constant 32 : i32
        %mul3A_58 = arith.muli %add3A_46, %mul3A_57 : i32
        %add3A_59 = arith.addi %add3A, %mul3A_58 : i32
        %mul3A_60 = arith.constant 10 : i32
        %mul3A_61 = arith.muli %add3A_59, %mul3A_60 : i32
        %run_scoped3A = arith.constant 0 : i32
        "tpu.region"() ({
          %run_scoped3A_462 = tpu.sem_alloc : memref<!tpu.dma_semaphore, #tpu.memory_space<semaphore_mem>>
          %dma_start3A_463 = arith.constant 0 : i32
          %dma_start3A_464 = arith.constant 0 : i32
          %dma_start3A_465 = tpu.memref_slice %arg7[%run_scoped3A, %dma_start3A_463, %dma_start3A_464] : memref<2x10x128xi32, #tpu.memory_space<vmem>> -> memref<1x10x128xi32, #tpu.memory_space<vmem>>
          %dma_start3A_466 = tpu.memref_squeeze %dma_start3A_465 : memref<1x10x128xi32, #tpu.memory_space<vmem>> -> memref<10x128xi32, #tpu.memory_space<vmem>>
          %dma_start3A_467 = arith.constant 0 : i32
          %dma_start3A_468 = tpu.memref_slice %arg4[%mul3A_61, %dma_start3A_467] : memref<2500x128xi32, #tpu.memory_space<hbm>> -> memref<10x128xi32, #tpu.memory_space<hbm>>
          %dma_start3A_469 = arith.constant 0 : i32
          %dma_start3A_470 = arith.constant 0 : i32
          %dma_start3A_471 = tpu.memref_slice %arg7[%run_scoped3A, %dma_start3A_469, %dma_start3A_470] : memref<2x10x128xi32, #tpu.memory_space<vmem>> -> memref<1x10x128xi32, #tpu.memory_space<vmem>>
          %dma_start3A_472 = tpu.memref_squeeze %dma_start3A_471 : memref<1x10x128xi32, #tpu.memory_space<vmem>> -> memref<10x128xi32, #tpu.memory_space<vmem>>
          %dma_start3A_473 = arith.constant 0 : i32
          %dma_start3A_474 = tpu.memref_slice %arg4[%mul3A_61, %dma_start3A_473] : memref<2500x128xi32, #tpu.memory_space<hbm>> -> memref<10x128xi32, #tpu.memory_space<hbm>>
          tpu.enqueue_dma source(%dma_start3A_474 : memref<10x128xi32, #tpu.memory_space<hbm>>) target(%dma_start3A_472 : memref<10x128xi32, #tpu.memory_space<vmem>>) target_semaphore(%run_scoped3A_462 : memref<!tpu.dma_semaphore, #tpu.memory_space<semaphore_mem>>)
          %dma_wait3A_475 = arith.constant 0 : i32
          %dma_wait3A_476 = arith.constant 0 : i32
          %dma_wait3A_477 = tpu.memref_slice %arg7[%run_scoped3A, %dma_wait3A_475, %dma_wait3A_476] : memref<2x10x128xi32, #tpu.memory_space<vmem>> -> memref<1x10x128xi32, #tpu.memory_space<vmem>>
          %dma_wait3A_478 = tpu.memref_squeeze %dma_wait3A_477 : memref<1x10x128xi32, #tpu.memory_space<vmem>> -> memref<10x128xi32, #tpu.memory_space<vmem>>
          %dma_wait3A_479 = arith.constant 0 : i32
          %dma_wait3A_480 = tpu.memref_slice %arg4[%mul3A_61, %dma_wait3A_479] : memref<2500x128xi32, #tpu.memory_space<hbm>> -> memref<10x128xi32, #tpu.memory_space<hbm>>
          %dma_wait3A_481 = arith.constant 0 : i32
          %dma_wait3A_482 = arith.constant 0 : i32
          %dma_wait3A_483 = tpu.memref_slice %arg7[%run_scoped3A, %dma_wait3A_481, %dma_wait3A_482] : memref<2x10x128xi32, #tpu.memory_space<vmem>> -> memref<1x10x128xi32, #tpu.memory_space<vmem>>
          %dma_wait3A_484 = tpu.memref_squeeze %dma_wait3A_483 : memref<1x10x128xi32, #tpu.memory_space<vmem>> -> memref<10x128xi32, #tpu.memory_space<vmem>>
          %dma_wait3A_485 = arith.constant 0 : i32
          %dma_wait3A_486 = tpu.memref_slice %arg4[%mul3A_61, %dma_wait3A_485] : memref<2500x128xi32, #tpu.memory_space<hbm>> -> memref<10x128xi32, #tpu.memory_space<hbm>>
          tpu.wait_dma2 semaphore(%run_scoped3A_462 : memref<!tpu.dma_semaphore, #tpu.memory_space<semaphore_mem>>) src(%dma_wait3A_486 : memref<10x128xi32, #tpu.memory_space<hbm>>) dst(%dma_wait3A_484 : memref<10x128xi32, #tpu.memory_space<vmem>>)
          tpu.yield
        }) : () -> ()
        %run_scoped3A_62 = arith.constant 0 : i32
        "tpu.region"() ({
          %run_scoped3A_462 = tpu.sem_alloc : memref<!tpu.dma_semaphore, #tpu.memory_space<semaphore_mem>>
          %dma_start3A_463 = arith.constant 0 : i32
          %dma_start3A_464 = arith.constant 0 : i32
          %dma_start3A_465 = tpu.memref_slice %arg8[%run_scoped3A_62, %dma_start3A_463, %dma_start3A_464] : memref<2x10x128xi32, #tpu.memory_space<vmem>> -> memref<1x10x128xi32, #tpu.memory_space<vmem>>
          %dma_start3A_466 = tpu.memref_squeeze %dma_start3A_465 : memref<1x10x128xi32, #tpu.memory_space<vmem>> -> memref<10x128xi32, #tpu.memory_space<vmem>>
          %dma_start3A_467 = arith.constant 0 : i32
          %dma_start3A_468 = tpu.memref_slice %arg5[%mul3A_61, %dma_start3A_467] : memref<2500x128xi32, #tpu.memory_space<hbm>> -> memref<10x128xi32, #tpu.memory_space<hbm>>
          %dma_start3A_469 = arith.constant 0 : i32
          %dma_start3A_470 = arith.constant 0 : i32
          %dma_start3A_471 = tpu.memref_slice %arg8[%run_scoped3A_62, %dma_start3A_469, %dma_start3A_470] : memref<2x10x128xi32, #tpu.memory_space<vmem>> -> memref<1x10x128xi32, #tpu.memory_space<vmem>>
          %dma_start3A_472 = tpu.memref_squeeze %dma_start3A_471 : memref<1x10x128xi32, #tpu.memory_space<vmem>> -> memref<10x128xi32, #tpu.memory_space<vmem>>
          %dma_start3A_473 = arith.constant 0 : i32
          %dma_start3A_474 = tpu.memref_slice %arg5[%mul3A_61, %dma_start3A_473] : memref<2500x128xi32, #tpu.memory_space<hbm>> -> memref<10x128xi32, #tpu.memory_space<hbm>>
          tpu.enqueue_dma source(%dma_start3A_474 : memref<10x128xi32, #tpu.memory_space<hbm>>) target(%dma_start3A_472 : memref<10x128xi32, #tpu.memory_space<vmem>>) target_semaphore(%run_scoped3A_462 : memref<!tpu.dma_semaphore, #tpu.memory_space<semaphore_mem>>)
          %dma_wait3A_475 = arith.constant 0 : i32
          %dma_wait3A_476 = arith.constant 0 : i32
          %dma_wait3A_477 = tpu.memref_slice %arg8[%run_scoped3A_62, %dma_wait3A_475, %dma_wait3A_476] : memref<2x10x128xi32, #tpu.memory_space<vmem>> -> memref<1x10x128xi32, #tpu.memory_space<vmem>>
          %dma_wait3A_478 = tpu.memref_squeeze %dma_wait3A_477 : memref<1x10x128xi32, #tpu.memory_space<vmem>> -> memref<10x128xi32, #tpu.memory_space<vmem>>
          %dma_wait3A_479 = arith.constant 0 : i32
          %dma_wait3A_480 = tpu.memref_slice %arg5[%mul3A_61, %dma_wait3A_479] : memref<2500x128xi32, #tpu.memory_space<hbm>> -> memref<10x128xi32, #tpu.memory_space<hbm>>
          %dma_wait3A_481 = arith.constant 0 : i32
          %dma_wait3A_482 = arith.constant 0 : i32
          %dma_wait3A_483 = tpu.memref_slice %arg8[%run_scoped3A_62, %dma_wait3A_481, %dma_wait3A_482] : memref<2x10x128xi32, #tpu.memory_space<vmem>> -> memref<1x10x128xi32, #tpu.memory_space<vmem>>
          %dma_wait3A_484 = tpu.memref_squeeze %dma_wait3A_483 : memref<1x10x128xi32, #tpu.memory_space<vmem>> -> memref<10x128xi32, #tpu.memory_space<vmem>>
          %dma_wait3A_485 = arith.constant 0 : i32
          %dma_wait3A_486 = tpu.memref_slice %arg5[%mul3A_61, %dma_wait3A_485] : memref<2500x128xi32, #tpu.memory_space<hbm>> -> memref<10x128xi32, #tpu.memory_space<hbm>>
          tpu.wait_dma2 semaphore(%run_scoped3A_462 : memref<!tpu.dma_semaphore, #tpu.memory_space<semaphore_mem>>) src(%dma_wait3A_486 : memref<10x128xi32, #tpu.memory_space<hbm>>) dst(%dma_wait3A_484 : memref<10x128xi32, #tpu.memory_space<vmem>>)
          tpu.yield
        }) : () -> ()
        %dma_start3A = arith.constant 0 : i32
        %dma_start3A_63 = arith.constant 0 : i32
        %dma_start3A_64 = arith.constant 0 : i32
        %dma_start3A_65 = arith.constant 0 : i32
        %dma_start3A_66 = arith.constant 0 : i32
        %dma_start3A_67 = tpu.memref_slice %arg9[%dma_start3A_64, %dma_start3A_65, %dma_start3A_66] : memref<2x1280x16xf32, #tpu.memory_space<vmem>> -> memref<1x1280x16xf32, #tpu.memory_space<vmem>>
        %dma_start3A_68 = tpu.memref_squeeze %dma_start3A_67 : memref<1x1280x16xf32, #tpu.memory_space<vmem>> -> memref<1280x16xf32, #tpu.memory_space<vmem>>
        %dma_start3A_69 = arith.constant 0 : i32
        %dma_start3A_70 = arith.constant 0 : i32
        %dma_start3A_71 = tpu.memref_slice %dma_start3A_68[%dma_start3A_69, %dma_start3A_70] : memref<1280x16xf32, #tpu.memory_space<vmem>> -> memref<128x16xf32, #tpu.memory_space<vmem>>
        %dma_start3A_72 = arith.constant 0 : i32
        %dma_start3A_73 = arith.constant 0 : i32
        %dma_start3A_74 = tpu.memref_slice %arg7[%dma_start3A, %dma_start3A_72, %dma_start3A_73] : memref<2x10x128xi32, #tpu.memory_space<vmem>> -> memref<1x10x128xi32, #tpu.memory_space<vmem>>
        %dma_start3A_75 = tpu.memref_squeeze %dma_start3A_74 : memref<1x10x128xi32, #tpu.memory_space<vmem>> -> memref<10x128xi32, #tpu.memory_space<vmem>>
        %dma_start3A_76 = arith.constant 0 : i32
        %dma_start3A_77 = tpu.memref_slice %dma_start3A_75[%dma_start3A_63, %dma_start3A_76] : memref<10x128xi32, #tpu.memory_space<vmem>> -> memref<1x128xi32, #tpu.memory_space<vmem>>
        %dma_start3A_78 = tpu.memref_squeeze %dma_start3A_77 : memref<1x128xi32, #tpu.memory_space<vmem>> -> memref<128xi32, #tpu.memory_space<vmem>>
        %dma_start3A_79 = arith.constant 0 : i32
        %dma_start3A_80 = arith.constant 0 : i32
        %dma_start3A_81 = tpu.memref_slice %arg12[%dma_start3A_79, %dma_start3A_80] : memref<10000x16xf32, #tpu.memory_space<vmem_shared>> -> memref<10000x16xf32, #tpu.memory_space<vmem_shared>>
        tpu.enqueue_indirect_dma source(%dma_start3A_81 : memref<10000x16xf32, #tpu.memory_space<vmem_shared>>) target(%dma_start3A_71 : memref<128x16xf32, #tpu.memory_space<vmem>>) offsets(%dma_start3A_78 : memref<128xi32, #tpu.memory_space<vmem>>) semaphore(%arg14 : memref<!tpu.dma_semaphore, #tpu.memory_space<semaphore_mem>>)
        %dma_start3A_82 = arith.constant 0 : i32
        %dma_start3A_83 = arith.constant 0 : i32
        %dma_start3A_84 = arith.constant 0 : i32
        %dma_start3A_85 = arith.constant 0 : i32
        %dma_start3A_86 = arith.constant 0 : i32
        %dma_start3A_87 = tpu.memref_slice %arg10[%dma_start3A_84, %dma_start3A_85, %dma_start3A_86] : memref<2x1280x16xf32, #tpu.memory_space<vmem>> -> memref<1x1280x16xf32, #tpu.memory_space<vmem>>
        %dma_start3A_88 = tpu.memref_squeeze %dma_start3A_87 : memref<1x1280x16xf32, #tpu.memory_space<vmem>> -> memref<1280x16xf32, #tpu.memory_space<vmem>>
        %dma_start3A_89 = arith.constant 0 : i32
        %dma_start3A_90 = arith.constant 0 : i32
        %dma_start3A_91 = tpu.memref_slice %dma_start3A_88[%dma_start3A_89, %dma_start3A_90] : memref<1280x16xf32, #tpu.memory_space<vmem>> -> memref<128x16xf32, #tpu.memory_space<vmem>>
        %dma_start3A_92 = arith.constant 0 : i32
        %dma_start3A_93 = arith.constant 0 : i32
        %dma_start3A_94 = tpu.memref_slice %arg8[%dma_start3A_82, %dma_start3A_92, %dma_start3A_93] : memref<2x10x128xi32, #tpu.memory_space<vmem>> -> memref<1x10x128xi32, #tpu.memory_space<vmem>>
        %dma_start3A_95 = tpu.memref_squeeze %dma_start3A_94 : memref<1x10x128xi32, #tpu.memory_space<vmem>> -> memref<10x128xi32, #tpu.memory_space<vmem>>
        %dma_start3A_96 = arith.constant 0 : i32
        %dma_start3A_97 = tpu.memref_slice %dma_start3A_95[%dma_start3A_83, %dma_start3A_96] : memref<10x128xi32, #tpu.memory_space<vmem>> -> memref<1x128xi32, #tpu.memory_space<vmem>>
        %dma_start3A_98 = tpu.memref_squeeze %dma_start3A_97 : memref<1x128xi32, #tpu.memory_space<vmem>> -> memref<128xi32, #tpu.memory_space<vmem>>
        %dma_start3A_99 = arith.constant 0 : i32
        %dma_start3A_100 = arith.constant 0 : i32
        %dma_start3A_101 = tpu.memref_slice %arg13[%dma_start3A_99, %dma_start3A_100] : memref<10000x16xf32, #tpu.memory_space<vmem_shared>> -> memref<10000x16xf32, #tpu.memory_space<vmem_shared>>
        tpu.enqueue_indirect_dma source(%dma_start3A_101 : memref<10000x16xf32, #tpu.memory_space<vmem_shared>>) target(%dma_start3A_91 : memref<128x16xf32, #tpu.memory_space<vmem>>) offsets(%dma_start3A_98 : memref<128xi32, #tpu.memory_space<vmem>>) semaphore(%arg16 : memref<!tpu.dma_semaphore, #tpu.memory_space<semaphore_mem>>)
        %dma_start3A_102 = arith.constant 0 : i32
        %dma_start3A_103 = arith.constant 1 : i32
        %dma_start3A_104 = arith.constant 0 : i32
        %dma_start3A_105 = arith.constant 0 : i32
        %dma_start3A_106 = arith.constant 0 : i32
        %dma_start3A_107 = tpu.memref_slice %arg9[%dma_start3A_104, %dma_start3A_105, %dma_start3A_106] : memref<2x1280x16xf32, #tpu.memory_space<vmem>> -> memref<1x1280x16xf32, #tpu.memory_space<vmem>>
        %dma_start3A_108 = tpu.memref_squeeze %dma_start3A_107 : memref<1x1280x16xf32, #tpu.memory_space<vmem>> -> memref<1280x16xf32, #tpu.memory_space<vmem>>
        %dma_start3A_109 = arith.constant 128 : i32
        %dma_start3A_110 = arith.constant 0 : i32
        %dma_start3A_111 = tpu.memref_slice %dma_start3A_108[%dma_start3A_109, %dma_start3A_110] : memref<1280x16xf32, #tpu.memory_space<vmem>> -> memref<128x16xf32, #tpu.memory_space<vmem>>
        %dma_start3A_112 = arith.constant 0 : i32
        %dma_start3A_113 = arith.constant 0 : i32
        %dma_start3A_114 = tpu.memref_slice %arg7[%dma_start3A_102, %dma_start3A_112, %dma_start3A_113] : memref<2x10x128xi32, #tpu.memory_space<vmem>> -> memref<1x10x128xi32, #tpu.memory_space<vmem>>
        %dma_start3A_115 = tpu.memref_squeeze %dma_start3A_114 : memref<1x10x128xi32, #tpu.memory_space<vmem>> -> memref<10x128xi32, #tpu.memory_space<vmem>>
        %dma_start3A_116 = arith.constant 0 : i32
        %dma_start3A_117 = tpu.memref_slice %dma_start3A_115[%dma_start3A_103, %dma_start3A_116] : memref<10x128xi32, #tpu.memory_space<vmem>> -> memref<1x128xi32, #tpu.memory_space<vmem>>
        %dma_start3A_118 = tpu.memref_squeeze %dma_start3A_117 : memref<1x128xi32, #tpu.memory_space<vmem>> -> memref<128xi32, #tpu.memory_space<vmem>>
        %dma_start3A_119 = arith.constant 0 : i32
        %dma_start3A_120 = arith.constant 0 : i32
        %dma_start3A_121 = tpu.memref_slice %arg12[%dma_start3A_119, %dma_start3A_120] : memref<10000x16xf32, #tpu.memory_space<vmem_shared>> -> memref<10000x16xf32, #tpu.memory_space<vmem_shared>>
        tpu.enqueue_indirect_dma source(%dma_start3A_121 : memref<10000x16xf32, #tpu.memory_space<vmem_shared>>) target(%dma_start3A_111 : memref<128x16xf32, #tpu.memory_space<vmem>>) offsets(%dma_start3A_118 : memref<128xi32, #tpu.memory_space<vmem>>) semaphore(%arg14 : memref<!tpu.dma_semaphore, #tpu.memory_space<semaphore_mem>>)
        %dma_start3A_122 = arith.constant 0 : i32
        %dma_start3A_123 = arith.constant 1 : i32
        %dma_start3A_124 = arith.constant 0 : i32
        %dma_start3A_125 = arith.constant 0 : i32
        %dma_start3A_126 = arith.constant 0 : i32
        %dma_start3A_127 = tpu.memref_slice %arg10[%dma_start3A_124, %dma_start3A_125, %dma_start3A_126] : memref<2x1280x16xf32, #tpu.memory_space<vmem>> -> memref<1x1280x16xf32, #tpu.memory_space<vmem>>
        %dma_start3A_128 = tpu.memref_squeeze %dma_start3A_127 : memref<1x1280x16xf32, #tpu.memory_space<vmem>> -> memref<1280x16xf32, #tpu.memory_space<vmem>>
        %dma_start3A_129 = arith.constant 128 : i32
        %dma_start3A_130 = arith.constant 0 : i32
        %dma_start3A_131 = tpu.memref_slice %dma_start3A_128[%dma_start3A_129, %dma_start3A_130] : memref<1280x16xf32, #tpu.memory_space<vmem>> -> memref<128x16xf32, #tpu.memory_space<vmem>>
        %dma_start3A_132 = arith.constant 0 : i32
        %dma_start3A_133 = arith.constant 0 : i32
        %dma_start3A_134 = tpu.memref_slice %arg8[%dma_start3A_122, %dma_start3A_132, %dma_start3A_133] : memref<2x10x128xi32, #tpu.memory_space<vmem>> -> memref<1x10x128xi32, #tpu.memory_space<vmem>>
        %dma_start3A_135 = tpu.memref_squeeze %dma_start3A_134 : memref<1x10x128xi32, #tpu.memory_space<vmem>> -> memref<10x128xi32, #tpu.memory_space<vmem>>
        %dma_start3A_136 = arith.constant 0 : i32
        %dma_start3A_137 = tpu.memref_slice %dma_start3A_135[%dma_start3A_123, %dma_start3A_136] : memref<10x128xi32, #tpu.memory_space<vmem>> -> memref<1x128xi32, #tpu.memory_space<vmem>>
        %dma_start3A_138 = tpu.memref_squeeze %dma_start3A_137 : memref<1x128xi32, #tpu.memory_space<vmem>> -> memref<128xi32, #tpu.memory_space<vmem>>
        %dma_start3A_139 = arith.constant 0 : i32
        %dma_start3A_140 = arith.constant 0 : i32
        %dma_start3A_141 = tpu.memref_slice %arg13[%dma_start3A_139, %dma_start3A_140] : memref<10000x16xf32, #tpu.memory_space<vmem_shared>> -> memref<10000x16xf32, #tpu.memory_space<vmem_shared>>
        tpu.enqueue_indirect_dma source(%dma_start3A_141 : memref<10000x16xf32, #tpu.memory_space<vmem_shared>>) target(%dma_start3A_131 : memref<128x16xf32, #tpu.memory_space<vmem>>) offsets(%dma_start3A_138 : memref<128xi32, #tpu.memory_space<vmem>>) semaphore(%arg16 : memref<!tpu.dma_semaphore, #tpu.memory_space<semaphore_mem>>)
        %dma_start3A_142 = arith.constant 0 : i32
        %dma_start3A_143 = arith.constant 2 : i32
        %dma_start3A_144 = arith.constant 0 : i32
        %dma_start3A_145 = arith.constant 0 : i32
        %dma_start3A_146 = arith.constant 0 : i32
        %dma_start3A_147 = tpu.memref_slice %arg9[%dma_start3A_144, %dma_start3A_145, %dma_start3A_146] : memref<2x1280x16xf32, #tpu.memory_space<vmem>> -> memref<1x1280x16xf32, #tpu.memory_space<vmem>>
        %dma_start3A_148 = tpu.memref_squeeze %dma_start3A_147 : memref<1x1280x16xf32, #tpu.memory_space<vmem>> -> memref<1280x16xf32, #tpu.memory_space<vmem>>
        %dma_start3A_149 = arith.constant 256 : i32
        %dma_start3A_150 = arith.constant 0 : i32
        %dma_start3A_151 = tpu.memref_slice %dma_start3A_148[%dma_start3A_149, %dma_start3A_150] : memref<1280x16xf32, #tpu.memory_space<vmem>> -> memref<128x16xf32, #tpu.memory_space<vmem>>
        %dma_start3A_152 = arith.constant 0 : i32
        %dma_start3A_153 = arith.constant 0 : i32
        %dma_start3A_154 = tpu.memref_slice %arg7[%dma_start3A_142, %dma_start3A_152, %dma_start3A_153] : memref<2x10x128xi32, #tpu.memory_space<vmem>> -> memref<1x10x128xi32, #tpu.memory_space<vmem>>
        %dma_start3A_155 = tpu.memref_squeeze %dma_start3A_154 : memref<1x10x128xi32, #tpu.memory_space<vmem>> -> memref<10x128xi32, #tpu.memory_space<vmem>>
        %dma_start3A_156 = arith.constant 0 : i32
        %dma_start3A_157 = tpu.memref_slice %dma_start3A_155[%dma_start3A_143, %dma_start3A_156] : memref<10x128xi32, #tpu.memory_space<vmem>> -> memref<1x128xi32, #tpu.memory_space<vmem>>
        %dma_start3A_158 = tpu.memref_squeeze %dma_start3A_157 : memref<1x128xi32, #tpu.memory_space<vmem>> -> memref<128xi32, #tpu.memory_space<vmem>>
        %dma_start3A_159 = arith.constant 0 : i32
        %dma_start3A_160 = arith.constant 0 : i32
        %dma_start3A_161 = tpu.memref_slice %arg12[%dma_start3A_159, %dma_start3A_160] : memref<10000x16xf32, #tpu.memory_space<vmem_shared>> -> memref<10000x16xf32, #tpu.memory_space<vmem_shared>>
        tpu.enqueue_indirect_dma source(%dma_start3A_161 : memref<10000x16xf32, #tpu.memory_space<vmem_shared>>) target(%dma_start3A_151 : memref<128x16xf32, #tpu.memory_space<vmem>>) offsets(%dma_start3A_158 : memref<128xi32, #tpu.memory_space<vmem>>) semaphore(%arg14 : memref<!tpu.dma_semaphore, #tpu.memory_space<semaphore_mem>>)
        %dma_start3A_162 = arith.constant 0 : i32
        %dma_start3A_163 = arith.constant 2 : i32
        %dma_start3A_164 = arith.constant 0 : i32
        %dma_start3A_165 = arith.constant 0 : i32
        %dma_start3A_166 = arith.constant 0 : i32
        %dma_start3A_167 = tpu.memref_slice %arg10[%dma_start3A_164, %dma_start3A_165, %dma_start3A_166] : memref<2x1280x16xf32, #tpu.memory_space<vmem>> -> memref<1x1280x16xf32, #tpu.memory_space<vmem>>
        %dma_start3A_168 = tpu.memref_squeeze %dma_start3A_167 : memref<1x1280x16xf32, #tpu.memory_space<vmem>> -> memref<1280x16xf32, #tpu.memory_space<vmem>>
        %dma_start3A_169 = arith.constant 256 : i32
        %dma_start3A_170 = arith.constant 0 : i32
        %dma_start3A_171 = tpu.memref_slice %dma_start3A_168[%dma_start3A_169, %dma_start3A_170] : memref<1280x16xf32, #tpu.memory_space<vmem>> -> memref<128x16xf32, #tpu.memory_space<vmem>>
        %dma_start3A_172 = arith.constant 0 : i32
        %dma_start3A_173 = arith.constant 0 : i32
        %dma_start3A_174 = tpu.memref_slice %arg8[%dma_start3A_162, %dma_start3A_172, %dma_start3A_173] : memref<2x10x128xi32, #tpu.memory_space<vmem>> -> memref<1x10x128xi32, #tpu.memory_space<vmem>>
        %dma_start3A_175 = tpu.memref_squeeze %dma_start3A_174 : memref<1x10x128xi32, #tpu.memory_space<vmem>> -> memref<10x128xi32, #tpu.memory_space<vmem>>
        %dma_start3A_176 = arith.constant 0 : i32
        %dma_start3A_177 = tpu.memref_slice %dma_start3A_175[%dma_start3A_163, %dma_start3A_176] : memref<10x128xi32, #tpu.memory_space<vmem>> -> memref<1x128xi32, #tpu.memory_space<vmem>>
        %dma_start3A_178 = tpu.memref_squeeze %dma_start3A_177 : memref<1x128xi32, #tpu.memory_space<vmem>> -> memref<128xi32, #tpu.memory_space<vmem>>
        %dma_start3A_179 = arith.constant 0 : i32
        %dma_start3A_180 = arith.constant 0 : i32
        %dma_start3A_181 = tpu.memref_slice %arg13[%dma_start3A_179, %dma_start3A_180] : memref<10000x16xf32, #tpu.memory_space<vmem_shared>> -> memref<10000x16xf32, #tpu.memory_space<vmem_shared>>
        tpu.enqueue_indirect_dma source(%dma_start3A_181 : memref<10000x16xf32, #tpu.memory_space<vmem_shared>>) target(%dma_start3A_171 : memref<128x16xf32, #tpu.memory_space<vmem>>) offsets(%dma_start3A_178 : memref<128xi32, #tpu.memory_space<vmem>>) semaphore(%arg16 : memref<!tpu.dma_semaphore, #tpu.memory_space<semaphore_mem>>)
        %dma_start3A_182 = arith.constant 0 : i32
        %dma_start3A_183 = arith.constant 3 : i32
        %dma_start3A_184 = arith.constant 0 : i32
        %dma_start3A_185 = arith.constant 0 : i32
        %dma_start3A_186 = arith.constant 0 : i32
        %dma_start3A_187 = tpu.memref_slice %arg9[%dma_start3A_184, %dma_start3A_185, %dma_start3A_186] : memref<2x1280x16xf32, #tpu.memory_space<vmem>> -> memref<1x1280x16xf32, #tpu.memory_space<vmem>>
        %dma_start3A_188 = tpu.memref_squeeze %dma_start3A_187 : memref<1x1280x16xf32, #tpu.memory_space<vmem>> -> memref<1280x16xf32, #tpu.memory_space<vmem>>
        %dma_start3A_189 = arith.constant 384 : i32
        %dma_start3A_190 = arith.constant 0 : i32
        %dma_start3A_191 = tpu.memref_slice %dma_start3A_188[%dma_start3A_189, %dma_start3A_190] : memref<1280x16xf32, #tpu.memory_space<vmem>> -> memref<128x16xf32, #tpu.memory_space<vmem>>
        %dma_start3A_192 = arith.constant 0 : i32
        %dma_start3A_193 = arith.constant 0 : i32
        %dma_start3A_194 = tpu.memref_slice %arg7[%dma_start3A_182, %dma_start3A_192, %dma_start3A_193] : memref<2x10x128xi32, #tpu.memory_space<vmem>> -> memref<1x10x128xi32, #tpu.memory_space<vmem>>
        %dma_start3A_195 = tpu.memref_squeeze %dma_start3A_194 : memref<1x10x128xi32, #tpu.memory_space<vmem>> -> memref<10x128xi32, #tpu.memory_space<vmem>>
        %dma_start3A_196 = arith.constant 0 : i32
        %dma_start3A_197 = tpu.memref_slice %dma_start3A_195[%dma_start3A_183, %dma_start3A_196] : memref<10x128xi32, #tpu.memory_space<vmem>> -> memref<1x128xi32, #tpu.memory_space<vmem>>
        %dma_start3A_198 = tpu.memref_squeeze %dma_start3A_197 : memref<1x128xi32, #tpu.memory_space<vmem>> -> memref<128xi32, #tpu.memory_space<vmem>>
        %dma_start3A_199 = arith.constant 0 : i32
        %dma_start3A_200 = arith.constant 0 : i32
        %dma_start3A_201 = tpu.memref_slice %arg12[%dma_start3A_199, %dma_start3A_200] : memref<10000x16xf32, #tpu.memory_space<vmem_shared>> -> memref<10000x16xf32, #tpu.memory_space<vmem_shared>>
        tpu.enqueue_indirect_dma source(%dma_start3A_201 : memref<10000x16xf32, #tpu.memory_space<vmem_shared>>) target(%dma_start3A_191 : memref<128x16xf32, #tpu.memory_space<vmem>>) offsets(%dma_start3A_198 : memref<128xi32, #tpu.memory_space<vmem>>) semaphore(%arg14 : memref<!tpu.dma_semaphore, #tpu.memory_space<semaphore_mem>>)
        %dma_start3A_202 = arith.constant 0 : i32
        %dma_start3A_203 = arith.constant 3 : i32
        %dma_start3A_204 = arith.constant 0 : i32
        %dma_start3A_205 = arith.constant 0 : i32
        %dma_start3A_206 = arith.constant 0 : i32
        %dma_start3A_207 = tpu.memref_slice %arg10[%dma_start3A_204, %dma_start3A_205, %dma_start3A_206] : memref<2x1280x16xf32, #tpu.memory_space<vmem>> -> memref<1x1280x16xf32, #tpu.memory_space<vmem>>
        %dma_start3A_208 = tpu.memref_squeeze %dma_start3A_207 : memref<1x1280x16xf32, #tpu.memory_space<vmem>> -> memref<1280x16xf32, #tpu.memory_space<vmem>>
        %dma_start3A_209 = arith.constant 384 : i32
        %dma_start3A_210 = arith.constant 0 : i32
        %dma_start3A_211 = tpu.memref_slice %dma_start3A_208[%dma_start3A_209, %dma_start3A_210] : memref<1280x16xf32, #tpu.memory_space<vmem>> -> memref<128x16xf32, #tpu.memory_space<vmem>>
        %dma_start3A_212 = arith.constant 0 : i32
        %dma_start3A_213 = arith.constant 0 : i32
        %dma_start3A_214 = tpu.memref_slice %arg8[%dma_start3A_202, %dma_start3A_212, %dma_start3A_213] : memref<2x10x128xi32, #tpu.memory_space<vmem>> -> memref<1x10x128xi32, #tpu.memory_space<vmem>>
        %dma_start3A_215 = tpu.memref_squeeze %dma_start3A_214 : memref<1x10x128xi32, #tpu.memory_space<vmem>> -> memref<10x128xi32, #tpu.memory_space<vmem>>
        %dma_start3A_216 = arith.constant 0 : i32
        %dma_start3A_217 = tpu.memref_slice %dma_start3A_215[%dma_start3A_203, %dma_start3A_216] : memref<10x128xi32, #tpu.memory_space<vmem>> -> memref<1x128xi32, #tpu.memory_space<vmem>>
        %dma_start3A_218 = tpu.memref_squeeze %dma_start3A_217 : memref<1x128xi32, #tpu.memory_space<vmem>> -> memref<128xi32, #tpu.memory_space<vmem>>
        %dma_start3A_219 = arith.constant 0 : i32
        %dma_start3A_220 = arith.constant 0 : i32
        %dma_start3A_221 = tpu.memref_slice %arg13[%dma_start3A_219, %dma_start3A_220] : memref<10000x16xf32, #tpu.memory_space<vmem_shared>> -> memref<10000x16xf32, #tpu.memory_space<vmem_shared>>
        tpu.enqueue_indirect_dma source(%dma_start3A_221 : memref<10000x16xf32, #tpu.memory_space<vmem_shared>>) target(%dma_start3A_211 : memref<128x16xf32, #tpu.memory_space<vmem>>) offsets(%dma_start3A_218 : memref<128xi32, #tpu.memory_space<vmem>>) semaphore(%arg16 : memref<!tpu.dma_semaphore, #tpu.memory_space<semaphore_mem>>)
        %dma_start3A_222 = arith.constant 0 : i32
        %dma_start3A_223 = arith.constant 4 : i32
        %dma_start3A_224 = arith.constant 0 : i32
        %dma_start3A_225 = arith.constant 0 : i32
        %dma_start3A_226 = arith.constant 0 : i32
        %dma_start3A_227 = tpu.memref_slice %arg9[%dma_start3A_224, %dma_start3A_225, %dma_start3A_226] : memref<2x1280x16xf32, #tpu.memory_space<vmem>> -> memref<1x1280x16xf32, #tpu.memory_space<vmem>>
        %dma_start3A_228 = tpu.memref_squeeze %dma_start3A_227 : memref<1x1280x16xf32, #tpu.memory_space<vmem>> -> memref<1280x16xf32, #tpu.memory_space<vmem>>
        %dma_start3A_229 = arith.constant 512 : i32
        %dma_start3A_230 = arith.constant 0 : i32
        %dma_start3A_231 = tpu.memref_slice %dma_start3A_228[%dma_start3A_229, %dma_start3A_230] : memref<1280x16xf32, #tpu.memory_space<vmem>> -> memref<128x16xf32, #tpu.memory_space<vmem>>
        %dma_start3A_232 = arith.constant 0 : i32
        %dma_start3A_233 = arith.constant 0 : i32
        %dma_start3A_234 = tpu.memref_slice %arg7[%dma_start3A_222, %dma_start3A_232, %dma_start3A_233] : memref<2x10x128xi32, #tpu.memory_space<vmem>> -> memref<1x10x128xi32, #tpu.memory_space<vmem>>
        %dma_start3A_235 = tpu.memref_squeeze %dma_start3A_234 : memref<1x10x128xi32, #tpu.memory_space<vmem>> -> memref<10x128xi32, #tpu.memory_space<vmem>>
        %dma_start3A_236 = arith.constant 0 : i32
        %dma_start3A_237 = tpu.memref_slice %dma_start3A_235[%dma_start3A_223, %dma_start3A_236] : memref<10x128xi32, #tpu.memory_space<vmem>> -> memref<1x128xi32, #tpu.memory_space<vmem>>
        %dma_start3A_238 = tpu.memref_squeeze %dma_start3A_237 : memref<1x128xi32, #tpu.memory_space<vmem>> -> memref<128xi32, #tpu.memory_space<vmem>>
        %dma_start3A_239 = arith.constant 0 : i32
        %dma_start3A_240 = arith.constant 0 : i32
        %dma_start3A_241 = tpu.memref_slice %arg12[%dma_start3A_239, %dma_start3A_240] : memref<10000x16xf32, #tpu.memory_space<vmem_shared>> -> memref<10000x16xf32, #tpu.memory_space<vmem_shared>>
        tpu.enqueue_indirect_dma source(%dma_start3A_241 : memref<10000x16xf32, #tpu.memory_space<vmem_shared>>) target(%dma_start3A_231 : memref<128x16xf32, #tpu.memory_space<vmem>>) offsets(%dma_start3A_238 : memref<128xi32, #tpu.memory_space<vmem>>) semaphore(%arg14 : memref<!tpu.dma_semaphore, #tpu.memory_space<semaphore_mem>>)
        %dma_start3A_242 = arith.constant 0 : i32
        %dma_start3A_243 = arith.constant 4 : i32
        %dma_start3A_244 = arith.constant 0 : i32
        %dma_start3A_245 = arith.constant 0 : i32
        %dma_start3A_246 = arith.constant 0 : i32
        %dma_start3A_247 = tpu.memref_slice %arg10[%dma_start3A_244, %dma_start3A_245, %dma_start3A_246] : memref<2x1280x16xf32, #tpu.memory_space<vmem>> -> memref<1x1280x16xf32, #tpu.memory_space<vmem>>
        %dma_start3A_248 = tpu.memref_squeeze %dma_start3A_247 : memref<1x1280x16xf32, #tpu.memory_space<vmem>> -> memref<1280x16xf32, #tpu.memory_space<vmem>>
        %dma_start3A_249 = arith.constant 512 : i32
        %dma_start3A_250 = arith.constant 0 : i32
        %dma_start3A_251 = tpu.memref_slice %dma_start3A_248[%dma_start3A_249, %dma_start3A_250] : memref<1280x16xf32, #tpu.memory_space<vmem>> -> memref<128x16xf32, #tpu.memory_space<vmem>>
        %dma_start3A_252 = arith.constant 0 : i32
        %dma_start3A_253 = arith.constant 0 : i32
        %dma_start3A_254 = tpu.memref_slice %arg8[%dma_start3A_242, %dma_start3A_252, %dma_start3A_253] : memref<2x10x128xi32, #tpu.memory_space<vmem>> -> memref<1x10x128xi32, #tpu.memory_space<vmem>>
        %dma_start3A_255 = tpu.memref_squeeze %dma_start3A_254 : memref<1x10x128xi32, #tpu.memory_space<vmem>> -> memref<10x128xi32, #tpu.memory_space<vmem>>
        %dma_start3A_256 = arith.constant 0 : i32
        %dma_start3A_257 = tpu.memref_slice %dma_start3A_255[%dma_start3A_243, %dma_start3A_256] : memref<10x128xi32, #tpu.memory_space<vmem>> -> memref<1x128xi32, #tpu.memory_space<vmem>>
        %dma_start3A_258 = tpu.memref_squeeze %dma_start3A_257 : memref<1x128xi32, #tpu.memory_space<vmem>> -> memref<128xi32, #tpu.memory_space<vmem>>
        %dma_start3A_259 = arith.constant 0 : i32
        %dma_start3A_260 = arith.constant 0 : i32
        %dma_start3A_261 = tpu.memref_slice %arg13[%dma_start3A_259, %dma_start3A_260] : memref<10000x16xf32, #tpu.memory_space<vmem_shared>> -> memref<10000x16xf32, #tpu.memory_space<vmem_shared>>
        tpu.enqueue_indirect_dma source(%dma_start3A_261 : memref<10000x16xf32, #tpu.memory_space<vmem_shared>>) target(%dma_start3A_251 : memref<128x16xf32, #tpu.memory_space<vmem>>) offsets(%dma_start3A_258 : memref<128xi32, #tpu.memory_space<vmem>>) semaphore(%arg16 : memref<!tpu.dma_semaphore, #tpu.memory_space<semaphore_mem>>)
        %dma_start3A_262 = arith.constant 0 : i32
        %dma_start3A_263 = arith.constant 5 : i32
        %dma_start3A_264 = arith.constant 0 : i32
        %dma_start3A_265 = arith.constant 0 : i32
        %dma_start3A_266 = arith.constant 0 : i32
        %dma_start3A_267 = tpu.memref_slice %arg9[%dma_start3A_264, %dma_start3A_265, %dma_start3A_266] : memref<2x1280x16xf32, #tpu.memory_space<vmem>> -> memref<1x1280x16xf32, #tpu.memory_space<vmem>>
        %dma_start3A_268 = tpu.memref_squeeze %dma_start3A_267 : memref<1x1280x16xf32, #tpu.memory_space<vmem>> -> memref<1280x16xf32, #tpu.memory_space<vmem>>
        %dma_start3A_269 = arith.constant 640 : i32
        %dma_start3A_270 = arith.constant 0 : i32
        %dma_start3A_271 = tpu.memref_slice %dma_start3A_268[%dma_start3A_269, %dma_start3A_270] : memref<1280x16xf32, #tpu.memory_space<vmem>> -> memref<128x16xf32, #tpu.memory_space<vmem>>
        %dma_start3A_272 = arith.constant 0 : i32
        %dma_start3A_273 = arith.constant 0 : i32
        %dma_start3A_274 = tpu.memref_slice %arg7[%dma_start3A_262, %dma_start3A_272, %dma_start3A_273] : memref<2x10x128xi32, #tpu.memory_space<vmem>> -> memref<1x10x128xi32, #tpu.memory_space<vmem>>
        %dma_start3A_275 = tpu.memref_squeeze %dma_start3A_274 : memref<1x10x128xi32, #tpu.memory_space<vmem>> -> memref<10x128xi32, #tpu.memory_space<vmem>>
        %dma_start3A_276 = arith.constant 0 : i32
        %dma_start3A_277 = tpu.memref_slice %dma_start3A_275[%dma_start3A_263, %dma_start3A_276] : memref<10x128xi32, #tpu.memory_space<vmem>> -> memref<1x128xi32, #tpu.memory_space<vmem>>
        %dma_start3A_278 = tpu.memref_squeeze %dma_start3A_277 : memref<1x128xi32, #tpu.memory_space<vmem>> -> memref<128xi32, #tpu.memory_space<vmem>>
        %dma_start3A_279 = arith.constant 0 : i32
        %dma_start3A_280 = arith.constant 0 : i32
        %dma_start3A_281 = tpu.memref_slice %arg12[%dma_start3A_279, %dma_start3A_280] : memref<10000x16xf32, #tpu.memory_space<vmem_shared>> -> memref<10000x16xf32, #tpu.memory_space<vmem_shared>>
        tpu.enqueue_indirect_dma source(%dma_start3A_281 : memref<10000x16xf32, #tpu.memory_space<vmem_shared>>) target(%dma_start3A_271 : memref<128x16xf32, #tpu.memory_space<vmem>>) offsets(%dma_start3A_278 : memref<128xi32, #tpu.memory_space<vmem>>) semaphore(%arg14 : memref<!tpu.dma_semaphore, #tpu.memory_space<semaphore_mem>>)
        %dma_start3A_282 = arith.constant 0 : i32
        %dma_start3A_283 = arith.constant 5 : i32
        %dma_start3A_284 = arith.constant 0 : i32
        %dma_start3A_285 = arith.constant 0 : i32
        %dma_start3A_286 = arith.constant 0 : i32
        %dma_start3A_287 = tpu.memref_slice %arg10[%dma_start3A_284, %dma_start3A_285, %dma_start3A_286] : memref<2x1280x16xf32, #tpu.memory_space<vmem>> -> memref<1x1280x16xf32, #tpu.memory_space<vmem>>
        %dma_start3A_288 = tpu.memref_squeeze %dma_start3A_287 : memref<1x1280x16xf32, #tpu.memory_space<vmem>> -> memref<1280x16xf32, #tpu.memory_space<vmem>>
        %dma_start3A_289 = arith.constant 640 : i32
        %dma_start3A_290 = arith.constant 0 : i32
        %dma_start3A_291 = tpu.memref_slice %dma_start3A_288[%dma_start3A_289, %dma_start3A_290] : memref<1280x16xf32, #tpu.memory_space<vmem>> -> memref<128x16xf32, #tpu.memory_space<vmem>>
        %dma_start3A_292 = arith.constant 0 : i32
        %dma_start3A_293 = arith.constant 0 : i32
        %dma_start3A_294 = tpu.memref_slice %arg8[%dma_start3A_282, %dma_start3A_292, %dma_start3A_293] : memref<2x10x128xi32, #tpu.memory_space<vmem>> -> memref<1x10x128xi32, #tpu.memory_space<vmem>>
        %dma_start3A_295 = tpu.memref_squeeze %dma_start3A_294 : memref<1x10x128xi32, #tpu.memory_space<vmem>> -> memref<10x128xi32, #tpu.memory_space<vmem>>
        %dma_start3A_296 = arith.constant 0 : i32
        %dma_start3A_297 = tpu.memref_slice %dma_start3A_295[%dma_start3A_283, %dma_start3A_296] : memref<10x128xi32, #tpu.memory_space<vmem>> -> memref<1x128xi32, #tpu.memory_space<vmem>>
        %dma_start3A_298 = tpu.memref_squeeze %dma_start3A_297 : memref<1x128xi32, #tpu.memory_space<vmem>> -> memref<128xi32, #tpu.memory_space<vmem>>
        %dma_start3A_299 = arith.constant 0 : i32
        %dma_start3A_300 = arith.constant 0 : i32
        %dma_start3A_301 = tpu.memref_slice %arg13[%dma_start3A_299, %dma_start3A_300] : memref<10000x16xf32, #tpu.memory_space<vmem_shared>> -> memref<10000x16xf32, #tpu.memory_space<vmem_shared>>
        tpu.enqueue_indirect_dma source(%dma_start3A_301 : memref<10000x16xf32, #tpu.memory_space<vmem_shared>>) target(%dma_start3A_291 : memref<128x16xf32, #tpu.memory_space<vmem>>) offsets(%dma_start3A_298 : memref<128xi32, #tpu.memory_space<vmem>>) semaphore(%arg16 : memref<!tpu.dma_semaphore, #tpu.memory_space<semaphore_mem>>)
        %dma_start3A_302 = arith.constant 0 : i32
        %dma_start3A_303 = arith.constant 6 : i32
        %dma_start3A_304 = arith.constant 0 : i32
        %dma_start3A_305 = arith.constant 0 : i32
        %dma_start3A_306 = arith.constant 0 : i32
        %dma_start3A_307 = tpu.memref_slice %arg9[%dma_start3A_304, %dma_start3A_305, %dma_start3A_306] : memref<2x1280x16xf32, #tpu.memory_space<vmem>> -> memref<1x1280x16xf32, #tpu.memory_space<vmem>>
        %dma_start3A_308 = tpu.memref_squeeze %dma_start3A_307 : memref<1x1280x16xf32, #tpu.memory_space<vmem>> -> memref<1280x16xf32, #tpu.memory_space<vmem>>
        %dma_start3A_309 = arith.constant 768 : i32
        %dma_start3A_310 = arith.constant 0 : i32
        %dma_start3A_311 = tpu.memref_slice %dma_start3A_308[%dma_start3A_309, %dma_start3A_310] : memref<1280x16xf32, #tpu.memory_space<vmem>> -> memref<128x16xf32, #tpu.memory_space<vmem>>
        %dma_start3A_312 = arith.constant 0 : i32
        %dma_start3A_313 = arith.constant 0 : i32
        %dma_start3A_314 = tpu.memref_slice %arg7[%dma_start3A_302, %dma_start3A_312, %dma_start3A_313] : memref<2x10x128xi32, #tpu.memory_space<vmem>> -> memref<1x10x128xi32, #tpu.memory_space<vmem>>
        %dma_start3A_315 = tpu.memref_squeeze %dma_start3A_314 : memref<1x10x128xi32, #tpu.memory_space<vmem>> -> memref<10x128xi32, #tpu.memory_space<vmem>>
        %dma_start3A_316 = arith.constant 0 : i32
        %dma_start3A_317 = tpu.memref_slice %dma_start3A_315[%dma_start3A_303, %dma_start3A_316] : memref<10x128xi32, #tpu.memory_space<vmem>> -> memref<1x128xi32, #tpu.memory_space<vmem>>
        %dma_start3A_318 = tpu.memref_squeeze %dma_start3A_317 : memref<1x128xi32, #tpu.memory_space<vmem>> -> memref<128xi32, #tpu.memory_space<vmem>>
        %dma_start3A_319 = arith.constant 0 : i32
        %dma_start3A_320 = arith.constant 0 : i32
        %dma_start3A_321 = tpu.memref_slice %arg12[%dma_start3A_319, %dma_start3A_320] : memref<10000x16xf32, #tpu.memory_space<vmem_shared>> -> memref<10000x16xf32, #tpu.memory_space<vmem_shared>>
        tpu.enqueue_indirect_dma source(%dma_start3A_321 : memref<10000x16xf32, #tpu.memory_space<vmem_shared>>) target(%dma_start3A_311 : memref<128x16xf32, #tpu.memory_space<vmem>>) offsets(%dma_start3A_318 : memref<128xi32, #tpu.memory_space<vmem>>) semaphore(%arg14 : memref<!tpu.dma_semaphore, #tpu.memory_space<semaphore_mem>>)
        %dma_start3A_322 = arith.constant 0 : i32
        %dma_start3A_323 = arith.constant 6 : i32
        %dma_start3A_324 = arith.constant 0 : i32
        %dma_start3A_325 = arith.constant 0 : i32
        %dma_start3A_326 = arith.constant 0 : i32
        %dma_start3A_327 = tpu.memref_slice %arg10[%dma_start3A_324, %dma_start3A_325, %dma_start3A_326] : memref<2x1280x16xf32, #tpu.memory_space<vmem>> -> memref<1x1280x16xf32, #tpu.memory_space<vmem>>
        %dma_start3A_328 = tpu.memref_squeeze %dma_start3A_327 : memref<1x1280x16xf32, #tpu.memory_space<vmem>> -> memref<1280x16xf32, #tpu.memory_space<vmem>>
        %dma_start3A_329 = arith.constant 768 : i32
        %dma_start3A_330 = arith.constant 0 : i32
        %dma_start3A_331 = tpu.memref_slice %dma_start3A_328[%dma_start3A_329, %dma_start3A_330] : memref<1280x16xf32, #tpu.memory_space<vmem>> -> memref<128x16xf32, #tpu.memory_space<vmem>>
        %dma_start3A_332 = arith.constant 0 : i32
        %dma_start3A_333 = arith.constant 0 : i32
        %dma_start3A_334 = tpu.memref_slice %arg8[%dma_start3A_322, %dma_start3A_332, %dma_start3A_333] : memref<2x10x128xi32, #tpu.memory_space<vmem>> -> memref<1x10x128xi32, #tpu.memory_space<vmem>>
        %dma_start3A_335 = tpu.memref_squeeze %dma_start3A_334 : memref<1x10x128xi32, #tpu.memory_space<vmem>> -> memref<10x128xi32, #tpu.memory_space<vmem>>
        %dma_start3A_336 = arith.constant 0 : i32
        %dma_start3A_337 = tpu.memref_slice %dma_start3A_335[%dma_start3A_323, %dma_start3A_336] : memref<10x128xi32, #tpu.memory_space<vmem>> -> memref<1x128xi32, #tpu.memory_space<vmem>>
        %dma_start3A_338 = tpu.memref_squeeze %dma_start3A_337 : memref<1x128xi32, #tpu.memory_space<vmem>> -> memref<128xi32, #tpu.memory_space<vmem>>
        %dma_start3A_339 = arith.constant 0 : i32
        %dma_start3A_340 = arith.constant 0 : i32
        %dma_start3A_341 = tpu.memref_slice %arg13[%dma_start3A_339, %dma_start3A_340] : memref<10000x16xf32, #tpu.memory_space<vmem_shared>> -> memref<10000x16xf32, #tpu.memory_space<vmem_shared>>
        tpu.enqueue_indirect_dma source(%dma_start3A_341 : memref<10000x16xf32, #tpu.memory_space<vmem_shared>>) target(%dma_start3A_331 : memref<128x16xf32, #tpu.memory_space<vmem>>) offsets(%dma_start3A_338 : memref<128xi32, #tpu.memory_space<vmem>>) semaphore(%arg16 : memref<!tpu.dma_semaphore, #tpu.memory_space<semaphore_mem>>)
        %dma_start3A_342 = arith.constant 0 : i32
        %dma_start3A_343 = arith.constant 7 : i32
        %dma_start3A_344 = arith.constant 0 : i32
        %dma_start3A_345 = arith.constant 0 : i32
        %dma_start3A_346 = arith.constant 0 : i32
        %dma_start3A_347 = tpu.memref_slice %arg9[%dma_start3A_344, %dma_start3A_345, %dma_start3A_346] : memref<2x1280x16xf32, #tpu.memory_space<vmem>> -> memref<1x1280x16xf32, #tpu.memory_space<vmem>>
        %dma_start3A_348 = tpu.memref_squeeze %dma_start3A_347 : memref<1x1280x16xf32, #tpu.memory_space<vmem>> -> memref<1280x16xf32, #tpu.memory_space<vmem>>
        %dma_start3A_349 = arith.constant 896 : i32
        %dma_start3A_350 = arith.constant 0 : i32
        %dma_start3A_351 = tpu.memref_slice %dma_start3A_348[%dma_start3A_349, %dma_start3A_350] : memref<1280x16xf32, #tpu.memory_space<vmem>> -> memref<128x16xf32, #tpu.memory_space<vmem>>
        %dma_start3A_352 = arith.constant 0 : i32
        %dma_start3A_353 = arith.constant 0 : i32
        %dma_start3A_354 = tpu.memref_slice %arg7[%dma_start3A_342, %dma_start3A_352, %dma_start3A_353] : memref<2x10x128xi32, #tpu.memory_space<vmem>> -> memref<1x10x128xi32, #tpu.memory_space<vmem>>
        %dma_start3A_355 = tpu.memref_squeeze %dma_start3A_354 : memref<1x10x128xi32, #tpu.memory_space<vmem>> -> memref<10x128xi32, #tpu.memory_space<vmem>>
        %dma_start3A_356 = arith.constant 0 : i32
        %dma_start3A_357 = tpu.memref_slice %dma_start3A_355[%dma_start3A_343, %dma_start3A_356] : memref<10x128xi32, #tpu.memory_space<vmem>> -> memref<1x128xi32, #tpu.memory_space<vmem>>
        %dma_start3A_358 = tpu.memref_squeeze %dma_start3A_357 : memref<1x128xi32, #tpu.memory_space<vmem>> -> memref<128xi32, #tpu.memory_space<vmem>>
        %dma_start3A_359 = arith.constant 0 : i32
        %dma_start3A_360 = arith.constant 0 : i32
        %dma_start3A_361 = tpu.memref_slice %arg12[%dma_start3A_359, %dma_start3A_360] : memref<10000x16xf32, #tpu.memory_space<vmem_shared>> -> memref<10000x16xf32, #tpu.memory_space<vmem_shared>>
        tpu.enqueue_indirect_dma source(%dma_start3A_361 : memref<10000x16xf32, #tpu.memory_space<vmem_shared>>) target(%dma_start3A_351 : memref<128x16xf32, #tpu.memory_space<vmem>>) offsets(%dma_start3A_358 : memref<128xi32, #tpu.memory_space<vmem>>) semaphore(%arg14 : memref<!tpu.dma_semaphore, #tpu.memory_space<semaphore_mem>>)
        %dma_start3A_362 = arith.constant 0 : i32
        %dma_start3A_363 = arith.constant 7 : i32
        %dma_start3A_364 = arith.constant 0 : i32
        %dma_start3A_365 = arith.constant 0 : i32
        %dma_start3A_366 = arith.constant 0 : i32
        %dma_start3A_367 = tpu.memref_slice %arg10[%dma_start3A_364, %dma_start3A_365, %dma_start3A_366] : memref<2x1280x16xf32, #tpu.memory_space<vmem>> -> memref<1x1280x16xf32, #tpu.memory_space<vmem>>
        %dma_start3A_368 = tpu.memref_squeeze %dma_start3A_367 : memref<1x1280x16xf32, #tpu.memory_space<vmem>> -> memref<1280x16xf32, #tpu.memory_space<vmem>>
        %dma_start3A_369 = arith.constant 896 : i32
        %dma_start3A_370 = arith.constant 0 : i32
        %dma_start3A_371 = tpu.memref_slice %dma_start3A_368[%dma_start3A_369, %dma_start3A_370] : memref<1280x16xf32, #tpu.memory_space<vmem>> -> memref<128x16xf32, #tpu.memory_space<vmem>>
        %dma_start3A_372 = arith.constant 0 : i32
        %dma_start3A_373 = arith.constant 0 : i32
        %dma_start3A_374 = tpu.memref_slice %arg8[%dma_start3A_362, %dma_start3A_372, %dma_start3A_373] : memref<2x10x128xi32, #tpu.memory_space<vmem>> -> memref<1x10x128xi32, #tpu.memory_space<vmem>>
        %dma_start3A_375 = tpu.memref_squeeze %dma_start3A_374 : memref<1x10x128xi32, #tpu.memory_space<vmem>> -> memref<10x128xi32, #tpu.memory_space<vmem>>
        %dma_start3A_376 = arith.constant 0 : i32
        %dma_start3A_377 = tpu.memref_slice %dma_start3A_375[%dma_start3A_363, %dma_start3A_376] : memref<10x128xi32, #tpu.memory_space<vmem>> -> memref<1x128xi32, #tpu.memory_space<vmem>>
        %dma_start3A_378 = tpu.memref_squeeze %dma_start3A_377 : memref<1x128xi32, #tpu.memory_space<vmem>> -> memref<128xi32, #tpu.memory_space<vmem>>
        %dma_start3A_379 = arith.constant 0 : i32
        %dma_start3A_380 = arith.constant 0 : i32
        %dma_start3A_381 = tpu.memref_slice %arg13[%dma_start3A_379, %dma_start3A_380] : memref<10000x16xf32, #tpu.memory_space<vmem_shared>> -> memref<10000x16xf32, #tpu.memory_space<vmem_shared>>
        tpu.enqueue_indirect_dma source(%dma_start3A_381 : memref<10000x16xf32, #tpu.memory_space<vmem_shared>>) target(%dma_start3A_371 : memref<128x16xf32, #tpu.memory_space<vmem>>) offsets(%dma_start3A_378 : memref<128xi32, #tpu.memory_space<vmem>>) semaphore(%arg16 : memref<!tpu.dma_semaphore, #tpu.memory_space<semaphore_mem>>)
        %dma_start3A_382 = arith.constant 0 : i32
        %dma_start3A_383 = arith.constant 8 : i32
        %dma_start3A_384 = arith.constant 0 : i32
        %dma_start3A_385 = arith.constant 0 : i32
        %dma_start3A_386 = arith.constant 0 : i32
        %dma_start3A_387 = tpu.memref_slice %arg9[%dma_start3A_384, %dma_start3A_385, %dma_start3A_386] : memref<2x1280x16xf32, #tpu.memory_space<vmem>> -> memref<1x1280x16xf32, #tpu.memory_space<vmem>>
        %dma_start3A_388 = tpu.memref_squeeze %dma_start3A_387 : memref<1x1280x16xf32, #tpu.memory_space<vmem>> -> memref<1280x16xf32, #tpu.memory_space<vmem>>
        %dma_start3A_389 = arith.constant 1024 : i32
        %dma_start3A_390 = arith.constant 0 : i32
        %dma_start3A_391 = tpu.memref_slice %dma_start3A_388[%dma_start3A_389, %dma_start3A_390] : memref<1280x16xf32, #tpu.memory_space<vmem>> -> memref<128x16xf32, #tpu.memory_space<vmem>>
        %dma_start3A_392 = arith.constant 0 : i32
        %dma_start3A_393 = arith.constant 0 : i32
        %dma_start3A_394 = tpu.memref_slice %arg7[%dma_start3A_382, %dma_start3A_392, %dma_start3A_393] : memref<2x10x128xi32, #tpu.memory_space<vmem>> -> memref<1x10x128xi32, #tpu.memory_space<vmem>>
        %dma_start3A_395 = tpu.memref_squeeze %dma_start3A_394 : memref<1x10x128xi32, #tpu.memory_space<vmem>> -> memref<10x128xi32, #tpu.memory_space<vmem>>
        %dma_start3A_396 = arith.constant 0 : i32
        %dma_start3A_397 = tpu.memref_slice %dma_start3A_395[%dma_start3A_383, %dma_start3A_396] : memref<10x128xi32, #tpu.memory_space<vmem>> -> memref<1x128xi32, #tpu.memory_space<vmem>>
        %dma_start3A_398 = tpu.memref_squeeze %dma_start3A_397 : memref<1x128xi32, #tpu.memory_space<vmem>> -> memref<128xi32, #tpu.memory_space<vmem>>
        %dma_start3A_399 = arith.constant 0 : i32
        %dma_start3A_400 = arith.constant 0 : i32
        %dma_start3A_401 = tpu.memref_slice %arg12[%dma_start3A_399, %dma_start3A_400] : memref<10000x16xf32, #tpu.memory_space<vmem_shared>> -> memref<10000x16xf32, #tpu.memory_space<vmem_shared>>
        tpu.enqueue_indirect_dma source(%dma_start3A_401 : memref<10000x16xf32, #tpu.memory_space<vmem_shared>>) target(%dma_start3A_391 : memref<128x16xf32, #tpu.memory_space<vmem>>) offsets(%dma_start3A_398 : memref<128xi32, #tpu.memory_space<vmem>>) semaphore(%arg14 : memref<!tpu.dma_semaphore, #tpu.memory_space<semaphore_mem>>)
        %dma_start3A_402 = arith.constant 0 : i32
        %dma_start3A_403 = arith.constant 8 : i32
        %dma_start3A_404 = arith.constant 0 : i32
        %dma_start3A_405 = arith.constant 0 : i32
        %dma_start3A_406 = arith.constant 0 : i32
        %dma_start3A_407 = tpu.memref_slice %arg10[%dma_start3A_404, %dma_start3A_405, %dma_start3A_406] : memref<2x1280x16xf32, #tpu.memory_space<vmem>> -> memref<1x1280x16xf32, #tpu.memory_space<vmem>>
        %dma_start3A_408 = tpu.memref_squeeze %dma_start3A_407 : memref<1x1280x16xf32, #tpu.memory_space<vmem>> -> memref<1280x16xf32, #tpu.memory_space<vmem>>
        %dma_start3A_409 = arith.constant 1024 : i32
        %dma_start3A_410 = arith.constant 0 : i32
        %dma_start3A_411 = tpu.memref_slice %dma_start3A_408[%dma_start3A_409, %dma_start3A_410] : memref<1280x16xf32, #tpu.memory_space<vmem>> -> memref<128x16xf32, #tpu.memory_space<vmem>>
        %dma_start3A_412 = arith.constant 0 : i32
        %dma_start3A_413 = arith.constant 0 : i32
        %dma_start3A_414 = tpu.memref_slice %arg8[%dma_start3A_402, %dma_start3A_412, %dma_start3A_413] : memref<2x10x128xi32, #tpu.memory_space<vmem>> -> memref<1x10x128xi32, #tpu.memory_space<vmem>>
        %dma_start3A_415 = tpu.memref_squeeze %dma_start3A_414 : memref<1x10x128xi32, #tpu.memory_space<vmem>> -> memref<10x128xi32, #tpu.memory_space<vmem>>
        %dma_start3A_416 = arith.constant 0 : i32
        %dma_start3A_417 = tpu.memref_slice %dma_start3A_415[%dma_start3A_403, %dma_start3A_416] : memref<10x128xi32, #tpu.memory_space<vmem>> -> memref<1x128xi32, #tpu.memory_space<vmem>>
        %dma_start3A_418 = tpu.memref_squeeze %dma_start3A_417 : memref<1x128xi32, #tpu.memory_space<vmem>> -> memref<128xi32, #tpu.memory_space<vmem>>
        %dma_start3A_419 = arith.constant 0 : i32
        %dma_start3A_420 = arith.constant 0 : i32
        %dma_start3A_421 = tpu.memref_slice %arg13[%dma_start3A_419, %dma_start3A_420] : memref<10000x16xf32, #tpu.memory_space<vmem_shared>> -> memref<10000x16xf32, #tpu.memory_space<vmem_shared>>
        tpu.enqueue_indirect_dma source(%dma_start3A_421 : memref<10000x16xf32, #tpu.memory_space<vmem_shared>>) target(%dma_start3A_411 : memref<128x16xf32, #tpu.memory_space<vmem>>) offsets(%dma_start3A_418 : memref<128xi32, #tpu.memory_space<vmem>>) semaphore(%arg16 : memref<!tpu.dma_semaphore, #tpu.memory_space<semaphore_mem>>)
        %dma_start3A_422 = arith.constant 0 : i32
        %dma_start3A_423 = arith.constant 9 : i32
        %dma_start3A_424 = arith.constant 0 : i32
        %dma_start3A_425 = arith.constant 0 : i32
        %dma_start3A_426 = arith.constant 0 : i32
        %dma_start3A_427 = tpu.memref_slice %arg9[%dma_start3A_424, %dma_start3A_425, %dma_start3A_426] : memref<2x1280x16xf32, #tpu.memory_space<vmem>> -> memref<1x1280x16xf32, #tpu.memory_space<vmem>>
        %dma_start3A_428 = tpu.memref_squeeze %dma_start3A_427 : memref<1x1280x16xf32, #tpu.memory_space<vmem>> -> memref<1280x16xf32, #tpu.memory_space<vmem>>
        %dma_start3A_429 = arith.constant 1152 : i32
        %dma_start3A_430 = arith.constant 0 : i32
        %dma_start3A_431 = tpu.memref_slice %dma_start3A_428[%dma_start3A_429, %dma_start3A_430] : memref<1280x16xf32, #tpu.memory_space<vmem>> -> memref<128x16xf32, #tpu.memory_space<vmem>>
        %dma_start3A_432 = arith.constant 0 : i32
        %dma_start3A_433 = arith.constant 0 : i32
        %dma_start3A_434 = tpu.memref_slice %arg7[%dma_start3A_422, %dma_start3A_432, %dma_start3A_433] : memref<2x10x128xi32, #tpu.memory_space<vmem>> -> memref<1x10x128xi32, #tpu.memory_space<vmem>>
        %dma_start3A_435 = tpu.memref_squeeze %dma_start3A_434 : memref<1x10x128xi32, #tpu.memory_space<vmem>> -> memref<10x128xi32, #tpu.memory_space<vmem>>
        %dma_start3A_436 = arith.constant 0 : i32
        %dma_start3A_437 = tpu.memref_slice %dma_start3A_435[%dma_start3A_423, %dma_start3A_436] : memref<10x128xi32, #tpu.memory_space<vmem>> -> memref<1x128xi32, #tpu.memory_space<vmem>>
        %dma_start3A_438 = tpu.memref_squeeze %dma_start3A_437 : memref<1x128xi32, #tpu.memory_space<vmem>> -> memref<128xi32, #tpu.memory_space<vmem>>
        %dma_start3A_439 = arith.constant 0 : i32
        %dma_start3A_440 = arith.constant 0 : i32
        %dma_start3A_441 = tpu.memref_slice %arg12[%dma_start3A_439, %dma_start3A_440] : memref<10000x16xf32, #tpu.memory_space<vmem_shared>> -> memref<10000x16xf32, #tpu.memory_space<vmem_shared>>
        tpu.enqueue_indirect_dma source(%dma_start3A_441 : memref<10000x16xf32, #tpu.memory_space<vmem_shared>>) target(%dma_start3A_431 : memref<128x16xf32, #tpu.memory_space<vmem>>) offsets(%dma_start3A_438 : memref<128xi32, #tpu.memory_space<vmem>>) semaphore(%arg14 : memref<!tpu.dma_semaphore, #tpu.memory_space<semaphore_mem>>)
        %dma_start3A_442 = arith.constant 0 : i32
        %dma_start3A_443 = arith.constant 9 : i32
        %dma_start3A_444 = arith.constant 0 : i32
        %dma_start3A_445 = arith.constant 0 : i32
        %dma_start3A_446 = arith.constant 0 : i32
        %dma_start3A_447 = tpu.memref_slice %arg10[%dma_start3A_444, %dma_start3A_445, %dma_start3A_446] : memref<2x1280x16xf32, #tpu.memory_space<vmem>> -> memref<1x1280x16xf32, #tpu.memory_space<vmem>>
        %dma_start3A_448 = tpu.memref_squeeze %dma_start3A_447 : memref<1x1280x16xf32, #tpu.memory_space<vmem>> -> memref<1280x16xf32, #tpu.memory_space<vmem>>
        %dma_start3A_449 = arith.constant 1152 : i32
        %dma_start3A_450 = arith.constant 0 : i32
        %dma_start3A_451 = tpu.memref_slice %dma_start3A_448[%dma_start3A_449, %dma_start3A_450] : memref<1280x16xf32, #tpu.memory_space<vmem>> -> memref<128x16xf32, #tpu.memory_space<vmem>>
        %dma_start3A_452 = arith.constant 0 : i32
        %dma_start3A_453 = arith.constant 0 : i32
        %dma_start3A_454 = tpu.memref_slice %arg8[%dma_start3A_442, %dma_start3A_452, %dma_start3A_453] : memref<2x10x128xi32, #tpu.memory_space<vmem>> -> memref<1x10x128xi32, #tpu.memory_space<vmem>>
        %dma_start3A_455 = tpu.memref_squeeze %dma_start3A_454 : memref<1x10x128xi32, #tpu.memory_space<vmem>> -> memref<10x128xi32, #tpu.memory_space<vmem>>
        %dma_start3A_456 = arith.constant 0 : i32
        %dma_start3A_457 = tpu.memref_slice %dma_start3A_455[%dma_start3A_443, %dma_start3A_456] : memref<10x128xi32, #tpu.memory_space<vmem>> -> memref<1x128xi32, #tpu.memory_space<vmem>>
        %dma_start3A_458 = tpu.memref_squeeze %dma_start3A_457 : memref<1x128xi32, #tpu.memory_space<vmem>> -> memref<128xi32, #tpu.memory_space<vmem>>
        %dma_start3A_459 = arith.constant 0 : i32
        %dma_start3A_460 = arith.constant 0 : i32
        %dma_start3A_461 = tpu.memref_slice %arg13[%dma_start3A_459, %dma_start3A_460] : memref<10000x16xf32, #tpu.memory_space<vmem_shared>> -> memref<10000x16xf32, #tpu.memory_space<vmem_shared>>
        tpu.enqueue_indirect_dma source(%dma_start3A_461 : memref<10000x16xf32, #tpu.memory_space<vmem_shared>>) target(%dma_start3A_451 : memref<128x16xf32, #tpu.memory_space<vmem>>) offsets(%dma_start3A_458 : memref<128xi32, #tpu.memory_space<vmem>>) semaphore(%arg16 : memref<!tpu.dma_semaphore, #tpu.memory_space<semaphore_mem>>)
      } else {
      }
      %add3A_51 = arith.constant 1 : i32
      %add3A_52 = arith.addi %mul3A_34, %add3A_51 : i32
      %lt3A_53 = arith.cmpi slt, %add3A_52, %select_n3A : i32
      %convert_element_type3A_54 = arith.extui %lt3A_53 : i1 to i32
      %cond3A_55 = arith.constant 0 : i32
      %cond3A_56 = arith.cmpi ne, %convert_element_type3A_54, %cond3A_55 : i32
      scf.if %cond3A_56 {
        %ge3A = arith.constant 1 : i32
        %ge3A_57 = arith.cmpi sge, %add3A_52, %ge3A : i32
        %convert_element_type3A_58 = arith.extui %ge3A_57 : i1 to i32
        %cond3A_59 = arith.constant 0 : i32
        %cond3A_60 = arith.cmpi ne, %convert_element_type3A_58, %cond3A_59 : i32
        scf.if %cond3A_60 {
          %dma_wait3A_99 = arith.constant 0 : i32
          %dma_wait3A_100 = tpu.memref_slice %arg6[%dma_wait3A_99] : memref<2560000xf32, #tpu.memory_space<hbm>> -> memref<10240xf32, #tpu.memory_space<hbm>>
          %dma_wait3A_101 = arith.constant 0 : i32
          %dma_wait3A_102 = tpu.memref_slice %arg6[%dma_wait3A_101] : memref<2560000xf32, #tpu.memory_space<hbm>> -> memref<10240xf32, #tpu.memory_space<hbm>>
          tpu.wait_dma2 semaphore(%arg18 : memref<!tpu.dma_semaphore, #tpu.memory_space<semaphore_mem>>) src(%dma_wait3A_102 : memref<10240xf32, #tpu.memory_space<hbm>>) dst(%arg11 : memref<10240xf32, #tpu.memory_space<vmem>>)
        } else {
        }
        %dma_wait3A_61 = arith.constant 1 : i32
        %dma_wait3A_62 = arith.constant 0 : i32
        %dma_wait3A_63 = arith.constant 0 : i32
        %dma_wait3A_64 = tpu.memref_slice %arg9[%dma_wait3A_61, %dma_wait3A_62, %dma_wait3A_63] : memref<2x1280x16xf32, #tpu.memory_space<vmem>> -> memref<1x1280x16xf32, #tpu.memory_space<vmem>>
        %dma_wait3A_65 = tpu.memref_squeeze %dma_wait3A_64 : memref<1x1280x16xf32, #tpu.memory_space<vmem>> -> memref<1280x16xf32, #tpu.memory_space<vmem>>
        %dma_wait3A_66 = arith.constant 0 : i32
        %dma_wait3A_67 = arith.constant 0 : i32
        %dma_wait3A_68 = tpu.memref_slice %arg12[%dma_wait3A_66, %dma_wait3A_67] : memref<10000x16xf32, #tpu.memory_space<vmem_shared>> -> memref<1280x16xf32, #tpu.memory_space<vmem_shared>>
        %dma_wait3A_69 = arith.constant 0 : i32
        %dma_wait3A_70 = arith.constant 0 : i32
        %dma_wait3A_71 = tpu.memref_slice %arg9[%dma_wait3A_61, %dma_wait3A_69, %dma_wait3A_70] : memref<2x1280x16xf32, #tpu.memory_space<vmem>> -> memref<1x1280x16xf32, #tpu.memory_space<vmem>>
        %dma_wait3A_72 = tpu.memref_squeeze %dma_wait3A_71 : memref<1x1280x16xf32, #tpu.memory_space<vmem>> -> memref<1280x16xf32, #tpu.memory_space<vmem>>
        %dma_wait3A_73 = arith.constant 0 : i32
        %dma_wait3A_74 = arith.constant 0 : i32
        %dma_wait3A_75 = tpu.memref_slice %arg12[%dma_wait3A_73, %dma_wait3A_74] : memref<10000x16xf32, #tpu.memory_space<vmem_shared>> -> memref<1280x16xf32, #tpu.memory_space<vmem_shared>>
        tpu.wait_dma2 semaphore(%arg15 : memref<!tpu.dma_semaphore, #tpu.memory_space<semaphore_mem>>) src(%dma_wait3A_75 : memref<1280x16xf32, #tpu.memory_space<vmem_shared>>) dst(%dma_wait3A_72 : memref<1280x16xf32, #tpu.memory_space<vmem>>)
        %dma_wait3A_76 = arith.constant 1 : i32
        %dma_wait3A_77 = arith.constant 0 : i32
        %dma_wait3A_78 = arith.constant 0 : i32
        %dma_wait3A_79 = tpu.memref_slice %arg10[%dma_wait3A_76, %dma_wait3A_77, %dma_wait3A_78] : memref<2x1280x16xf32, #tpu.memory_space<vmem>> -> memref<1x1280x16xf32, #tpu.memory_space<vmem>>
        %dma_wait3A_80 = tpu.memref_squeeze %dma_wait3A_79 : memref<1x1280x16xf32, #tpu.memory_space<vmem>> -> memref<1280x16xf32, #tpu.memory_space<vmem>>
        %dma_wait3A_81 = arith.constant 0 : i32
        %dma_wait3A_82 = arith.constant 0 : i32
        %dma_wait3A_83 = tpu.memref_slice %arg13[%dma_wait3A_81, %dma_wait3A_82] : memref<10000x16xf32, #tpu.memory_space<vmem_shared>> -> memref<1280x16xf32, #tpu.memory_space<vmem_shared>>
        %dma_wait3A_84 = arith.constant 0 : i32
        %dma_wait3A_85 = arith.constant 0 : i32
        %dma_wait3A_86 = tpu.memref_slice %arg10[%dma_wait3A_76, %dma_wait3A_84, %dma_wait3A_85] : memref<2x1280x16xf32, #tpu.memory_space<vmem>> -> memref<1x1280x16xf32, #tpu.memory_space<vmem>>
        %dma_wait3A_87 = tpu.memref_squeeze %dma_wait3A_86 : memref<1x1280x16xf32, #tpu.memory_space<vmem>> -> memref<1280x16xf32, #tpu.memory_space<vmem>>
        %dma_wait3A_88 = arith.constant 0 : i32
        %dma_wait3A_89 = arith.constant 0 : i32
        %dma_wait3A_90 = tpu.memref_slice %arg13[%dma_wait3A_88, %dma_wait3A_89] : memref<10000x16xf32, #tpu.memory_space<vmem_shared>> -> memref<1280x16xf32, #tpu.memory_space<vmem_shared>>
        tpu.wait_dma2 semaphore(%arg17 : memref<!tpu.dma_semaphore, #tpu.memory_space<semaphore_mem>>) src(%dma_wait3A_90 : memref<1280x16xf32, #tpu.memory_space<vmem_shared>>) dst(%dma_wait3A_87 : memref<1280x16xf32, #tpu.memory_space<vmem>>)
        %parallel_loop3A = arith.constant 0 : i32
        %parallel_loop3A_91 = arith.constant 640 : i32
        %parallel_loop3A_92 = arith.constant 1 : i32
        scf.for %parallel_loop3A_99 = %parallel_loop3A to %parallel_loop3A_91 step %parallel_loop3A_92  : i32 {
          %parallel_loop3A_100 = arith.constant 2 : i32
          %parallel_loop3A_101 = arith.muli %parallel_loop3A_100, %parallel_loop3A_99 : i32
          %parallel_loop3A_102 = arith.constant 1 : i32
          %parallel_loop3A_103 = arith.index_cast %parallel_loop3A_102 : i32 to index
          %parallel_loop3A_104 = arith.index_cast %parallel_loop3A_101 : i32 to index
          %parallel_loop3A_105 = arith.constant 0 : index
          %parallel_loop3A_106 = tpu.vector_load %arg9[%parallel_loop3A_103, %parallel_loop3A_104, %parallel_loop3A_105] {strides = array<i32>} : memref<2x1280x16xf32, #tpu.memory_space<vmem>>, vector<16xf32>,
          %parallel_loop3A_107 = arith.constant 2 : i32
          %parallel_loop3A_108 = arith.muli %parallel_loop3A_107, %parallel_loop3A_99 : i32
          %parallel_loop3A_109 = arith.constant 1 : i32
          %parallel_loop3A_110 = arith.index_cast %parallel_loop3A_109 : i32 to index
          %parallel_loop3A_111 = arith.index_cast %parallel_loop3A_108 : i32 to index
          %parallel_loop3A_112 = arith.constant 0 : index
          %parallel_loop3A_113 = tpu.vector_load %arg10[%parallel_loop3A_110, %parallel_loop3A_111, %parallel_loop3A_112] {strides = array<i32>} : memref<2x1280x16xf32, #tpu.memory_space<vmem>>, vector<16xf32>,
          %parallel_loop3A_114 = arith.addf %parallel_loop3A_106, %parallel_loop3A_113 : vector<16xf32>
          %parallel_loop3A_115 = arith.constant 2 : i32
          %parallel_loop3A_116 = arith.muli %parallel_loop3A_115, %parallel_loop3A_99 : i32
          %parallel_loop3A_117 = arith.constant 1 : i32
          %parallel_loop3A_118 = arith.addi %parallel_loop3A_116, %parallel_loop3A_117 : i32
          %parallel_loop3A_119 = arith.constant 1 : i32
          %parallel_loop3A_120 = arith.index_cast %parallel_loop3A_119 : i32 to index
          %parallel_loop3A_121 = arith.index_cast %parallel_loop3A_118 : i32 to index
          %parallel_loop3A_122 = arith.constant 0 : index
          %parallel_loop3A_123 = tpu.vector_load %arg9[%parallel_loop3A_120, %parallel_loop3A_121, %parallel_loop3A_122] {strides = array<i32>} : memref<2x1280x16xf32, #tpu.memory_space<vmem>>, vector<16xf32>,
          %parallel_loop3A_124 = arith.constant 2 : i32
          %parallel_loop3A_125 = arith.muli %parallel_loop3A_124, %parallel_loop3A_99 : i32
          %parallel_loop3A_126 = arith.constant 1 : i32
          %parallel_loop3A_127 = arith.addi %parallel_loop3A_125, %parallel_loop3A_126 : i32
          %parallel_loop3A_128 = arith.constant 1 : i32
          %parallel_loop3A_129 = arith.index_cast %parallel_loop3A_128 : i32 to index
          %parallel_loop3A_130 = arith.index_cast %parallel_loop3A_127 : i32 to index
          %parallel_loop3A_131 = arith.constant 0 : index
          %parallel_loop3A_132 = tpu.vector_load %arg10[%parallel_loop3A_129, %parallel_loop3A_130, %parallel_loop3A_131] {strides = array<i32>} : memref<2x1280x16xf32, #tpu.memory_space<vmem>>, vector<16xf32>,
          %parallel_loop3A_133 = arith.addf %parallel_loop3A_123, %parallel_loop3A_132 : vector<16xf32>
          %parallel_loop3A_134 = arith.select %lt3A_13, %parallel_loop3A_114, %parallel_loop3A_133 : vector<16xi1>, vector<16xf32>
          %parallel_loop3A_135 = math.exp %parallel_loop3A_134 : vector<16xf32>
          %parallel_loop3A_136 = arith.constant 1.000000e+00 : f32
          %parallel_loop3A_137 = vector.broadcast %parallel_loop3A_136 : f32 to vector<16xf32>
          %parallel_loop3A_138 = arith.addf %parallel_loop3A_137, %parallel_loop3A_135 : vector<16xf32>
          %parallel_loop3A_139 = arith.constant 1.000000e+00 : f32
          %parallel_loop3A_140 = vector.broadcast %parallel_loop3A_139 : f32 to vector<16xf32>
          %parallel_loop3A_141 = arith.divf %parallel_loop3A_140, %parallel_loop3A_138 : vector<16xf32>
          %parallel_loop3A_142 = arith.constant 6 : i32
          %parallel_loop3A_143 = arith.shrui %parallel_loop3A_99, %parallel_loop3A_142 : i32
          %parallel_loop3A_144 = arith.constant 1024 : i32
          %parallel_loop3A_145 = arith.muli %parallel_loop3A_143, %parallel_loop3A_144 : i32
          %parallel_loop3A_146 = arith.constant 63 : i32
          %parallel_loop3A_147 = arith.andi %parallel_loop3A_99, %parallel_loop3A_146 : i32
          %parallel_loop3A_148 = arith.constant 2 : i32
          %parallel_loop3A_149 = arith.muli %parallel_loop3A_147, %parallel_loop3A_148 : i32
          %parallel_loop3A_150 = arith.addi %parallel_loop3A_145, %parallel_loop3A_149 : i32
          %parallel_loop3A_151 = vector.broadcast %parallel_loop3A_150 : i32 to vector<16xi32>
          %parallel_loop3A_152 = arith.addi %add3A_21, %parallel_loop3A_151 : vector<16xi32>
          tpu.vector_store_idx %arg11[%parallel_loop3A_152], %parallel_loop3A_141 : memref<10240xf32, #tpu.memory_space<vmem>>[vector<16xi32>], vector<16xf32>,
        } {sc.loop_unroll_factor = 16 : i64, sc.parallel_access}
        %mul3A_93 = arith.constant 32 : i32
        %mul3A_94 = arith.muli %add3A_52, %mul3A_93 : i32
        %add3A_95 = arith.addi %add3A, %mul3A_94 : i32
        %mul3A_96 = arith.constant 10240 : i32
        %mul3A_97 = arith.muli %add3A_95, %mul3A_96 : i32
        %dma_start3A = tpu.memref_slice %arg6[%mul3A_97] : memref<2560000xf32, #tpu.memory_space<hbm>> -> memref<10240xf32, #tpu.memory_space<hbm>>
        %dma_start3A_98 = tpu.memref_slice %arg6[%mul3A_97] : memref<2560000xf32, #tpu.memory_space<hbm>> -> memref<10240xf32, #tpu.memory_space<hbm>>
        tpu.enqueue_dma source(%arg11 : memref<10240xf32, #tpu.memory_space<vmem>>) target(%dma_start3A_98 : memref<10240xf32, #tpu.memory_space<hbm>>) target_semaphore(%arg18 : memref<!tpu.dma_semaphore, #tpu.memory_space<semaphore_mem>>)
      } else {
      }
    }
    %scan3A_28 = arith.constant 4 : i32
    %dma_wait3A = arith.constant 0 : i32
    %dma_wait3A_29 = tpu.memref_slice %arg6[%dma_wait3A] : memref<2560000xf32, #tpu.memory_space<hbm>> -> memref<10240xf32, #tpu.memory_space<hbm>>
    %dma_wait3A_30 = arith.constant 0 : i32
    %dma_wait3A_31 = tpu.memref_slice %arg6[%dma_wait3A_30] : memref<2560000xf32, #tpu.memory_space<hbm>> -> memref<10240xf32, #tpu.memory_space<hbm>>
    tpu.wait_dma2 semaphore(%arg18 : memref<!tpu.dma_semaphore, #tpu.memory_space<semaphore_mem>>) src(%dma_wait3A_31 : memref<10240xf32, #tpu.memory_space<hbm>>) dst(%arg11 : memref<10240xf32, #tpu.memory_space<vmem>>)
    return
  }
}

module attributes {stable_mosaic.version = 14 : i64} {
  func.func @_tc_tables(%arg0: i32, %arg1: memref<1000x128xf32, #tpu.memory_space<vmem>>, %arg2: memref<128x128xf32, #tpu.memory_space<vmem>>, %arg3: memref<128x16xf32, #tpu.memory_space<vmem>>, %arg4: memref<128x16xf32, #tpu.memory_space<vmem>>, %arg5: memref<1000x128xf32, #tpu.memory_space<vmem>>, %arg6: memref<1000x128xf32, #tpu.memory_space<vmem>>) attributes {dimension_semantics = [#tpu.dimension_semantics<arbitrary>], iteration_bounds = array<i64: 10>, scalar_prefetch = 0 : i64, scratch_operands = 0 : i64, tpu.core_type = #tpu.core_type<tc>, window_params = [{transform_indices = @transform_0, window_bounds = array<i64: 1000, 128>}, {pipeline_mode = #tpu.pipeline_mode<synchronous>, transform_indices = @transform_1, window_bounds = array<i64: 128, 128>}, {pipeline_mode = #tpu.pipeline_mode<synchronous>, transform_indices = @transform_2, window_bounds = array<i64: 128, 16>}, {pipeline_mode = #tpu.pipeline_mode<synchronous>, transform_indices = @transform_3, window_bounds = array<i64: 128, 16>}, {transform_indices = @transform_4, window_bounds = array<i64: 1000, 128>}, {transform_indices = @transform_5, window_bounds = array<i64: 1000, 128>}]} {
    %get3A = arith.constant 0 : index
    %get3A_0 = arith.constant 0 : index
    %get3A_1 = vector.load %arg2[%get3A, %get3A_0] : memref<128x128xf32, #tpu.memory_space<vmem>>, vector<128x128xf32>
    %get3A_2 = arith.constant 0 : index
    %get3A_3 = arith.constant 0 : index
    %get3A_4 = vector.load %arg3[%get3A_2, %get3A_3] : memref<128x16xf32, #tpu.memory_space<vmem>>, vector<128x16xf32>
    %dot_general3A = arith.constant dense<0.000000e+00> : vector<128x16xf32>
    %dot_general3A_5 = tpu.matmul %get3A_1, %get3A_4, %dot_general3A {dimension_numbers = #tpu.dot_dimension_numbers<[1], [0], [0], [1], [0, 0, 1, 1], [], []>, transpose_lhs_hint = false} : vector<128x128xf32>, vector<128x16xf32>, vector<128x16xf32> -> vector<128x16xf32>
    %get3A_6 = arith.constant 0 : index
    %get3A_7 = arith.constant 0 : index
    %get3A_8 = vector.load %arg2[%get3A_6, %get3A_7] : memref<128x128xf32, #tpu.memory_space<vmem>>, vector<128x128xf32>
    %get3A_9 = arith.constant 0 : index
    %get3A_10 = arith.constant 0 : index
    %get3A_11 = vector.load %arg4[%get3A_9, %get3A_10] : memref<128x16xf32, #tpu.memory_space<vmem>>, vector<128x16xf32>
    %dot_general3A_12 = arith.constant dense<0.000000e+00> : vector<128x16xf32>
    %dot_general3A_13 = tpu.matmul %get3A_8, %get3A_11, %dot_general3A_12 {dimension_numbers = #tpu.dot_dimension_numbers<[1], [0], [0], [1], [0, 0, 1, 1], [], []>, transpose_lhs_hint = false} : vector<128x128xf32>, vector<128x16xf32>, vector<128x16xf32> -> vector<128x16xf32>
    %get3A_14 = arith.constant 0 : index
    %get3A_15 = arith.constant 0 : index
    %get3A_16 = vector.load %arg1[%get3A_14, %get3A_15] : memref<1000x128xf32, #tpu.memory_space<vmem>>, vector<1000x128xf32>
    %dot_general3A_17 = arith.constant dense<0.000000e+00> : vector<1000x16xf32>
    %dot_general3A_18 = tpu.matmul %get3A_16, %dot_general3A_5, %dot_general3A_17 {dimension_numbers = #tpu.dot_dimension_numbers<[1], [0], [0], [1], [0, 0, 1, 1], [], []>, transpose_lhs_hint = false} : vector<1000x128xf32>, vector<128x16xf32>, vector<1000x16xf32> -> vector<1000x16xf32>
    %dot_general3A_19 = arith.constant dense<0.000000e+00> : vector<1000x16xf32>
    %dot_general3A_20 = tpu.matmul %get3A_16, %dot_general3A_13, %dot_general3A_19 {dimension_numbers = #tpu.dot_dimension_numbers<[1], [0], [0], [1], [0, 0, 1, 1], [], []>, transpose_lhs_hint = false} : vector<1000x128xf32>, vector<128x16xf32>, vector<1000x16xf32> -> vector<1000x16xf32>
    %swap3A = arith.constant 0 : index
    %swap3A_21 = arith.constant 0 : index
    %swap3A_22 = vector.load %arg5[%swap3A, %swap3A_21] : memref<1000x128xf32, #tpu.memory_space<vmem>>, vector<1000x16xf32>
    tpu.vector_store %arg5[%swap3A, %swap3A_21], %dot_general3A_18 {strides = array<i32>} : memref<1000x128xf32, #tpu.memory_space<vmem>>, vector<1000x16xf32>,
    %swap3A_23 = arith.constant 0 : index
    %swap3A_24 = arith.constant 0 : index
    %swap3A_25 = vector.load %arg6[%swap3A_23, %swap3A_24] : memref<1000x128xf32, #tpu.memory_space<vmem>>, vector<1000x16xf32>
    tpu.vector_store %arg6[%swap3A_23, %swap3A_24], %dot_general3A_20 {strides = array<i32>} : memref<1000x128xf32, #tpu.memory_space<vmem>>, vector<1000x16xf32>,
    return
  }
  func.func @transform_0(%arg0: i32) -> (i32, i32) {
    %c0_i32 = arith.constant 0 : i32
    %c0_i32_0 = arith.constant 0 : i32
    return %arg0, %c0_i32 : i32, i32
  }
  func.func @transform_1(%arg0: i32) -> (i32, i32) {
    %c0_i32 = arith.constant 0 : i32
    %c0_i32_0 = arith.constant 0 : i32
    %c0_i32_1 = arith.constant 0 : i32
    return %c0_i32, %c0_i32_0 : i32, i32
  }
  func.func @transform_2(%arg0: i32) -> (i32, i32) {
    %c0_i32 = arith.constant 0 : i32
    %c0_i32_0 = arith.constant 0 : i32
    %c0_i32_1 = arith.constant 0 : i32
    return %c0_i32, %c0_i32_0 : i32, i32
  }
  func.func @transform_3(%arg0: i32) -> (i32, i32) {
    %c0_i32 = arith.constant 0 : i32
    %c0_i32_0 = arith.constant 0 : i32
    %c0_i32_1 = arith.constant 0 : i32
    return %c0_i32, %c0_i32_0 : i32, i32
  }
  func.func @transform_4(%arg0: i32) -> (i32, i32) {
    %c0_i32 = arith.constant 0 : i32
    %c0_i32_0 = arith.constant 0 : i32
    return %arg0, %c0_i32 : i32, i32
  }
  func.func @transform_5(%arg0: i32) -> (i32, i32) {
    %c0_i32 = arith.constant 0 : i32
    %c0_i32_0 = arith.constant 0 : i32
    return %arg0, %c0_i32 : i32, i32
  }
}

</mosaic_0001>

<sc_bundles>
// kernel: kernel.4.cloned.1.call-start
scs
__scs_entry_jumppad:
0x0: {  	(pc) =	sbr.rel $0x88, $3  }
0x1: {  	(tag) =	ssettag $0x0;
	lr =	simm.s32 $0x1  }
0x2: {  	[smem:$0x3F9B] =	sst lr;
	_ =	strace $0xD0000000  }
0x3: {  	_ = 	snop  }
0x4: {  	_ = 	snop  }
0x5: {  	_ = 	snop  }
0x6: {  	_ = 	snop  }
0x7: {  	_ = 	snop  }
__scs_overlays_trampoline_lowered:
0x8: {  	[smem:$0x3FAA] =	sst s0  }
0x9: {  	[smem:$0x3FAB] =	sst s1  }
0xa: {  	[smem:$0x3FAC] =	sst s2  }
0xb: {  	[smem:$0x3FAD] =	sst s3  }
0xc: {  	[smem:$0x3FAE] =	sst s4  }
0xd: {  	[smem:$0x3FAF] =	sst s5  }
0xe: {  	[smem:$0x3FB0] =	sst s6  }
0xf: {  	[smem:$0x3FB1] =	sst s7  }
0x10: {  	[smem:$0x3FB2] =	sst s8  }
0x11: {  	[smem:$0x3FB3] =	sst s9;
	s0 =	simm.s32 @!p0 $0x0  }
0x12: {  	s1 =	sld [smem:$0x3F99];
	s0 =	simm.s32 @p0 $0x1  }
0x13: {  	[smem:$0x3FB4] =	sst s0;
	s0 =	simm.s32 @!p1 $0x0  }
0x14: {  	s2 =	sld [smem:$0x3F98];
	s0 =	simm.s32 @p1 $0x1  }
0x15: {  	[smem:$0x3FB5] =	sst s0;
	s0 =	simm.s32 @!p2 $0x0  }
0x16: {  	s3 =	sld [smem:$0x3FDB];
	s0 =	simm.s32 @p2 $0x1  }
0x17: {  	s4 =	simm.s32 $0x1BF5;
	[smem:$0x3FB7] =	sst s0  }
0x18: {  	s0 =	sld [smem:$0x3F9A];
	_ =	swait.ge [sflag:s4], $0x0  }
0x19: {  	s7 =	sld [smem:$0x3F9B]  }
0x1a: {  	s8 =	sadd.s32 $0xFFFFE003, lr  }
0x1b: {  	s9 =	sadd.s32 $0xFFFFFEF7, lr;
	s5 =	simm.s32 $0xFFFFFFFF;
	p2 =	slt.u32 s8, $0xFFFFF086  }
0x1c: {  	p1 =	slt.u32 s9, $0xF7A;
	s5 =	simm.s32 @!p2 $0x0  }
0x1d: {  	s5 =	simm.s32 @p1 $0x1;
	p0 =	seq.s32 s7, s2  }
0x1e: {  	s7 =	smul.u32 @!p0 $0xF7A, s2;
	p2 =	seq.s32 @!p0 s5, $0x0  }
0x1f: {  	s9 =	smul.u32 $0xF7A, s1;
	s8 =	simm.s32 @!p0 $0x1BF5;
	p2 =	por !p2, p0  }
0x20: {  	[sflag:s8] =	ssyncset.s32 @!p0 $0xFFFFF086;
	s6 =	sadd.s32 @!p0 s3, s7;
	s7 =	simm.s32 @!p0 $0x108  }
0x21: {  	s3 =	sadd.s32 s3, s9;
	s6 =	sadd.s32 @!p0 $0x88, s6;
	s7 =	simm.s32 @p2 $0x1082  }
0x22: {  	[simem:s7], [sflag:s8] =	dma.local @!p0 [hbm:s6], $0xF7A  }
0x23: {  	s9 =	sor.u32 $0xD0000000, s2;
	s6 =	simm.s32 $0x108;
	_ =	swait.ge @!p0 [sflag:s8], $0x0  }
0x24: {  	s3 =	sadd.s32 $0x88, s3;
	s6 =	simm.s32 @!p1 $0x1082;
	[sflag:s4] =	ssyncset.s32 $0xFFFFF086  }
0x25: {  	[simem:s6], [sflag:s4] =	dma.local [hbm:s3], $0xF7A  }
0x26: {  	[smem:$0x3F9B] =	sst s1;
	(tag) =	ssettag s2;
	_ =	strace s9  }
0x27: {  	s1 =	sld [smem:$0x3FAB]  }
0x28: {  	s2 =	sld [smem:$0x3FAC]  }
0x29: {  	s4 =	sld [smem:$0x3FAE]  }
0x2a: {  	p0 =	seq.s32 s5, $0x0;
	s5 =	sld [smem:$0x3FAF]  }
0x2b: {  	s6 =	sld [smem:$0x3FB0]  }
0x2c: {  	s7 =	sld [smem:$0x3FB1]  }
0x2d: {  	s3 =	simm.s32 $0x108;
	s8 =	sld [smem:$0x3FB2]  }
0x2e: {  	s3 =	simm.s32 @!p0 $0x1082;
	s9 =	sld [smem:$0x3FB3]  }
0x2f: {  	lr =	sadd.s32 s0, s3;
	s0 =	sld [smem:$0x3FAA]  }
0x30: {  	s3 =	sld [smem:$0x3FAD]  }
0x31: {  	[smem:$0x3FB6] =	sst s10  }
0x32: {  	s10 =	sld [smem:$0x3FB4];
	_ =	sdelay $0x3  }
0x33: {  	p0 =	seq.s32 s10, $0x1;
	s10 =	sld [smem:$0x3FB6];
	_ =	sdelay $0x3  }
0x34: {  	[smem:$0x3FB6] =	sst s10  }
0x35: {  	s10 =	sld [smem:$0x3FB5];
	_ =	sdelay $0x3  }
0x36: {  	p1 =	seq.s32 s10, $0x1;
	s10 =	sld [smem:$0x3FB6];
	_ =	sdelay $0x3  }
0x37: {  	[smem:$0x3FB6] =	sst s10  }
0x38: {  	s10 =	sld [smem:$0x3FB7]  }
0x39: {  	_ = 	snop;
	(pc) =	sbr.ind lr, $3  }
0x3a: {  	_ = 	snop  }
0x3b: {  	_ = 	snop  }
0x3c: {  	p2 =	seq.s32 s10, $0x1;
	s10 =	sld [smem:$0x3FB6]  }
0x3d: {  	_ =	shalt  }
0x3e: {  	_ =	shalt  }
0x3f: {  	_ =	shalt  }
0x40: {  	_ =	shalt  }
0x41: {  	_ =	shalt  }
0x42: {  	_ =	shalt  }
0x43: {  	_ =	shalt  }
0x44: {  	_ =	shalt  }
0x45: {  	_ =	shalt  }
0x46: {  	_ =	shalt  }
0x47: {  	_ =	shalt  }
0x48: {  	_ =	shalt  }
0x49: {  	_ =	shalt  }
0x4a: {  	_ =	shalt  }
0x4b: {  	_ =	shalt  }
0x4c: {  	_ =	shalt  }
0x4d: {  	_ =	shalt  }
0x4e: {  	_ =	shalt  }
0x4f: {  	_ =	shalt  }
0x50: {  	_ =	shalt  }
0x51: {  	_ =	shalt  }
0x52: {  	_ =	shalt  }
0x53: {  	_ =	shalt  }
0x54: {  	_ =	shalt  }
0x55: {  	_ =	shalt  }
0x56: {  	_ =	shalt  }
0x57: {  	_ =	shalt  }
0x58: {  	_ =	shalt  }
0x59: {  	_ =	shalt  }
0x5a: {  	_ =	shalt  }
0x5b: {  	_ =	shalt  }
0x5c: {  	_ =	shalt  }
0x5d: {  	_ =	shalt  }
0x5e: {  	_ =	shalt  }
0x5f: {  	_ =	shalt  }
0x60: {  	_ =	shalt  }
0x61: {  	_ =	shalt  }
0x62: {  	_ =	shalt  }
0x63: {  	_ =	shalt  }
0x64: {  	_ =	shalt  }
0x65: {  	_ =	shalt  }
0x66: {  	_ =	shalt  }
0x67: {  	_ =	shalt  }
0x68: {  	_ =	shalt  }
0x69: {  	_ =	shalt  }
0x6a: {  	_ =	shalt  }
0x6b: {  	_ =	shalt  }
0x6c: {  	_ =	shalt  }
0x6d: {  	_ =	shalt  }
0x6e: {  	_ =	shalt  }
0x6f: {  	_ =	shalt  }
0x70: {  	_ =	shalt  }
0x71: {  	_ =	shalt  }
0x72: {  	_ =	shalt  }
0x73: {  	_ =	shalt  }
0x74: {  	_ =	shalt  }
0x75: {  	_ =	shalt  }
0x76: {  	_ =	shalt  }
0x77: {  	_ =	shalt  }
0x78: {  	_ =	shalt  }
0x79: {  	_ =	shalt  }
0x7a: {  	_ =	shalt  }
0x7b: {  	_ =	shalt  }
0x7c: {  	_ =	shalt  }
0x7d: {  	_ =	shalt  }
0x7e: {  	_ =	shalt  }
0x7f: {  	_ =	shalt  }
0x80: {  	_ =	shalt  }
0x81: {  	_ =	shalt  }
0x82: {  	_ =	shalt  }
0x83: {  	_ =	shalt  }
0x84: {  	_ =	shalt  }
0x85: {  	_ =	shalt  }
0x86: {  	_ =	shalt  }
0x87: {  	_ =	shalt  }
.Lfunc_end0:
.L_simem_size_0:
called_computation_lowered:
.L_overlay_start_0:
0x88: {  	s2 =	sld [smem:$0x3FD9]  }
0x89: {  	s3 =	sld [smem:$0x3FFE];
	_ =	sdelay $0x1  }
0x8a: {  	s1 =	srdreg.scid  }
0x8b: {  	s0 =	sand.u32 $0x1, s1  }
0x8c: {  	s17 =	sshll.u32 s0, $0xA;
	s2 =	sadd.s32 s3, s2  }
0x8d: {  	s2 =	sadd.s32 s2, s17  }
0x8e: {  	[smem:$0x3FC2] =	sst s2  }
0x8f: {  	_ = 	snop  }
0x90: {  	s2 =	sld [smem:$0x3FC8]  }
0x91: {  	s18 =	sld [smem:$0x3FC7]  }
0x92: {  	s4 =	sld [smem:$0x3FD0];
	(tm) =	ssettm $0x1  }
0x93: {  	s5 =	sld [smem:$0x3FFB];
	_ =	sdelay $0x3  }
0x94: {  	_ =	strace s5  }
0x95: {  	s5 =	sld [smem:$0x3FFC];
	_ =	sdelay $0x3  }
0x96: {  	_ =	strace s5  }
0x97: {  	s5 =	sld [smem:$0x3FFD];
	_ =	sdelay $0x3  }
0x98: {  	_ =	strace s5  }
0x99: {  	_ =	strace $0x8FFFFFFF  }
0x9a: {  	s19 =	sld [smem:$0x3FDB];
	_ =	sdelay $0x1  }
0x9b: {  	s6 =	simm.s32 $_scs_section_size  }
0x9c: {  	s7 =	simm.s32 $_size__tile_overlayer_lowered;
	s8 =	simm.s32 $_tile_overlayer_lowered  }
0x9d: {  	s22 =	simm.s32 $0x1BFF;
	s21 =	sshll.u32 s8, $0x1;
	s5 =	sadd.s32 s6, s19  }
0x9e: {  	s9 =	simm.s32 $0x0;
	s20 =	sshll.u32 s7, $0x1;
	s7 =	sadd.s32 s21, s5  }
0x9f: {  	[timem:s9], [sflag:s22] =	dma.local [hbm:s7], s20  }
0xa0: {  	_ =	swait.ge [sflag:s22], s20  }
0xa1: {  	s6 =	ssub.s32 $0x0, s20;
	[sflag:s22] =	ssyncset.done $0x0  }
0xa2: {  	[sflag:s22] =	ssyncadd.s32 s6;
	_ =	sdelay $0x1  }
0xa3: {  	s23 =	simm.s32 $0x1B8B  }
0xa4: {  	_ =	swait.ge [sflag:s23], $0x1  }
0xa5: {  	[sflag:s23] =	ssyncset.done $0x0  }
0xa6: {  	s25 =	simm.s32 $0x1B8E;
	s24 =	sld [smem:$0x3FFE];
	[sflag:s23] =	ssyncadd.s32 $0xFFFFFFFF  }
0xa7: {  	s26 =	simm.s32 $execute0_lowered;
	[smem:$0x3FD2] =	sst s25  }
0xa8: {  	s7 =	sshll.u32 s26, $0x1;
	_ =	strace $0x80000046;
	[dreg:$0x1] =	wrdreg $0xFFFFFFFF  }
0xa9: {  	s28 =	simm.s32 $_size_execute0_lowered;
	s5 =	sadd.s32 s5, s7;
	[dreg:$0x0] =	wrdreg $0x0  }
0xaa: {  	s7 =	sshll.u32 s28, $0x1;
	[dreg:$0x2] =	wrdreg s5  }
0xab: {  	[dreg:$0x3] =	wrdreg s7  }
0xac: {  	[dreg:$0x4] =	wrdreg $0xC0  }
0xad: {  	_ =	task [dreg:s9], $0x5FFFF  }
0xae: {  	[dreg:$0x1] =	wrdreg $0xFFFFFFFF  }
0xaf: {  	[dreg:$0x0] =	wrdreg $0x60  }
0xb0: {  	[dreg:$0x2] =	wrdreg s24  }
0xb1: {  	[dreg:$0x3] =	wrdreg s2  }
0xb2: {  	[dreg:$0x4] =	wrdreg s18  }
0xb3: {  	[dreg:$0x5] =	wrdreg s4  }
0xb4: {  	[dreg:$0x6] =	wrdreg $0x17C000  }
0xb5: {  	[dreg:$0x7] =	wrdreg $0x1A3100  }
0xb6: {  	[dreg:$0x8] =	wrdreg $0x9  }
0xb7: {  	_ =	task.clear_ibuf [dreg:s9], $0x9FFFF;
	_ =	strace $0x90000046  }
0xb8: {  	s29 =	simm.s32 $0x9;
	_ =	strace $0x80000048  }
0xb9: {  	_ =	swait.ge [sflag:s29], $0x1  }
0xba: {  	[sflag:s29] =	ssyncadd.s32 $0xFFFFFFFF  }
0xbb: {  	_ =	strace $0x90000048  }
0xbc: {  	_ =	sfence  }
0xbd: {  	s30 =	sld [smem:$0x0];
	_ =	sdelay $0x2  }
0xbe: {  	s31 =	sshll.u32 s1, $0xD;
	s1 =	sshrl.u32 s1, $0x2  }
0xbf: {  	s3 =	sand.u32 $0x4000, s31;
	s1 =	sadd.s32 s1, s30  }
0xc0: {  	s0 =	sor.u32 s3, s0;
	s1 =	sshll.u32 s1, $0x11  }
0xc1: {  	s0 =	sor.u32 s1, s0  }
0xc2: {  	s0 =	sadd.s32 $0x8F2B, s0  }
0xc3: {  	[sflag:s0] =	ssyncadd.remote.s32 $0x1  }
0xc4: {  	_ =	sfence.sel $0xFFFF  }
0xc5: {  	[dreg:$0x0] =	wrdreg $0xFFFFFFFF;
	(pc) =	sbr.abs _section_cstart, $3  }
0xc6: {  	[dreg:$0x1] =	wrdreg $0xFFFFFFFF  }
0xc7: {  	_ =	task.clear_ibuf [dreg:s9], $0x2FFFF;
	_ =	strace $0x9FFFFFFF  }
0xc8: {  	(tm) =	ssettm $0x7FFFFFFF  }
0xc9: {  	_ =	shalt  }
tec
execute0_lowered:
.L_overlay_start_1:
0x0: {  	(tag) =	ssettag $0x1  }
0x1: {  	s0 =	rddreg [dreg:$0x0]  }
0x2: {  	s31 =	rddreg [dreg:$0x1]  }
0x3: {  	s1 =	rddreg [dreg:$0x2]  }
0x4: {  	s5 =	rddreg [dreg:$0x4];
	v0 =	vimm.s32 $0x381;
	vm0 =	vcmask $0x300  }
0x5: {  	s6 =	rddreg [dreg:$0x5];
	v0 =	vsel vm0, $0x0, v0;
	vm0 =	vcmask $0x704  }
0x6: {  	s3 =	simm.s32 $0x0;
	s2 =	stileid.u32;
	s4 =	srdreg.scid;
	v0 =	vsel vm0, $0x80, v0;
	vm0 =	vcmask $0xB08  }
0x7: {  	s20 =	simm.s32 $0x6;
	s29 =	simm.s32 $0x15400;
	[smem:$0x7FF] =	sst s3;
	v0 =	vsel vm0, $0x100, v0;
	vm0 =	vcmask $0xF0C  }
0x8: {  	s9 =	smul.u32 $0x2710, s2;
	s4 =	sand.u32 $0x1, s4;
	s11 =	sshll.u32 s2, $0x1;
	v0 =	vsel vm0, $0x180, v0;
	vm0 =	vcmask $0x1310  }
0x9: {  	s21 =	sshll.u32 s2, $0x6;
	p0 =	slt.u32 s2, $0xD;
	s2 =	simm.s32 $0x0;
	v0 =	vsel vm0, $0x200, v0;
	vm0 =	vcmask $0x1714  }
0xa: {  	s8 =	ssub.s32 $0x2, s4;
	s7 =	sor.u32 s4, s11;
	s4 =	sor.u32 $0x1C06, s21;
	v0 =	vsel vm0, $0x280, v0;
	vm0 =	vcmask $0x1B18  }
0xb: {  	_ =	strace $0x80000047;
	s0 =	sadd.s32 s9, s0;
	[dreg:$0x9] =	wrdreg s4;
	v0 =	vsel vm0, $0x300, v0;
	vm0 =	vcmask $0x1F1C  }
0xc: {  	s12 =	sadd.s32 s9, s5;
	[dreg:$0x7] =	wrdreg s7;
	s22 =	sadd.s32 $0x1200, s0;
	v0 =	vsel vm0, $0x380, v0;
	vm0 =	vcmask $0x2320  }
0xd: {  	s23 =	smul.u32 $0xA0, s7;
	s0 =	sadd.s32 $0x28400, s0;
	[dreg:$0x8] =	wrdreg s22;
	v0 =	vsel vm0, $0x1, v0;
	vm0 =	vcmask $0x2724  }
0xe: {  	s9 =	sadd.s32 s9, s6;
	s28 =	sshrl.u32 s12, $0x3;
	[dreg:$0xa] =	wrdreg s0;
	v0 =	vsel vm0, $0x81, v0;
	vm0 =	vcmask $0x2B28  }
.Ltmp0:
0xf: {  	s30 =	sshrl.u32 s9, $0x3;
	[dreg:$0xe] =	wrdreg s28;
	v0 =	vsel vm0, $0x101, v0;
	vm0 =	vcmask $0x2F2C;
	(pc) =	sbr.rel .LBB2_1-.Ltmp0, $4  }
0x10: {  	s10 =	sshrl.u32 s8, $0x1;
	s24 =	sadd.s32 s31, s23;
	[dreg:$0xf] =	wrdreg s30;
	v0 =	vsel vm0, $0x181, v0;
	vm0 =	vcmask $0x3330  }
0x11: {  	s10 =	ssub.s32 s8, s10;
	s25 =	sadd.s32 s1, s23;
	[dreg:$0xb] =	wrdreg s24;
	v0 =	vsel vm0, $0x201, v0;
	vm0 =	vcmask $0x3734  }
0x12: {  	vm1 =	vcmask $0x3B38;
	s11 =	simm.s32 $0x8;
	s26 =	smax.u32 s10, $0x1;
	[dreg:$0xc] =	wrdreg s25;
	v0 =	vsel vm0, $0x281, v0  }
0x13: {  	s11 =	simm.s32 @!p0 $0x7;
	s23 =	simm.s32 $0x80;
	[dreg:$0xd] =	wrdreg s26;
	vm0 =	vmmov $0xff;
	v0 =	vsel vm1, $0x301, v0  }
.LBB2_15:
0x14: {  	s1 =	simm.s32 $0x5  }
0x15: {  	_ =	swait.ge [sflag:s1], $0x2800  }
0x16: {  	s2 =	rddreg [dreg:$0x10]  }
0x17: {  	s0 =	rddreg [dreg:$0xd];
	s2 =	sadd.s32 $0x1, s2  }
0x18: {  	p0 =	sne.s32 s2, s0  }
.Ltmp1:
0x19: {  	_ = 	snop;
	(pc) =	sbr.rel @!p0 .LBB2_16-.Ltmp1, $3  }
0x1a: {  	_ =	sdelay $0x1  }
0x1b: {  	[sflag:s1] =	ssyncset.done $0x0  }
0x1c: {  	[sflag:s1] =	ssyncadd.s32 $0xFFFFD800  }
.LBB2_1:
0x1d: {  	[dreg:$0x10] =	wrdreg s2  }
0x1e: {  	s0 =	rddreg [dreg:$0x8]  }
0x1f: {  	s1 =	rddreg [dreg:$0x9]  }
0x20: {  	s26 =	rddreg [dreg:$0xe]  }
0x21: {  	s4 =	simm.s32 $0x1;
	s8 =	simm.s32 $0x2;
	s9 =	simm.s32 $0x10  }
0x22: {  	[spmem:s26@s8], [sflag:s1] =	dma.strided [hbm:s0@s9], $0x4E2, s4, $0x2   }
0x23: {  	_ =	swait.ge [sflag:s20], $0x4E2  }
0x24: {  	[sflag:s20] =	ssyncset.done $0x0;
	s28 =	rddreg [dreg:$0xa]  }
0x25: {  	s30 =	rddreg [dreg:$0xf];
	[sflag:s20] =	ssyncadd.s32 $0xFFFFFB1E  }
0x26: {  	[spmem:s30@s8], [sflag:s1] =	dma.strided [hbm:s28@s9], $0x4E2, s4, $0x2   }
0x27: {  	_ =	swait.ge [sflag:s20], $0x4E2  }
0x28: {  	[sflag:s20] =	ssyncset.done $0x0  }
0x29: {  	[sflag:s20] =	ssyncadd.s32 $0xFFFFFB1E  }
0x2a: {  	[bflag:$0x0] =	sbarrier.arrive $0xFFFF  }
0x2b: {  	s2 =	rddreg [dreg:$0xb]  }
0x2c: {  	[tilespmem:s3], [sflag:$0x6] =	stream.linear.gather [hbm4b:s2+s3], $0x500, $0x38;
	[tilespmem:$0x1CA20] =	vst v63  }
0x2d: {  	_ =	swait.ge [sflag:s20], $0x500  }
0x2e: {  	[sflag:s20] =	ssyncset.done $0x0  }
0x2f: {  	s8 =	simm.s32 $0xA00;
	s4 =	rddreg [dreg:$0xc];
	[sflag:s20] =	ssyncadd.s32 $0xFFFFFB00  }
0x30: {  	[tilespmem:s8], [sflag:$0x6] =	stream.linear.gather [hbm4b:s4+s3], $0x500, $0x38;
	[tilespmem:$0x1CA20] =	vst v63  }
0x31: {  	_ =	swait.ge [sflag:s20], $0x500  }
0x32: {  	[sflag:s20] =	ssyncset.done $0x0  }
0x33: {  	s9 =	simm.s32 $0x1400;
	[sflag:s20] =	ssyncadd.s32 $0xFFFFFB00  }
0x34: {  	[tilespmem:s9], [sflag:$0x1] =	stream.indirect.gather [spmem:s5], $0x10, s3, s23, $0xb8;
	[tilespmem:$0x1CA20] =	vst v63  }
0x35: {  	s10 =	simm.s32 $0xB400  }
0x36: {  	[tilespmem:s10], [sflag:$0x3] =	stream.indirect.gather [spmem:s6], $0x10, s8, s23, $0xb8;
	[tilespmem:$0x1CA20] =	vst v63  }
0x37: {  	s12 =	simm.s32 $0x1C00  }
0x38: {  	[tilespmem:s12], [sflag:$0x1] =	stream.indirect.gather [spmem:s5], $0x10, s23, s23, $0xb8;
	[tilespmem:$0x1CA20] =	vst v63  }
0x39: {  	s13 =	simm.s32 $0xA80;
	s14 =	simm.s32 $0xBC00  }
0x3a: {  	[tilespmem:s14], [sflag:$0x3] =	stream.indirect.gather [spmem:s6], $0x10, s13, s23, $0xb8;
	[tilespmem:$0x1CA20] =	vst v63  }
0x3b: {  	s15 =	simm.s32 $0x100;
	s16 =	simm.s32 $0x2400  }
0x3c: {  	[tilespmem:s16], [sflag:$0x1] =	stream.indirect.gather [spmem:s5], $0x10, s15, s23, $0xb8;
	[tilespmem:$0x1CA20] =	vst v63  }
0x3d: {  	s17 =	simm.s32 $0xB00;
	s18 =	simm.s32 $0xC400  }
0x3e: {  	[tilespmem:s18], [sflag:$0x3] =	stream.indirect.gather [spmem:s6], $0x10, s17, s23, $0xb8;
	[tilespmem:$0x1CA20] =	vst v63  }
0x3f: {  	s19 =	simm.s32 $0x180;
	s21 =	simm.s32 $0x2C00  }
0x40: {  	[tilespmem:s21], [sflag:$0x1] =	stream.indirect.gather [spmem:s5], $0x10, s19, s23, $0xb8;
	[tilespmem:$0x1CA20] =	vst v63  }
0x41: {  	s22 =	simm.s32 $0xB80;
	s24 =	simm.s32 $0xCC00  }
0x42: {  	[tilespmem:s24], [sflag:$0x3] =	stream.indirect.gather [spmem:s6], $0x10, s22, s23, $0xb8;
	[tilespmem:$0x1CA20] =	vst v63  }
0x43: {  	s25 =	simm.s32 $0x200;
	s26 =	simm.s32 $0x3400  }
0x44: {  	[tilespmem:s26], [sflag:$0x1] =	stream.indirect.gather [spmem:s5], $0x10, s25, s23, $0xb8;
	[tilespmem:$0x1CA20] =	vst v63  }
0x45: {  	s28 =	simm.s32 $0xC00;
	s30 =	simm.s32 $0xD400  }
0x46: {  	[tilespmem:s30], [sflag:$0x3] =	stream.indirect.gather [spmem:s6], $0x10, s28, s23, $0xb8;
	[tilespmem:$0x1CA20] =	vst v63  }
0x47: {  	s2 =	simm.s32 $0x280;
	s4 =	simm.s32 $0x3C00  }
0x48: {  	[tilespmem:s4], [sflag:$0x1] =	stream.indirect.gather [spmem:s5], $0x10, s2, s23, $0xb8;
	[tilespmem:$0x1CA20] =	vst v63  }
0x49: {  	s9 =	simm.s32 $0xDC00;
	s8 =	simm.s32 $0xC80  }
0x4a: {  	[tilespmem:s9], [sflag:$0x3] =	stream.indirect.gather [spmem:s6], $0x10, s8, s23, $0xb8;
	[tilespmem:$0x1CA20] =	vst v63  }
0x4b: {  	s10 =	simm.s32 $0x300;
	s12 =	simm.s32 $0x4400  }
0x4c: {  	[tilespmem:s12], [sflag:$0x1] =	stream.indirect.gather [spmem:s5], $0x10, s10, s23, $0xb8;
	[tilespmem:$0x1CA20] =	vst v63  }
0x4d: {  	s13 =	simm.s32 $0xD00;
	s14 =	simm.s32 $0xE400  }
0x4e: {  	[tilespmem:s14], [sflag:$0x3] =	stream.indirect.gather [spmem:s6], $0x10, s13, s23, $0xb8;
	[tilespmem:$0x1CA20] =	vst v63  }
0x4f: {  	s15 =	simm.s32 $0x380;
	s16 =	simm.s32 $0x4C00  }
0x50: {  	[tilespmem:s16], [sflag:$0x1] =	stream.indirect.gather [spmem:s5], $0x10, s15, s23, $0xb8;
	[tilespmem:$0x1CA20] =	vst v63  }
0x51: {  	s17 =	simm.s32 $0xD80;
	s18 =	simm.s32 $0xEC00  }
0x52: {  	[tilespmem:s18], [sflag:$0x3] =	stream.indirect.gather [spmem:s6], $0x10, s17, s23, $0xb8;
	[tilespmem:$0x1CA20] =	vst v63  }
0x53: {  	s19 =	simm.s32 $0x400;
	s21 =	simm.s32 $0x5400  }
0x54: {  	[tilespmem:s21], [sflag:$0x1] =	stream.indirect.gather [spmem:s5], $0x10, s19, s23, $0xb8;
	[tilespmem:$0x1CA20] =	vst v63  }
0x55: {  	s22 =	simm.s32 $0xE00;
	s24 =	simm.s32 $0xF400  }
0x56: {  	[tilespmem:s24], [sflag:$0x3] =	stream.indirect.gather [spmem:s6], $0x10, s22, s23, $0xb8;
	[tilespmem:$0x1CA20] =	vst v63  }
.Ltmp2:
0x57: {  	_ = 	snop;
	(pc) =	sbr.rel .LBB2_2-.Ltmp2, $4  }
0x58: {  	s25 =	simm.s32 $0x480;
	s26 =	simm.s32 $0x5C00  }
0x59: {  	[tilespmem:s26], [sflag:$0x1] =	stream.indirect.gather [spmem:s5], $0x10, s25, s23, $0xb8;
	[tilespmem:$0x1CA20] =	vst v63  }
0x5a: {  	s0 =	simm.s32 $0x0;
	s28 =	simm.s32 $0xE80;
	s30 =	simm.s32 $0xFC00  }
0x5b: {  	[tilespmem:s30], [sflag:$0x3] =	stream.indirect.gather [spmem:s6], $0x10, s28, s23, $0xb8;
	[tilespmem:$0x1CA20] =	vst v63  }
.LBB2_14:
0x5c: {  	s0 =	sadd.s32 $0x1, s0  }
0x5d: {  	p0 =	sne.s32 s0, $0x4  }
.Ltmp3:
0x5e: {  	_ = 	snop;
	(pc) =	sbr.rel @!p0 .LBB2_15-.Ltmp3, $1  }
0x5f: {  	_ =	sdelay $0x3  }
.LBB2_2:
0x60: {  	s4 =	sshllo.u32 s0, $0x1  }
0x61: {  	p0 =	sge.u32 s4, s11  }
.Ltmp4:
0x62: {  	_ = 	snop;
	(pc) =	sbr.rel @p0 .LBB2_4-.Ltmp4, $3  }
0x63: {  	_ =	sdelay $0x1  }
0x64: {  	s4 =	sshll.u32 s4, $0x5  }
0x65: {  	s4 =	sor.u32 s7, s4  }
0x66: {  	s9 =	smul.u32 $0xA0, s4;
	_ =	sdelay $0x1  }
0x67: {  	s2 =	simm.s32 $0x500;
	s12 =	sadd.s32 s31, s9  }
0x68: {  	[tilespmem:s2], [sflag:$0x6] =	stream.linear.gather [hbm4b:s12+s3], $0x500, $0x38;
	[tilespmem:$0x1CA20] =	vst v63  }
0x69: {  	_ =	swait.ge [sflag:s20], $0x500  }
0x6a: {  	[sflag:s20] =	ssyncset.done $0x0  }
0x6b: {  	[sflag:s20] =	ssyncadd.s32 $0xFFFFFB00  }
0x6c: {  	s1 =	rddreg [dreg:$0x2]  }
0x6d: {  	s28 =	simm.s32 $0xF00;
	s9 =	sadd.s32 s1, s9  }
0x6e: {  	[tilespmem:s28], [sflag:$0x6] =	stream.linear.gather [hbm4b:s9+s3], $0x500, $0x38;
	[tilespmem:$0x1CA20] =	vst v63  }
0x6f: {  	_ =	swait.ge [sflag:s20], $0x500  }
0x70: {  	[sflag:s20] =	ssyncset.done $0x0  }
0x71: {  	s8 =	simm.s32 $0x6400;
	[sflag:s20] =	ssyncadd.s32 $0xFFFFFB00  }
0x72: {  	[tilespmem:s8], [sflag:$0x2] =	stream.indirect.gather [spmem:s5], $0x10, s2, s23, $0xb8;
	[tilespmem:$0x1CA20] =	vst v63  }
0x73: {  	s30 =	simm.s32 $0x10400  }
0x74: {  	[tilespmem:s30], [sflag:$0x4] =	stream.indirect.gather [spmem:s6], $0x10, s28, s23, $0xb8;
	[tilespmem:$0x1CA20] =	vst v63  }
0x75: {  	s9 =	simm.s32 $0x6C00;
	s8 =	simm.s32 $0x580  }
0x76: {  	[tilespmem:s9], [sflag:$0x2] =	stream.indirect.gather [spmem:s5], $0x10, s8, s23, $0xb8;
	[tilespmem:$0x1CA20] =	vst v63  }
0x77: {  	s10 =	simm.s32 $0xF80;
	s12 =	simm.s32 $0x10C00  }
0x78: {  	[tilespmem:s12], [sflag:$0x4] =	stream.indirect.gather [spmem:s6], $0x10, s10, s23, $0xb8;
	[tilespmem:$0x1CA20] =	vst v63  }
0x79: {  	s13 =	simm.s32 $0x600;
	s14 =	simm.s32 $0x7400  }
0x7a: {  	[tilespmem:s14], [sflag:$0x2] =	stream.indirect.gather [spmem:s5], $0x10, s13, s23, $0xb8;
	[tilespmem:$0x1CA20] =	vst v63  }
0x7b: {  	s15 =	simm.s32 $0x1000;
	s16 =	simm.s32 $0x11400  }
0x7c: {  	[tilespmem:s16], [sflag:$0x4] =	stream.indirect.gather [spmem:s6], $0x10, s15, s23, $0xb8;
	[tilespmem:$0x1CA20] =	vst v63  }
0x7d: {  	s17 =	simm.s32 $0x680;
	s18 =	simm.s32 $0x7C00  }
0x7e: {  	[tilespmem:s18], [sflag:$0x2] =	stream.indirect.gather [spmem:s5], $0x10, s17, s23, $0xb8;
	[tilespmem:$0x1CA20] =	vst v63  }
0x7f: {  	s19 =	simm.s32 $0x1080;
	s21 =	simm.s32 $0x11C00  }
0x80: {  	[tilespmem:s21], [sflag:$0x4] =	stream.indirect.gather [spmem:s6], $0x10, s19, s23, $0xb8;
	[tilespmem:$0x1CA20] =	vst v63  }
0x81: {  	s22 =	simm.s32 $0x700;
	s24 =	simm.s32 $0x8400  }
0x82: {  	[tilespmem:s24], [sflag:$0x2] =	stream.indirect.gather [spmem:s5], $0x10, s22, s23, $0xb8;
	[tilespmem:$0x1CA20] =	vst v63  }
0x83: {  	s25 =	simm.s32 $0x1100;
	s26 =	simm.s32 $0x12400  }
0x84: {  	[tilespmem:s26], [sflag:$0x4] =	stream.indirect.gather [spmem:s6], $0x10, s25, s23, $0xb8;
	[tilespmem:$0x1CA20] =	vst v63  }
0x85: {  	s28 =	simm.s32 $0x780;
	s30 =	simm.s32 $0x8C00  }
0x86: {  	[tilespmem:s30], [sflag:$0x2] =	stream.indirect.gather [spmem:s5], $0x10, s28, s23, $0xb8;
	[tilespmem:$0x1CA20] =	vst v63  }
0x87: {  	s8 =	simm.s32 $0x1180;
	s9 =	simm.s32 $0x12C00  }
0x88: {  	[tilespmem:s9], [sflag:$0x4] =	stream.indirect.gather [spmem:s6], $0x10, s8, s23, $0xb8;
	[tilespmem:$0x1CA20] =	vst v63  }
0x89: {  	s10 =	simm.s32 $0x800;
	s12 =	simm.s32 $0x9400  }
0x8a: {  	[tilespmem:s12], [sflag:$0x2] =	stream.indirect.gather [spmem:s5], $0x10, s10, s23, $0xb8;
	[tilespmem:$0x1CA20] =	vst v63  }
0x8b: {  	s13 =	simm.s32 $0x1200;
	s14 =	simm.s32 $0x13400  }
0x8c: {  	[tilespmem:s14], [sflag:$0x4] =	stream.indirect.gather [spmem:s6], $0x10, s13, s23, $0xb8;
	[tilespmem:$0x1CA20] =	vst v63  }
0x8d: {  	s15 =	simm.s32 $0x880;
	s16 =	simm.s32 $0x9C00  }
0x8e: {  	[tilespmem:s16], [sflag:$0x2] =	stream.indirect.gather [spmem:s5], $0x10, s15, s23, $0xb8;
	[tilespmem:$0x1CA20] =	vst v63  }
0x8f: {  	s17 =	simm.s32 $0x1280;
	s18 =	simm.s32 $0x13C00  }
0x90: {  	[tilespmem:s18], [sflag:$0x4] =	stream.indirect.gather [spmem:s6], $0x10, s17, s23, $0xb8;
	[tilespmem:$0x1CA20] =	vst v63  }
0x91: {  	s19 =	simm.s32 $0x900;
	s21 =	simm.s32 $0xA400  }
0x92: {  	[tilespmem:s21], [sflag:$0x2] =	stream.indirect.gather [spmem:s5], $0x10, s19, s23, $0xb8;
	[tilespmem:$0x1CA20] =	vst v63  }
0x93: {  	s22 =	simm.s32 $0x1300;
	s24 =	simm.s32 $0x14400  }
0x94: {  	[tilespmem:s24], [sflag:$0x4] =	stream.indirect.gather [spmem:s6], $0x10, s22, s23, $0xb8;
	[tilespmem:$0x1CA20] =	vst v63  }
0x95: {  	s25 =	simm.s32 $0x980;
	s26 =	simm.s32 $0xAC00  }
0x96: {  	[tilespmem:s26], [sflag:$0x2] =	stream.indirect.gather [spmem:s5], $0x10, s25, s23, $0xb8;
	[tilespmem:$0x1CA20] =	vst v63  }
0x97: {  	s28 =	simm.s32 $0x1380;
	s30 =	simm.s32 $0x14C00  }
0x98: {  	[tilespmem:s30], [sflag:$0x4] =	stream.indirect.gather [spmem:s6], $0x10, s28, s23, $0xb8;
	[tilespmem:$0x1CA20] =	vst v63  }
.LBB2_4:
0x99: {  	s19 =	sshll.u32 s0, $0x1  }
0x9a: {  	p1 =	sge.u32 s19, s11  }
.Ltmp5:
0x9b: {  	_ = 	snop;
	(pc) =	sbr.rel @p1 .LBB2_8-.Ltmp5, $1  }
0x9c: {  	_ =	sdelay $0x3  }
0x9d: {  	p1 =	seq.s32 s0, $0x0  }
0x9e: {  	s9 =	simm.s32 @!p1 $0x5  }
0x9f: {  	_ =	swait.ge @!p1 [sflag:s9], $0x2800  }
0xa0: {  	[sflag:s9] =	ssyncset.done @!p1 $0x0  }
0xa1: {  	s1 =	simm.s32 $0x1;
	[sflag:s9] =	ssyncadd.s32 @!p1 $0xFFFFD800  }
0xa2: {  	_ =	swait.ge [sflag:s1], $0x5000  }
0xa3: {  	[sflag:s1] =	ssyncset.done $0x0  }
0xa4: {  	s30 =	simm.s32 $0x3;
	[sflag:s1] =	ssyncadd.s32 $0xFFFFB000  }
0xa5: {  	_ =	swait.ge [sflag:s30], $0x5000  }
0xa6: {  	[sflag:s30] =	ssyncset.done $0x0  }
0xa7: {  	s15 =	simm.s32 $0x1500;
	[sflag:s30] =	ssyncadd.s32 $0xFFFFB000  }
0xa8: {  	s9 =	simm.s32 $0xB500;
	v2 =	vld [tilespmem:s15+$0xE0]  }
0xa9: {  	v3 =	vld [tilespmem:s9+$0xE0]  }
0xaa: {  	v4 =	vld [tilespmem:s15+$0xF0]  }
0xab: {  	v5 =	vld [tilespmem:s9+$0xF0]  }
0xac: {  	v6 =	vld [tilespmem:s15+$0xFFFFFF10]  }
0xad: {  	v7 =	vld [tilespmem:s9+$0xFFFFFF10]  }
0xae: {  	v8 =	vld [tilespmem:s15+$0xFFFFFF20]  }
0xaf: {  	v9 =	vld [tilespmem:s9+$0xFFFFFF20]  }
0xb0: {  	v10 =	vld [tilespmem:s15+$0xFFFFFF30]  }
0xb1: {  	v11 =	vld [tilespmem:s9+$0xFFFFFF30]  }
0xb2: {  	v12 =	vld [tilespmem:s15+$0xFFFFFF40]  }
0xb3: {  	v13 =	vld [tilespmem:s9+$0xFFFFFF40]  }
0xb4: {  	v14 =	vld [tilespmem:s15+$0xFFFFFF50]  }
0xb5: {  	v15 =	vld [tilespmem:s9+$0xFFFFFF50]  }
0xb6: {  	v16 =	vld [tilespmem:s15+$0xFFFFFF60]  }
0xb7: {  	v17 =	vld [tilespmem:s15+$0xFFFFFF80];
	v2 =	vadd.f32 v3, v2;
	v3 =	vadd.f32 v5, v4  }
0xb8: {  	v4 =	vld [tilespmem:s9+$0xFFFFFF60]  }
0xb9: {  	v5 =	vld [tilespmem:s15+$0xFFFFFF70];
	v2 =	vsel vm0, v2, v3  }
0xba: {  	v8 =	vadd.f32 v9, v8;
	v9 =	vadd.f32 v11, v10;
	v10 =	vld [tilespmem:s9+$0xFFFFFF80];
	v2 =	vmul.f32 $1.442695020e+00, v2  }
0xbb: {  	v11 =	vadd.f32 v13, v12;
	v13 =	vld [tilespmem:s15+$0xFFFFFFA0]  }
0xbc: {  	v12 =	vadd.f32 v15, v14;
	v14 =	vld [tilespmem:s9+$0xFFFFFFA0];
	(erf) = vpow2.f32 v2  }
0xbd: {  	v15 =	vld [tilespmem:s15+$0xFFFFFFC0];
	v8 =	vsel vm0, v8, v9  }
0xbe: {  	v3 =	vld [tilespmem:s9+$0xFFFFFF70];
	v8 =	vmul.f32 $1.442695020e+00, v8  }
0xbf: {  	v9 =	vld [tilespmem:s9+$0xFFFFFF90]  }
0xc0: {  	v2 =	vld [tilespmem:s15+$0xFFFFFF90];
	(erf) = vpow2.f32 v8;
	v8 =	vsel vm0, v11, v12  }
0xc1: {  	v11 =	vld [tilespmem:s15+$0xFFFFFFB0];
	v8 =	vmul.f32 $1.442695020e+00, v8  }
0xc2: {  	v12 =	vld [tilespmem:s9+$0xFFFFFFB0]  }
0xc3: {  	v3 =	vadd.f32 v3, v5;
	v5 =	vld [tilespmem:s15+$0xFFFFFFD0];
	(erf) = vpow2.f32 v8  }
0xc4: {  	v4 =	vadd.f32 v4, v16;
	v8 =	vld [tilespmem:s9+$0xFFFFFFC0]  }
0xc5: {  	v2 =	vadd.f32 v9, v2;
	v9 =	vld [tilespmem:s9+$0xFFFFFFD0];
	v16 =	vpop (erf)  }
0xc6: {  	v10 =	vadd.f32 v10, v17;
	v3 =	vsel vm0, v4, v3;
	v4 =	vld [tilespmem:s15+$0xFFFFFFE0];
	v16 =	vadd.f32 $1.000000000e+00, v16  }
0xc7: {  	v3 =	vmul.f32 $1.442695020e+00, v3;
	v11 =	vadd.f32 v12, v11;
	v12 =	vld [tilespmem:s9+$0xFFFFFFF0]  }
0xc8: {  	v2 =	vsel vm0, v10, v2;
	v10 =	vld [tilespmem:s9+$0xFFFFFFE0];
	(erf) = vrcp.f32 v16  }
0xc9: {  	v2 =	vmul.f32 $1.442695020e+00, v2;
	v16 =	vld [tilespmem:s15+$0xFFFFFFF0];
	(erf) = vpow2.f32 v3;
	v3 =	vadd.f32 v14, v13;
	v13 =	vpop (erf)  }
0xca: {  	v5 =	vadd.f32 v9, v5;
	v14 =	vld [tilespmem:s15+$0x0];
	v13 =	vadd.f32 $1.000000000e+00, v13  }
0xcb: {  	(erf) = vpow2.f32 v2;
	v2 =	vsel vm0, v3, v11;
	v3 =	vadd.f32 v8, v15;
	v8 =	vld [tilespmem:s9+$0x0]  }
0xcc: {  	v9 =	vpop (erf);
	v11 =	vld [tilespmem:s15+$0x10];
	v2 =	vmul.f32 $1.442695020e+00, v2  }
0xcd: {  	v9 =	vadd.f32 $1.000000000e+00, v9;
	(erf) = vrcp.f32 v13;
	v3 =	vsel vm0, v3, v5;
	v5 =	vld [tilespmem:s9+$0x10]  }
0xce: {  	v17 =	vld [tilespmem:s9+$0x30];
	(erf) = vpow2.f32 v2;
	v2 =	vmul.f32 $1.442695020e+00, v3  }
0xcf: {  	v3 =	vld [tilespmem:s15+$0x20];
	(erf) = vrcp.f32 v9  }
0xd0: {  	v4 =	vadd.f32 v10, v4;
	v12 =	vadd.f32 v12, v16;
	v9 =	vld [tilespmem:s9+$0x20];
	(erf) = vpow2.f32 v2  }
0xd1: {  	v13 =	vld [tilespmem:s15+$0x30];
	v15 =	vpop (erf)  }
0xd2: {  	v4 =	vsel vm0, v4, v12;
	v8 =	vadd.f32 v8, v14;
	v10 =	vpop (erf);
	v5 =	vadd.f32 v5, v11  }
0xd3: {  	v19 =	vld [tilespmem:s9+$0x70];
	v2 =	vadd.f32 v7, v6;
	v4 =	vmul.f32 $1.442695020e+00, v4;
	v6 =	vadd.f32 $1.000000000e+00, v10  }
0xd4: {  	v16 =	vld [tilespmem:s15+$0x40];
	v5 =	vsel vm0, v8, v5  }
0xd5: {  	v7 =	vld [tilespmem:s9+$0x40];
	v10 =	vpop (erf);
	v3 =	vadd.f32 v9, v3;
	(erf) = vrcp.f32 v6;
	v5 =	vmul.f32 $1.442695020e+00, v5  }
0xd6: {  	s8 =	smov.u32 s31;
	v11 =	vld [tilespmem:s15+$0x50];
	v8 =	vadd.f32 v17, v13;
	v6 =	vadd.f32 $1.000000000e+00, v10;
	v12 =	vpop (erf);
	(erf) = vpow2.f32 v4  }
0xd7: {  	s12 =	simm.s32 $0x0;
	s13 =	simm.s32 $0x1E;
	s16 =	simm.s32 $0x0;
	v10 =	vld [tilespmem:s9+$0x50];
	v4 =	vpop (erf)  }
0xd8: {  	s10 =	simm.s32 $0x2;
	s14 =	sand.u32 $0x3C00, s12;
	s21 =	sand.u32 $0x7E, s13;
	v21 =	vld [tilespmem:s15+$0x80];
	(erf) = vrcp.f32 v6;
	v6 =	vsel vm0, v3, v8;
	v4 =	vadd.f32 $1.000000000e+00, v4;
	v18 =	vpop (erf)  }
0xd9: {  	s24 =	simm.s32 $0x4;
	s10 =	sand.u32 $0x62, s10;
	s21 =	sor.u32 s14, s21;
	v13 =	vld [tilespmem:s15+$0x60];
	(erf) = vpow2.f32 v5;
	v6 =	vmul.f32 $1.442695020e+00, v6;
	v5 =	vpop (erf)  }
0xda: {  	s31 =	simm.s32 $0x6;
	s3 =	simm.s32 $0x8;
	s10 =	sor.u32 s14, s10;
	v14 =	vor.u32 s21, v0;
	v17 =	vld [tilespmem:s9+$0x60];
	(erf) = vrcp.f32 v4;
	v4 =	vadd.f32 $1.000000000e+00, v5  }
0xdb: {  	s2 =	simm.s32 $0xA;
	s25 =	simm.s32 $0xC;
	s26 =	simm.s32 $0xE;
	v20 =	vor.u32 s10, v0;
	v8 =	vld [tilespmem:s15+$0x70];
	(erf) = vpow2.f32 v6  }
0xdc: {  	s24 =	sand.u32 $0x64, s24;
	s3 =	sand.u32 $0x68, s3;
	s7 =	sand.u32 $0x6C, s25;
	v24 =	vld [tilespmem:s9+$0x80];
	v5 =	vadd.f32 v10, v11;
	(erf) = vrcp.f32 v4;
	v4 =	vadd.f32 v7, v16  }
0xdd: {  	s25 =	sor.u32 s14, s24;
	s3 =	sor.u32 s14, s3;
	s1 =	sand.u32 $0x66, s31;
	v27 =	vld [tilespmem:s15+$0x90]  }
0xde: {  	s17 =	simm.s32 $0x12;
	s2 =	sand.u32 $0x6A, s2;
	v22 =	vor.u32 s25, v0;
	v25 =	vor.u32 s3, v0;
	s1 =	sor.u32 s14, s1;
	v7 =	vld [tilespmem:s9+$0x90];
	v29 =	vpop (erf);
	v4 =	vsel vm0, v4, v5  }
0xdf: {  	s16 =	sand.u32 $0x60, s16;
	s2 =	sor.u32 s14, s2;
	s31 =	sand.u32 $0x72, s17;
	v23 =	vor.u32 s1, v0;
	v30 =	vld [tilespmem:s15+$0xB0];
	[tilespmem:v14+s29+$0x0] =	vst.idx.msk $0xffff, v15;
	v13 =	vadd.f32 v17, v13;
	v14 =	vpop (erf);
	v4 =	vmul.f32 $1.442695020e+00, v4  }
0xe0: {  	s22 =	simm.s32 $0x10;
	s16 =	sor.u32 s16, s14;
	v26 =	vor.u32 s2, v0;
	s10 =	sor.u32 s14, s31;
	[tilespmem:v20+s29+$0x0] =	vst.idx.msk $0xffff, v12;
	v20 =	vld [tilespmem:s9+$0xB0];
	v17 =	vadd.f32 v19, v8;
	v14 =	vadd.f32 $1.000000000e+00, v14  }
0xe1: {  	s18 =	simm.s32 $0x16;
	s28 =	sand.u32 $0x6E, s26;
	v9 =	vor.u32 s10, v0;
	v3 =	vor.u32 s16, v0;
	s16 =	sor.u32 s14, s7;
	v16 =	vld [tilespmem:s15+$0xA0];
	v15 =	vpop (erf);
	(erf) = vpow2.f32 v4  }
0xe2: {  	s30 =	sand.u32 $0x70, s22;
	s21 =	simm.s32 $0x14;
	s7 =	sor.u32 s14, s28;
	v28 =	vor.u32 s16, v0;
	v19 =	vld [tilespmem:s9+$0xA0];
	v12 =	vsel vm0, v13, v17;
	(erf) = vrcp.f32 v14  }
0xe3: {  	v1 =	vld [tilespmem:s9+$0xFFFFFF00];
	s1 =	sor.u32 s14, s30;
	s17 =	sand.u32 $0x74, s21;
	s21 =	sand.u32 $0x76, s18;
	[tilespmem:v22+s29+$0x0] =	vst.idx.msk $0xffff, v18;
	v11 =	vor.u32 s7, v0;
	v13 =	vmul.f32 $1.442695020e+00, v12;
	v22 =	vadd.f32 v7, v27;
	v4 =	vpop (erf)  }
0xe4: {  	s26 =	simm.s32 $0x1A;
	s25 =	sor.u32 s14, s21;
	s16 =	simm.s32 $0x18;
	v10 =	vor.u32 s1, v0;
	v17 =	vadd.f32 v24, v21;
	v12 =	vld [tilespmem:s15+$0xC0];
	[tilespmem:v23+s29+$0x0] =	vst.idx.msk $0xffff, v29;
	v18 =	vadd.f32 $1.000000000e+00, v4  }
0xe5: {  	s24 =	sor.u32 s14, s17;
	s28 =	simm.s32 $0x1C;
	s22 =	sand.u32 $0x78, s16;
	v6 =	vor.u32 s25, v0;
	v20 =	vadd.f32 v20, v30;
	[tilespmem:v25+s29+$0x0] =	vst.idx.msk $0xffff, v15;
	v14 =	vld [tilespmem:s9+$0xC0];
	(erf) = vpow2.f32 v13;
	v21 =	vpop (erf)  }
0xe6: {  	s30 =	sand.u32 $0x7A, s26;
	s31 =	sand.u32 $0x7C, s28;
	s1 =	sor.u32 s14, s22;
	v8 =	vor.u32 s24, v0;
	v15 =	vld [tilespmem:s9+$0xD0];
	v23 =	vpop (erf);
	[tilespmem:v26+s29+$0x0] =	vst.idx.msk $0xffff, v21;
	v21 =	vsel vm0, v17, v22;
	(erf) = vrcp.f32 v18  }
0xe7: {  	s2 =	sor.u32 s14, s31;
	v5 =	vor.u32 s1, v0;
	s1 =	sor.u32 s14, s30;
	v13 =	vld [tilespmem:s15+$0xD0];
	v17 =	vadd.f32 v19, v16;
	v22 =	vpop (erf);
	v19 =	vmul.f32 $1.442695020e+00, v21  }
0xe8: {  	s14 =	simm.s32 $0x0;
	v7 =	vor.u32 s1, v0;
	v4 =	vor.u32 s2, v0;
	v16 =	vld [tilespmem:s15+$0xFFFFFF00];
	s15 =	simm.s32 $0x1700;
	v18 =	vadd.f32 $1.000000000e+00, v23;
	[tilespmem:v28+s29+$0x0] =	vst.idx.msk $0xffff, v22  }
.LBB2_6:
0xe9: {  	v21 =	vld [tilespmem:s15+$0xE0];
	s9 =	sadd.s32 $0x200, s9;
	(erf) = vpow2.f32 v19  }
0xea: {  	v19 =	vld [tilespmem:s9+$0xE0];
	v17 =	vsel vm0, v17, v20;
	v12 =	vadd.f32 v14, v12;
	(erf) = vrcp.f32 v18;
	v14 =	vpop (erf)  }
0xeb: {  	v18 =	vld [tilespmem:s15+$0xF0];
	v14 =	vadd.f32 $1.000000000e+00, v14;
	v17 =	vmul.f32 $1.442695020e+00, v17;
	v20 =	vpop (erf)  }
0xec: {  	s14 =	sadd.s32 $0x10, s14;
	v22 =	vld [tilespmem:s9+$0xF0];
	[tilespmem:v11+s29+$0x0] =	vst.idx.msk $0xffff, v20;
	v11 =	vadd.f32 v15, v13  }
0xed: {  	p1 =	slt.u32 s14, $0x270;
	v16 =	vadd.f32 v1, v16;
	v1 =	vld [tilespmem:s9+$0xFFFFFF00];
	(erf) = vpow2.f32 v17  }
0xee: {  	v15 =	vld [tilespmem:s15+$0xFFFFFF10];
	v11 =	vsel vm0, v12, v11;
	(erf) = vrcp.f32 v14;
	v12 =	vpop (erf)  }
0xef: {  	v14 =	vld [tilespmem:s9+$0xFFFFFF10];
	v2 =	vsel vm0, v16, v2;
	v12 =	vadd.f32 $1.000000000e+00, v12;
	v11 =	vmul.f32 $1.442695020e+00, v11;
	v13 =	vpop (erf)  }
0xf0: {  	v16 =	vld [tilespmem:s15+$0xFFFFFF20];
	v20 =	vmul.f32 $1.442695020e+00, v2;
	[tilespmem:v10+s29+$0x0] =	vst.idx.msk $0xffff, v13  }
0xf1: {  	v13 =	vadd.f32 v19, v21;
	v10 =	vld [tilespmem:s9+$0xFFFFFF20];
	v17 =	vadd.f32 v22, v18;
	(erf) = vpow2.f32 v11  }
0xf2: {  	v11 =	vld [tilespmem:s15+$0xFFFFFF30];
	(erf) = vpow2.f32 v20;
	v2 =	vpop (erf)  }
0xf3: {  	v18 =	vld [tilespmem:s9+$0xFFFFFF30];
	v13 =	vsel vm0, v13, v17;
	v17 =	vadd.f32 $1.000000000e+00, v2;
	v19 =	vpop (erf);
	(erf) = vrcp.f32 v12  }
0xf4: {  	v2 =	vadd.f32 v14, v15;
	v12 =	vld [tilespmem:s15+$0xFFFFFF40];
	v15 =	vmul.f32 $1.442695020e+00, v13;
	[tilespmem:v9+s29+$0x0] =	vst.idx.msk $0xffff, v19  }
0xf5: {  	v9 =	vld [tilespmem:s9+$0xFFFFFF40];
	(erf) = vrcp.f32 v17  }
0xf6: {  	v10 =	vadd.f32 v10, v16;
	v14 =	vld [tilespmem:s15+$0xFFFFFF50];
	(erf) = vpow2.f32 v15;
	v13 =	vpop (erf)  }
0xf7: {  	v15 =	vld [tilespmem:s9+$0xFFFFFF50];
	v13 =	vadd.f32 $1.000000000e+00, v13;
	v16 =	vpop (erf)  }
0xf8: {  	v11 =	vadd.f32 v18, v11;
	v17 =	vld [tilespmem:s15+$0xFFFFFF60];
	[tilespmem:v8+s29+$0x0] =	vst.idx.msk $0xffff, v16  }
0xf9: {  	v8 =	vld [tilespmem:s9+$0xFFFFFF60];
	(erf) = vrcp.f32 v13  }
0xfa: {  	v10 =	vsel vm0, v10, v11;
	v9 =	vadd.f32 v9, v12;
	v11 =	vld [tilespmem:s15+$0xFFFFFF70];
	v12 =	vpop (erf)  }
0xfb: {  	v20 =	vmul.f32 $1.442695020e+00, v10;
	v13 =	vld [tilespmem:s9+$0xFFFFFF70];
	v12 =	vadd.f32 $1.000000000e+00, v12;
	v16 =	vpop (erf)  }
0xfc: {  	v14 =	vadd.f32 v15, v14;
	v15 =	vld [tilespmem:s15+$0xFFFFFF80];
	v21 =	vadd.f32 $1.000000000e+00, v16;
	v18 =	vpop (erf)  }
0xfd: {  	v19 =	vld [tilespmem:s9+$0xFFFFFF80];
	(erf) = vpow2.f32 v20;
	[tilespmem:v6+s29+$0x0] =	vst.idx.msk $0xffff, v18  }
0xfe: {  	v6 =	vsel vm0, v9, v14;
	v8 =	vadd.f32 v8, v17;
	v9 =	vld [tilespmem:s15+$0xFFFFFF90];
	(erf) = vrcp.f32 v21;
	v10 =	vpop (erf)  }
0xff: {  	v6 =	vmul.f32 $1.442695020e+00, v6;
	v14 =	vld [tilespmem:s9+$0xFFFFFF90];
	v16 =	vpop (erf);
	[tilespmem:v5+s29+$0x0] =	vst.idx.msk $0xffff, v10;
	(erf) = vrcp.f32 v12  }
0x100: {  	v5 =	vadd.f32 v13, v11;
	v10 =	vld [tilespmem:s15+$0xFFFFFFA0];
	v13 =	vadd.f32 $1.000000000e+00, v16  }
0x101: {  	v12 =	vld [tilespmem:s9+$0xFFFFFFA0];
	(erf) = vpow2.f32 v6  }
0x102: {  	v5 =	vsel vm0, v8, v5;
	v6 =	vadd.f32 v19, v15;
	v8 =	vld [tilespmem:s15+$0xFFFFFFB0];
	(erf) = vrcp.f32 v13;
	v11 =	vpop (erf)  }
0x103: {  	v5 =	vmul.f32 $1.442695020e+00, v5;
	v13 =	vld [tilespmem:s9+$0xFFFFFFB0];
	[tilespmem:v7+s29+$0x0] =	vst.idx.msk $0xffff, v11  }
0x104: {  	s13 =	sadd.s32 $0x20, s13;
	s12 =	sadd.s32 $0x100, s12;
	v7 =	vadd.f32 v14, v9;
	v9 =	vld [tilespmem:s15+$0xFFFFFFC0]  }
0x105: {  	s16 =	sand.u32 $0x3C00, s12;
	s1 =	sadd.s32 $0xFFFFFFE2, s13;
	s2 =	sand.u32 $0x7E, s13;
	v11 =	vld [tilespmem:s9+$0xFFFFFFC0];
	(erf) = vpow2.f32 v5  }
0x106: {  	s3 =	sadd.s32 $0xFFFFFFE4, s13;
	s10 =	sadd.s32 $0xFFFFFFE6, s13;
	s2 =	sor.u32 s16, s2;
	v5 =	vsel vm0, v6, v7;
	v6 =	vadd.f32 v12, v10;
	v7 =	vld [tilespmem:s15+$0xFFFFFFD0];
	v10 =	vpop (erf)  }
0x107: {  	s17 =	sadd.s32 $0xFFFFFFE8, s13;
	s18 =	sadd.s32 $0xFFFFFFEA, s13;
	s1 =	sand.u32 $0x60, s1;
	v14 =	vor.u32 s2, v0;
	v10 =	vadd.f32 $1.000000000e+00, v10;
	v5 =	vmul.f32 $1.442695020e+00, v5;
	v12 =	vld [tilespmem:s9+$0xFFFFFFD0];
	v15 =	vpop (erf)  }
0x108: {  	s21 =	sadd.s32 $0xFFFFFFEE, s13;
	s22 =	sadd.s32 $0xFFFFFFF0, s13;
	s2 =	sadd.s32 $0xFFFFFFEC, s13;
	v8 =	vadd.f32 v13, v8;
	v13 =	vld [tilespmem:s15+$0xFFFFFFE0];
	[tilespmem:v3+s29+$0x0] =	vst.idx.msk $0xffff, v15;
	v3 =	vpop (erf)  }
0x109: {  	s24 =	sadd.s32 $0xFFFFFFF2, s13;
	s25 =	sadd.s32 $0xFFFFFFF4, s13;
	s26 =	sadd.s32 $0xFFFFFFF6, s13;
	v15 =	vld [tilespmem:s9+$0xFFFFFFE0];
	(erf) = vpow2.f32 v5;
	[tilespmem:v4+s29+$0x0] =	vst.idx.msk $0xffff, v3  }
0x10a: {  	s28 =	sadd.s32 $0xFFFFFFF8, s13;
	s31 =	sadd.s32 $0xFFFFFFFA, s13;
	s30 =	sadd.s32 $0xFFFFFFFC, s13;
	v3 =	vsel vm0, v6, v8;
	v4 =	vadd.f32 v11, v9;
	v5 =	vld [tilespmem:s15+$0xFFFFFFF0];
	(erf) = vrcp.f32 v10;
	v6 =	vpop (erf)  }
0x10b: {  	s7 =	sadd.s32 $0xFFFFFFFE, s13;
	s3 =	sand.u32 $0x62, s3;
	s1 =	sor.u32 s1, s16;
	v16 =	vadd.f32 $1.000000000e+00, v6;
	v8 =	vmul.f32 $1.442695020e+00, v3;
	v9 =	vld [tilespmem:s9+$0xFFFFFFF0];
	v10 =	vpop (erf)  }
0x10c: {  	v3 =	vor.u32 s1, v0;
	s1 =	sand.u32 $0x64, s10;
	s10 =	sand.u32 $0x66, s17;
	s17 =	sand.u32 $0x68, s18;
	v7 =	vadd.f32 v12, v7;
	v11 =	vld [tilespmem:s15+$0x0];
	[tilespmem:v14+s29+$0x0] =	vst.idx.msk $0xffff, v10  }
0x10d: {  	s2 =	sand.u32 $0x6A, s2;
	s18 =	sand.u32 $0x6C, s21;
	s21 =	sand.u32 $0x6E, s22;
	v10 =	vld [tilespmem:s9+$0x0];
	(erf) = vpow2.f32 v8  }
0x10e: {  	s22 =	sand.u32 $0x70, s24;
	s24 =	sand.u32 $0x72, s25;
	s25 =	sand.u32 $0x74, s26;
	v4 =	vsel vm0, v4, v7;
	v7 =	vadd.f32 v15, v13;
	v8 =	vld [tilespmem:s15+$0x10];
	(erf) = vrcp.f32 v16;
	v6 =	vpop (erf)  }
0x10f: {  	s3 =	sor.u32 s16, s3;
	s26 =	sand.u32 $0x76, s28;
	s28 =	sand.u32 $0x78, s31;
	v16 =	vadd.f32 $1.000000000e+00, v6;
	v4 =	vmul.f32 $1.442695020e+00, v4;
	v12 =	vld [tilespmem:s9+$0x10]  }
0x110: {  	s7 =	sand.u32 $0x7C, s7;
	s1 =	sor.u32 s16, s1;
	v13 =	vor.u32 s3, v0;
	s3 =	sand.u32 $0x7A, s30;
	v5 =	vadd.f32 v9, v5;
	v9 =	vld [tilespmem:s15+$0x20]  }
0x111: {  	s2 =	sor.u32 s16, s2;
	v14 =	vor.u32 s1, v0;
	s1 =	sor.u32 s16, s10;
	s10 =	sor.u32 s16, s17;
	v15 =	vld [tilespmem:s9+$0x20];
	(erf) = vpow2.f32 v4  }
0x112: {  	s17 =	sor.u32 s16, s18;
	s18 =	sor.u32 s16, s21;
	s21 =	sor.u32 s16, s22;
	v4 =	vsel vm0, v7, v5;
	v5 =	vadd.f32 v10, v11;
	v7 =	vld [tilespmem:s15+$0x30];
	(erf) = vrcp.f32 v16;
	v6 =	vpop (erf)  }
0x113: {  	s22 =	sor.u32 s16, s25;
	v16 =	vor.u32 s1, v0;
	s1 =	sor.u32 s16, s24;
	s24 =	sor.u32 s16, s26;
	v6 =	vadd.f32 $1.000000000e+00, v6;
	v4 =	vmul.f32 $1.442695020e+00, v4;
	v17 =	vld [tilespmem:s9+$0x30];
	v10 =	vpop (erf)  }
0x114: {  	s7 =	sor.u32 s16, s7;
	v19 =	vor.u32 s2, v0;
	s2 =	sor.u32 s16, s28;
	v18 =	vor.u32 s10, v0;
	s3 =	sor.u32 s16, s3;
	v8 =	vadd.f32 v12, v8;
	v12 =	vld [tilespmem:s15+$0x40]  }
0x115: {  	v20 =	vor.u32 s17, v0;
	v11 =	vor.u32 s18, v0;
	[tilespmem:v13+s29+$0x0] =	vst.idx.msk $0xffff, v10;
	v13 =	vld [tilespmem:s9+$0x40];
	(erf) = vpow2.f32 v4  }
0x116: {  	v4 =	vsel vm0, v5, v8;
	v15 =	vadd.f32 v15, v9;
	v21 =	vld [tilespmem:s15+$0x50];
	(erf) = vrcp.f32 v6;
	v5 =	vpop (erf)  }
0x117: {  	v10 =	vor.u32 s21, v0;
	v22 =	vadd.f32 $1.000000000e+00, v5;
	v4 =	vmul.f32 $1.442695020e+00, v4;
	v23 =	vld [tilespmem:s9+$0x50];
	v5 =	vpop (erf)  }
0x118: {  	v9 =	vor.u32 s1, v0;
	v8 =	vor.u32 s22, v0;
	[tilespmem:v14+s29+$0x0] =	vst.idx.msk $0xffff, v5;
	v24 =	vadd.f32 v17, v7;
	v14 =	vld [tilespmem:s15+$0x60]  }
0x119: {  	v6 =	vor.u32 s24, v0;
	v5 =	vor.u32 s2, v0;
	v17 =	vld [tilespmem:s9+$0x60];
	(erf) = vpow2.f32 v4  }
0x11a: {  	v25 =	vsel vm0, v15, v24;
	v12 =	vadd.f32 v13, v12;
	v13 =	vld [tilespmem:s15+$0x70];
	(erf) = vrcp.f32 v22;
	v7 =	vpop (erf)  }
0x11b: {  	v26 =	vadd.f32 $1.000000000e+00, v7;
	v22 =	vmul.f32 $1.442695020e+00, v25;
	v24 =	vld [tilespmem:s9+$0x70];
	v7 =	vor.u32 s3, v0;
	v4 =	vpop (erf)  }
0x11c: {  	[tilespmem:v16+s29+$0x0] =	vst.idx.msk $0xffff, v4;
	v16 =	vadd.f32 v23, v21;
	v21 =	vld [tilespmem:s15+$0x80];
	v4 =	vor.u32 s7, v0  }
0x11d: {  	v23 =	vld [tilespmem:s9+$0x80];
	(erf) = vpow2.f32 v22  }
0x11e: {  	v12 =	vsel vm0, v12, v16;
	v14 =	vadd.f32 v17, v14;
	v16 =	vld [tilespmem:s15+$0x90];
	(erf) = vrcp.f32 v26;
	v15 =	vpop (erf)  }
0x11f: {  	v15 =	vadd.f32 $1.000000000e+00, v15;
	v12 =	vmul.f32 $1.442695020e+00, v12;
	v17 =	vld [tilespmem:s9+$0x90];
	v22 =	vpop (erf)  }
0x120: {  	[tilespmem:v18+s29+$0x0] =	vst.idx.msk $0xffff, v22;
	v13 =	vadd.f32 v24, v13;
	v18 =	vld [tilespmem:s15+$0xA0]  }
0x121: {  	v22 =	vld [tilespmem:s9+$0xA0];
	(erf) = vpow2.f32 v12  }
0x122: {  	v25 =	vsel vm0, v14, v13;
	v13 =	vadd.f32 v23, v21;
	v21 =	vld [tilespmem:s15+$0xB0];
	(erf) = vrcp.f32 v15;
	v14 =	vpop (erf)  }
0x123: {  	v26 =	vadd.f32 $1.000000000e+00, v14;
	v23 =	vmul.f32 $1.442695020e+00, v25;
	v24 =	vld [tilespmem:s9+$0xB0];
	v12 =	vpop (erf)  }
.Ltmp6:
0x124: {  	[tilespmem:v19+s29+$0x0] =	vst.idx.msk $0xffff, v12;
	v16 =	vadd.f32 v17, v16;
	v12 =	vld [tilespmem:s15+$0xC0];
	(pc) =	sbr.rel @p1 .LBB2_6-.Ltmp6, $4  }
0x125: {  	v14 =	vld [tilespmem:s9+$0xC0];
	(erf) = vpow2.f32 v23  }
0x126: {  	v16 =	vsel vm0, v13, v16;
	v17 =	vadd.f32 v22, v18;
	v13 =	vld [tilespmem:s15+$0xD0];
	(erf) = vrcp.f32 v26;
	v15 =	vpop (erf)  }
0x127: {  	v18 =	vadd.f32 $1.000000000e+00, v15;
	v19 =	vmul.f32 $1.442695020e+00, v16;
	v15 =	vld [tilespmem:s9+$0xD0];
	v22 =	vpop (erf)  }
0x128: {  	v16 =	vld [tilespmem:s15+$0xFFFFFF00];
	[tilespmem:v20+s29+$0x0] =	vst.idx.msk $0xffff, v22;
	v20 =	vadd.f32 v24, v21;
	s15 =	sadd.s32 $0x200, s15  }
0x129: {  	_ =	sdelay $0x2  }
0x12a: {  	(erf) = vpow2.f32 v19;
	v17 =	vsel vm0, v17, v20;
	v12 =	vadd.f32 v14, v12  }
0x12b: {  	v55 =	vpop (erf);
	v56 =	vmul.f32 $1.442695020e+00, v17;
	v13 =	vadd.f32 v15, v13;
	v1 =	vadd.f32 v1, v16  }
0x12c: {  	(erf) = vrcp.f32 v18;
	v14 =	vadd.f32 $1.000000000e+00, v55  }
0x12d: {  	(erf) = vpow2.f32 v56;
	v12 =	vsel vm0, v12, v13;
	v1 =	vsel vm0, v1, v2  }
0x12e: {  	v2 =	vmul.f32 $1.442695020e+00, v12;
	v1 =	vmul.f32 $1.442695020e+00, v1  }
0x12f: {  	(erf) = vrcp.f32 v14  }
0x130: {  	(erf) = vpow2.f32 v2  }
0x131: {  	(erf) = vpow2.f32 v1  }
0x132: {  	v1 =	vpop (erf)  }
0x133: {  	v2 =	vpop (erf)  }
0x134: {  	v57 =	vpop (erf)  }
0x135: {  	v58 =	vpop (erf)  }
0x136: {  	v2 =	vadd.f32 $1.000000000e+00, v2;
	v59 =	vpop (erf)  }
0x137: {  	v13 =	vadd.f32 $1.000000000e+00, v58;
	v15 =	vpop (erf)  }
0x138: {  	(erf) = vrcp.f32 v2;
	v60 =	vpop (erf)  }
0x139: {  	(erf) = vrcp.f32 v13;
	v61 =	vpop (erf)  }
0x13a: {  	v2 =	vadd.f32 $1.000000000e+00, v15;
	v62 =	vpop (erf)  }
0x13b: {  	v63 =	vadd.f32 $1.000000000e+00, v62  }
0x13c: {  	(erf) = vrcp.f32 v2;
	v2 =	vadd.f32 $1.000000000e+00, v61  }
0x13d: {  	(erf) = vrcp.f32 v63  }
0x13e: {  	[tilespmem:v11+s29+$0x0] =	vst.idx.msk $0xffff, v1;
	(erf) = vrcp.f32 v2  }
0x13f: {  	[tilespmem:v10+s29+$0x0] =	vst.idx.msk $0xffff, v57  }
0x140: {  	[tilespmem:v9+s29+$0x0] =	vst.idx.msk $0xffff, v59  }
0x141: {  	[tilespmem:v8+s29+$0x0] =	vst.idx.msk $0xffff, v60;
	v1 =	vpop (erf)  }
0x142: {  	[tilespmem:v6+s29+$0x0] =	vst.idx.msk $0xffff, v1;
	v1 =	vpop (erf)  }
0x143: {  	[tilespmem:v5+s29+$0x0] =	vst.idx.msk $0xffff, v1  }
0x144: {  	s1 =	sshll.u32 s0, $0x6;
	s7 =	rddreg [dreg:$0x7]  }
0x145: {  	v1 =	vpop (erf);
	s1 =	sor.u32 s7, s1  }
0x146: {  	[tilespmem:v7+s29+$0x0] =	vst.idx.msk $0xffff, v1;
	s1 =	smul.u32 $0x500, s1;
	v1 =	vpop (erf)  }
0x147: {  	s2 =	rddreg [dreg:$0x3];
	[tilespmem:v3+s29+$0x0] =	vst.idx.msk $0xffff, v1;
	v1 =	vpop (erf)  }
0x148: {  	s3 =	simm.s32 $0x0;
	s31 =	smov.u32 s8;
	s1 =	sadd.s32 s2, s1;
	[tilespmem:v4+s29+$0x0] =	vst.idx.msk $0xffff, v1  }
0x149: {  	[hbm4b:s1+s3] =	stream.linear.scatter [tilespmem:s29], [sflag:$0x5], $0x2800, $0x38;
	[tilespmem:$0x1CA20] =	vst v63  }
.LBB2_8:
0x14a: {  	s9 =	sadd.s32 $0x2, s19  }
0x14b: {  	p1 =	sge.u32 s9, s11  }
.Ltmp7:
0x14c: {  	_ = 	snop;
	(pc) =	sbr.rel @p1 .LBB2_10-.Ltmp7, $1  }
0x14d: {  	_ =	sdelay $0x3  }
0x14e: {  	s1 =	sshll.u32 s9, $0x5  }
0x14f: {  	s1 =	sor.u32 s7, s1  }
0x150: {  	s1 =	smul.u32 $0xA0, s1;
	_ =	sdelay $0x1  }
0x151: {  	s2 =	sadd.s32 s31, s1  }
0x152: {  	[tilespmem:s3], [sflag:$0x6] =	stream.linear.gather [hbm4b:s2+s3], $0x500, $0x38;
	[tilespmem:$0x1CA20] =	vst v63  }
0x153: {  	_ =	swait.ge [sflag:s20], $0x500  }
0x154: {  	[sflag:s20] =	ssyncset.done $0x0  }
0x155: {  	[sflag:s20] =	ssyncadd.s32 $0xFFFFFB00  }
0x156: {  	s26 =	rddreg [dreg:$0x2]  }
0x157: {  	s28 =	simm.s32 $0xA00;
	s1 =	sadd.s32 s26, s1  }
0x158: {  	[tilespmem:s28], [sflag:$0x6] =	stream.linear.gather [hbm4b:s1+s3], $0x500, $0x38;
	[tilespmem:$0x1CA20] =	vst v63  }
0x159: {  	_ =	swait.ge [sflag:s20], $0x500  }
0x15a: {  	[sflag:s20] =	ssyncset.done $0x0  }
0x15b: {  	s30 =	simm.s32 $0x1400;
	[sflag:s20] =	ssyncadd.s32 $0xFFFFFB00  }
0x15c: {  	[tilespmem:s30], [sflag:$0x1] =	stream.indirect.gather [spmem:s5], $0x10, s3, s23, $0xb8;
	[tilespmem:$0x1CA20] =	vst v63  }
0x15d: {  	s8 =	simm.s32 $0xB400  }
0x15e: {  	[tilespmem:s8], [sflag:$0x3] =	stream.indirect.gather [spmem:s6], $0x10, s28, s23, $0xb8;
	[tilespmem:$0x1CA20] =	vst v63  }
0x15f: {  	s9 =	simm.s32 $0x1C00  }
0x160: {  	[tilespmem:s9], [sflag:$0x1] =	stream.indirect.gather [spmem:s5], $0x10, s23, s23, $0xb8;
	[tilespmem:$0x1CA20] =	vst v63  }
0x161: {  	s10 =	simm.s32 $0xA80;
	s12 =	simm.s32 $0xBC00  }
0x162: {  	[tilespmem:s12], [sflag:$0x3] =	stream.indirect.gather [spmem:s6], $0x10, s10, s23, $0xb8;
	[tilespmem:$0x1CA20] =	vst v63  }
0x163: {  	s13 =	simm.s32 $0x100;
	s14 =	simm.s32 $0x2400  }
0x164: {  	[tilespmem:s14], [sflag:$0x1] =	stream.indirect.gather [spmem:s5], $0x10, s13, s23, $0xb8;
	[tilespmem:$0x1CA20] =	vst v63  }
0x165: {  	s15 =	simm.s32 $0xB00;
	s16 =	simm.s32 $0xC400  }
0x166: {  	[tilespmem:s16], [sflag:$0x3] =	stream.indirect.gather [spmem:s6], $0x10, s15, s23, $0xb8;
	[tilespmem:$0x1CA20] =	vst v63  }
0x167: {  	s17 =	simm.s32 $0x180;
	s18 =	simm.s32 $0x2C00  }
0x168: {  	[tilespmem:s18], [sflag:$0x1] =	stream.indirect.gather [spmem:s5], $0x10, s17, s23, $0xb8;
	[tilespmem:$0x1CA20] =	vst v63  }
0x169: {  	s19 =	simm.s32 $0xB80;
	s21 =	simm.s32 $0xCC00  }
0x16a: {  	[tilespmem:s21], [sflag:$0x3] =	stream.indirect.gather [spmem:s6], $0x10, s19, s23, $0xb8;
	[tilespmem:$0x1CA20] =	vst v63  }
0x16b: {  	s22 =	simm.s32 $0x200;
	s24 =	simm.s32 $0x3400  }
0x16c: {  	[tilespmem:s24], [sflag:$0x1] =	stream.indirect.gather [spmem:s5], $0x10, s22, s23, $0xb8;
	[tilespmem:$0x1CA20] =	vst v63  }
0x16d: {  	s25 =	simm.s32 $0xC00;
	s26 =	simm.s32 $0xD400  }
0x16e: {  	[tilespmem:s26], [sflag:$0x3] =	stream.indirect.gather [spmem:s6], $0x10, s25, s23, $0xb8;
	[tilespmem:$0x1CA20] =	vst v63  }
0x16f: {  	s30 =	simm.s32 $0x3C00;
	s28 =	simm.s32 $0x280  }
0x170: {  	[tilespmem:s30], [sflag:$0x1] =	stream.indirect.gather [spmem:s5], $0x10, s28, s23, $0xb8;
	[tilespmem:$0x1CA20] =	vst v63  }
0x171: {  	s8 =	simm.s32 $0xC80;
	s9 =	simm.s32 $0xDC00  }
0x172: {  	[tilespmem:s9], [sflag:$0x3] =	stream.indirect.gather [spmem:s6], $0x10, s8, s23, $0xb8;
	[tilespmem:$0x1CA20] =	vst v63  }
0x173: {  	s10 =	simm.s32 $0x300;
	s12 =	simm.s32 $0x4400  }
0x174: {  	[tilespmem:s12], [sflag:$0x1] =	stream.indirect.gather [spmem:s5], $0x10, s10, s23, $0xb8;
	[tilespmem:$0x1CA20] =	vst v63  }
0x175: {  	s13 =	simm.s32 $0xD00;
	s14 =	simm.s32 $0xE400  }
0x176: {  	[tilespmem:s14], [sflag:$0x3] =	stream.indirect.gather [spmem:s6], $0x10, s13, s23, $0xb8;
	[tilespmem:$0x1CA20] =	vst v63  }
0x177: {  	s15 =	simm.s32 $0x380;
	s16 =	simm.s32 $0x4C00  }
0x178: {  	[tilespmem:s16], [sflag:$0x1] =	stream.indirect.gather [spmem:s5], $0x10, s15, s23, $0xb8;
	[tilespmem:$0x1CA20] =	vst v63  }
0x179: {  	s17 =	simm.s32 $0xD80;
	s18 =	simm.s32 $0xEC00  }
0x17a: {  	[tilespmem:s18], [sflag:$0x3] =	stream.indirect.gather [spmem:s6], $0x10, s17, s23, $0xb8;
	[tilespmem:$0x1CA20] =	vst v63  }
0x17b: {  	s19 =	simm.s32 $0x400;
	s21 =	simm.s32 $0x5400  }
0x17c: {  	[tilespmem:s21], [sflag:$0x1] =	stream.indirect.gather [spmem:s5], $0x10, s19, s23, $0xb8;
	[tilespmem:$0x1CA20] =	vst v63  }
0x17d: {  	s22 =	simm.s32 $0xE00;
	s24 =	simm.s32 $0xF400  }
0x17e: {  	[tilespmem:s24], [sflag:$0x3] =	stream.indirect.gather [spmem:s6], $0x10, s22, s23, $0xb8;
	[tilespmem:$0x1CA20] =	vst v63  }
0x17f: {  	s25 =	simm.s32 $0x480;
	s26 =	simm.s32 $0x5C00  }
0x180: {  	[tilespmem:s26], [sflag:$0x1] =	stream.indirect.gather [spmem:s5], $0x10, s25, s23, $0xb8;
	[tilespmem:$0x1CA20] =	vst v63  }
0x181: {  	s28 =	simm.s32 $0xE80;
	s30 =	simm.s32 $0xFC00  }
0x182: {  	[tilespmem:s30], [sflag:$0x3] =	stream.indirect.gather [spmem:s6], $0x10, s28, s23, $0xb8;
	[tilespmem:$0x1CA20] =	vst v63  }
.LBB2_10:
.Ltmp8:
0x183: {  	(pc) =	sbr.rel @p0 .LBB2_14-.Ltmp8, $1  }
0x184: {  	_ =	sdelay $0x3  }
0x185: {  	s1 =	simm.s32 $0x5  }
0x186: {  	_ =	swait.ge [sflag:s1], $0x2800  }
0x187: {  	[sflag:s1] =	ssyncset.done $0x0  }
0x188: {  	s24 =	simm.s32 $0x2;
	[sflag:s1] =	ssyncadd.s32 $0xFFFFD800  }
0x189: {  	_ =	swait.ge [sflag:s24], $0x5000  }
0x18a: {  	[sflag:s24] =	ssyncset.done $0x0  }
0x18b: {  	s25 =	simm.s32 $0x4;
	[sflag:s24] =	ssyncadd.s32 $0xFFFFB000  }
0x18c: {  	_ =	swait.ge [sflag:s25], $0x5000  }
0x18d: {  	[sflag:s25] =	ssyncset.done $0x0  }
0x18e: {  	s19 =	simm.s32 $0x0;
	[sflag:s25] =	ssyncadd.s32 $0xFFFFB000  }
0x18f: {  	v1 =	vld [tilespmem:s19+$0x65E0]  }
0x190: {  	v2 =	vld [tilespmem:s19+$0x105E0]  }
0x191: {  	v3 =	vld [tilespmem:s19+$0x65F0]  }
0x192: {  	v4 =	vld [tilespmem:s19+$0x105F0]  }
0x193: {  	v5 =	vld [tilespmem:s19+$0x6400]  }
0x194: {  	v6 =	vld [tilespmem:s19+$0x10400]  }
0x195: {  	v7 =	vld [tilespmem:s19+$0x6410]  }
0x196: {  	v8 =	vld [tilespmem:s19+$0x10410]  }
0x197: {  	v9 =	vld [tilespmem:s19+$0x6420]  }
0x198: {  	v10 =	vld [tilespmem:s19+$0x10420]  }
0x199: {  	v11 =	vld [tilespmem:s19+$0x6430]  }
0x19a: {  	v12 =	vld [tilespmem:s19+$0x10430]  }
0x19b: {  	v13 =	vld [tilespmem:s19+$0x6440];
	v1 =	vadd.f32 v2, v1;
	v2 =	vadd.f32 v4, v3  }
0x19c: {  	v14 =	vld [tilespmem:s19+$0x6460]  }
0x19d: {  	v15 =	vld [tilespmem:s19+$0x10460];
	v1 =	vsel vm0, v1, v2  }
0x19e: {  	v3 =	vld [tilespmem:s19+$0x10440];
	v1 =	vmul.f32 $1.442695020e+00, v1  }
0x19f: {  	v4 =	vld [tilespmem:s19+$0x6450];
	v5 =	vadd.f32 v6, v5;
	v6 =	vadd.f32 v8, v7  }
0x1a0: {  	v7 =	vld [tilespmem:s19+$0x10470];
	(erf) = vpow2.f32 v1  }
0x1a1: {  	v8 =	vld [tilespmem:s19+$0x6480];
	v5 =	vsel vm0, v5, v6  }
0x1a2: {  	v9 =	vadd.f32 v10, v9;
	v10 =	vadd.f32 v12, v11;
	v11 =	vld [tilespmem:s19+$0x6490];
	v5 =	vmul.f32 $1.442695020e+00, v5  }
0x1a3: {  	v2 =	vld [tilespmem:s19+$0x10450]  }
0x1a4: {  	v12 =	vld [tilespmem:s19+$0x10490];
	(erf) = vpow2.f32 v5;
	v5 =	vsel vm0, v9, v10  }
0x1a5: {  	v6 =	vld [tilespmem:s19+$0x10480];
	v5 =	vmul.f32 $1.442695020e+00, v5  }
0x1a6: {  	v1 =	vld [tilespmem:s19+$0x6470]  }
0x1a7: {  	v3 =	vadd.f32 v3, v13;
	v13 =	vld [tilespmem:s19+$0x104B0];
	(erf) = vpow2.f32 v5  }
0x1a8: {  	v9 =	vld [tilespmem:s19+$0x64A0];
	v2 =	vadd.f32 v2, v4  }
0x1a9: {  	v14 =	vadd.f32 v15, v14;
	v4 =	vld [tilespmem:s19+$0x64B0];
	v5 =	vpop (erf)  }
0x1aa: {  	v10 =	vld [tilespmem:s19+$0x104A0];
	v6 =	vadd.f32 v6, v8;
	v2 =	vsel vm0, v3, v2;
	v3 =	vadd.f32 $1.000000000e+00, v5  }
0x1ab: {  	v8 =	vadd.f32 v12, v11;
	v11 =	vld [tilespmem:s19+$0x64E0];
	v2 =	vmul.f32 $1.442695020e+00, v2;
	v1 =	vadd.f32 v7, v1  }
0x1ac: {  	v7 =	vld [tilespmem:s19+$0x104C0];
	(erf) = vrcp.f32 v3  }
0x1ad: {  	v1 =	vsel vm0, v14, v1;
	v14 =	vld [tilespmem:s19+$0x104E0];
	(erf) = vpow2.f32 v2  }
0x1ae: {  	v4 =	vadd.f32 v13, v4;
	v13 =	vld [tilespmem:s19+$0x10530];
	v1 =	vmul.f32 $1.442695020e+00, v1  }
0x1af: {  	v5 =	vld [tilespmem:s19+$0x64C0];
	v12 =	vpop (erf)  }
0x1b0: {  	v3 =	vld [tilespmem:s19+$0x64D0];
	(erf) = vpow2.f32 v1;
	v1 =	vsel vm0, v6, v8;
	v8 =	vadd.f32 v10, v9;
	v10 =	vpop (erf)  }
0x1b1: {  	v12 =	vadd.f32 $1.000000000e+00, v12;
	v2 =	vld [tilespmem:s19+$0x104D0];
	v10 =	vadd.f32 $1.000000000e+00, v10  }
0x1b2: {  	v6 =	vld [tilespmem:s19+$0x64F0];
	v1 =	vmul.f32 $1.442695020e+00, v1  }
0x1b3: {  	v9 =	vld [tilespmem:s19+$0x104F0];
	(erf) = vrcp.f32 v12  }
0x1b4: {  	v12 =	vld [tilespmem:s19+$0x6500];
	(erf) = vpow2.f32 v1  }
0x1b5: {  	v1 =	vsel vm0, v8, v4;
	v4 =	vld [tilespmem:s19+$0x10500];
	(erf) = vrcp.f32 v10;
	v10 =	vpop (erf)  }
0x1b6: {  	v5 =	vadd.f32 v7, v5;
	v8 =	vld [tilespmem:s19+$0x6510];
	v2 =	vadd.f32 v2, v3;
	v7 =	vpop (erf)  }
0x1b7: {  	v1 =	vmul.f32 $1.442695020e+00, v1;
	v3 =	vld [tilespmem:s19+$0x10510];
	v7 =	vadd.f32 $1.000000000e+00, v7  }
0x1b8: {  	v2 =	vsel vm0, v5, v2;
	v5 =	vld [tilespmem:s19+$0x10520]  }
0x1b9: {  	(erf) = vpow2.f32 v1;
	v1 =	vld [tilespmem:s19+$0x6520]  }
0x1ba: {  	v11 =	vadd.f32 v14, v11;
	v6 =	vadd.f32 v9, v6;
	v9 =	vld [tilespmem:s19+$0x6530];
	v2 =	vmul.f32 $1.442695020e+00, v2  }
0x1bb: {  	(erf) = vrcp.f32 v7;
	v7 =	vpop (erf)  }
0x1bc: {  	(erf) = vpow2.f32 v2;
	v2 =	vsel vm0, v11, v6;
	v7 =	vadd.f32 $1.000000000e+00, v7  }
0x1bd: {  	v4 =	vadd.f32 v4, v12;
	v3 =	vadd.f32 v3, v8;
	v2 =	vmul.f32 $1.442695020e+00, v2  }
0x1be: {  	v19 =	vld [tilespmem:s19+$0x10560];
	v1 =	vadd.f32 v5, v1;
	(erf) = vrcp.f32 v7  }
0x1bf: {  	s9 =	simm.s32 $0x0;
	s12 =	simm.s32 $0x1E;
	s26 =	simm.s32 $0x0;
	v15 =	vld [tilespmem:s19+$0x6550];
	v11 =	vpop (erf);
	(erf) = vpow2.f32 v2;
	v2 =	vsel vm0, v4, v3;
	v4 =	vadd.f32 v13, v9  }
0x1c0: {  	s3 =	simm.s32 $0x2;
	s7 =	simm.s32 $0x4;
	s10 =	simm.s32 $0x6;
	v12 =	vld [tilespmem:s19+$0x10540];
	v7 =	vpop (erf)  }
0x1c1: {  	s14 =	simm.s32 $0x8;
	s15 =	simm.s32 $0xA;
	s16 =	simm.s32 $0xC;
	v6 =	vld [tilespmem:s19+$0x6540];
	v7 =	vadd.f32 $1.000000000e+00, v7;
	v16 =	vpop (erf);
	v1 =	vsel vm0, v1, v4  }
0x1c2: {  	s28 =	simm.s32 $0xE;
	s13 =	sand.u32 $0x3C00, s9;
	s2 =	sand.u32 $0x7E, s12;
	v3 =	vld [tilespmem:s19+$0x10550];
	v2 =	vmul.f32 $1.442695020e+00, v2;
	v5 =	vpop (erf);
	v1 =	vmul.f32 $1.442695020e+00, v1  }
0x1c3: {  	s17 =	simm.s32 $0x10;
	s2 =	sor.u32 s13, s2;
	s1 =	sand.u32 $0x60, s26;
	v24 =	vld [tilespmem:s19+$0x6580];
	(erf) = vrcp.f32 v7;
	v5 =	vadd.f32 $1.000000000e+00, v5  }
0x1c4: {  	s18 =	simm.s32 $0x12;
	s21 =	simm.s32 $0x14;
	s1 =	sor.u32 s1, s13;
	v14 =	vor.u32 s2, v0;
	v13 =	vld [tilespmem:s19+$0x6560];
	(erf) = vpow2.f32 v2  }
0x1c5: {  	s3 =	sand.u32 $0x62, s3;
	s7 =	sand.u32 $0x64, s7;
	s10 =	sand.u32 $0x66, s10;
	v17 =	vor.u32 s1, v0;
	v4 =	vld [tilespmem:s19+$0x10570];
	v25 =	vpop (erf);
	(erf) = vrcp.f32 v5  }
0x1c6: {  	s14 =	sand.u32 $0x68, s14;
	s30 =	sand.u32 $0x6A, s15;
	s3 =	sor.u32 s13, s3;
	v12 =	vadd.f32 v12, v6;
	v2 =	vld [tilespmem:s19+$0x6570];
	(erf) = vpow2.f32 v1;
	v1 =	vpop (erf)  }
0x1c7: {  	s7 =	sor.u32 s13, s7;
	s10 =	sor.u32 s13, s10;
	s15 =	sor.u32 s13, s14;
	v18 =	vor.u32 s3, v0;
	v26 =	vld [tilespmem:s19+$0x10580];
	v3 =	vadd.f32 v3, v15;
	v1 =	vadd.f32 $1.000000000e+00, v1  }
0x1c8: {  	s22 =	simm.s32 $0x16;
	v20 =	vor.u32 s7, v0;
	v21 =	vor.u32 s10, v0;
	v22 =	vor.u32 s15, v0;
	s1 =	sor.u32 s13, s30;
	s2 =	sand.u32 $0x6E, s28  }
0x1c9: {  	s8 =	sand.u32 $0x6C, s16;
	s16 =	sand.u32 $0x70, s17;
	v23 =	vor.u32 s1, v0;
	s2 =	sor.u32 s13, s2;
	[tilespmem:v14+s29+$0x0] =	vst.idx.msk $0xffff, v10;
	v14 =	vld [tilespmem:s19+$0x10590];
	v3 =	vsel vm0, v12, v3;
	v27 =	vpop (erf);
	(erf) = vrcp.f32 v1  }
0x1ca: {  	s17 =	sand.u32 $0x72, s18;
	s18 =	sand.u32 $0x74, s21;
	s3 =	sor.u32 s13, s8;
	v8 =	vor.u32 s2, v0;
	[tilespmem:v17+s29+$0x0] =	vst.idx.msk $0xffff, v11;
	v15 =	vld [tilespmem:s19+$0x6590];
	v10 =	vadd.f32 v19, v13;
	v3 =	vmul.f32 $1.442695020e+00, v3;
	v11 =	vpop (erf)  }
0x1cb: {  	s21 =	simm.s32 $0x18;
	s10 =	sor.u32 s13, s16;
	s1 =	sor.u32 s13, s17;
	v17 =	vld [tilespmem:s19+$0x105A0];
	v9 =	vor.u32 s3, v0;
	v12 =	vadd.f32 v4, v2;
	v1 =	vadd.f32 $1.000000000e+00, v11  }
0x1cc: {  	s30 =	simm.s32 $0x1C;
	s24 =	sor.u32 s13, s18;
	s2 =	sand.u32 $0x78, s21;
	v6 =	vor.u32 s1, v0;
	[tilespmem:v18+s29+$0x0] =	vst.idx.msk $0xffff, v16;
	v18 =	vadd.f32 v26, v24;
	v13 =	vld [tilespmem:s19+$0x65A0];
	(erf) = vpow2.f32 v3  }
0x1cd: {  	s25 =	sand.u32 $0x76, s22;
	s28 =	simm.s32 $0x1A;
	s2 =	sor.u32 s13, s2;
	v7 =	vor.u32 s10, v0;
	v11 =	vsel vm0, v10, v12;
	v10 =	vld [tilespmem:s19+$0x65B0];
	(erf) = vrcp.f32 v1;
	v16 =	vpop (erf)  }
0x1ce: {  	s26 =	sor.u32 s13, s25;
	s1 =	sand.u32 $0x7A, s28;
	[tilespmem:v20+s29+$0x0] =	vst.idx.msk $0xffff, v25;
	v5 =	vor.u32 s24, v0;
	v2 =	vor.u32 s2, v0;
	s2 =	sand.u32 $0x7C, s30;
	v12 =	vld [tilespmem:s19+$0x105B0];
	v19 =	vmul.f32 $1.442695020e+00, v11;
	v3 =	vpop (erf)  }
0x1cf: {  	s1 =	sor.u32 s13, s1;
	[tilespmem:v21+s29+$0x0] =	vst.idx.msk $0xffff, v27;
	v4 =	vor.u32 s26, v0;
	v15 =	vadd.f32 v14, v15;
	v14 =	vld [tilespmem:s19+$0x105C0];
	s2 =	sor.u32 s13, s2;
	v63 =	vadd.f32 $1.000000000e+00, v3  }
0x1d0: {  	v1 =	vor.u32 s2, v0;
	v11 =	vld [tilespmem:s19+$0x65C0];
	[tilespmem:v22+s29+$0x0] =	vst.idx.msk $0xffff, v16;
	v3 =	vor.u32 s1, v0;
	v16 =	vpop (erf);
	(erf) = vpow2.f32 v19  }
0x1d1: {  	s14 =	simm.s32 $0x800;
	s13 =	simm.s32 $0x0;
	[tilespmem:v23+s29+$0x0] =	vst.idx.msk $0xffff, v16;
	v16 =	vsel vm0, v18, v15;
	v15 =	vadd.f32 v17, v13;
	v13 =	vld [tilespmem:s19+$0x65D0];
	v17 =	vpop (erf);
	(erf) = vrcp.f32 v63  }
.LBB2_12:
0x1d2: {  	v17 =	vadd.f32 $1.000000000e+00, v17;
	v16 =	vmul.f32 $1.442695020e+00, v16;
	v18 =	vld [tilespmem:s19+$0x105D0];
	s19 =	sshra.s32 s14, $0x2;
	v19 =	vpop (erf)  }
0x1d3: {  	v20 =	vld [tilespmem:s19+$0x65E0];
	[tilespmem:v9+s29+$0x0] =	vst.idx.msk $0xffff, v19;
	v9 =	vadd.f32 v12, v10  }
0x1d4: {  	v10 =	vld [tilespmem:s19+$0x105E0];
	(erf) = vpow2.f32 v16  }
0x1d5: {  	s13 =	sadd.s32 $0x10, s13;
	v12 =	vld [tilespmem:s19+$0x65F0];
	v9 =	vsel vm0, v15, v9;
	v11 =	vadd.f32 v14, v11;
	(erf) = vrcp.f32 v17;
	v14 =	vpop (erf)  }
0x1d6: {  	p0 =	slt.u32 s13, $0x270;
	v15 =	vld [tilespmem:s19+$0x105F0];
	v14 =	vadd.f32 $1.000000000e+00, v14;
	v9 =	vmul.f32 $1.442695020e+00, v9;
	v16 =	vpop (erf)  }
0x1d7: {  	v17 =	vld [tilespmem:s19+$0x6400];
	[tilespmem:v8+s29+$0x0] =	vst.idx.msk $0xffff, v16;
	v8 =	vadd.f32 v18, v13  }
0x1d8: {  	v13 =	vld [tilespmem:s19+$0x10400];
	(erf) = vpow2.f32 v9  }
0x1d9: {  	v9 =	vld [tilespmem:s19+$0x6410];
	v8 =	vsel vm0, v11, v8;
	(erf) = vrcp.f32 v14;
	v11 =	vpop (erf)  }
0x1da: {  	v14 =	vld [tilespmem:s19+$0x10410];
	v19 =	vadd.f32 $1.000000000e+00, v11;
	v8 =	vmul.f32 $1.442695020e+00, v8;
	v16 =	vpop (erf)  }
0x1db: {  	v10 =	vadd.f32 v10, v20;
	v18 =	vld [tilespmem:s19+$0x6420];
	v12 =	vadd.f32 v15, v12;
	[tilespmem:v7+s29+$0x0] =	vst.idx.msk $0xffff, v16  }
0x1dc: {  	v7 =	vld [tilespmem:s19+$0x10420];
	(erf) = vpow2.f32 v8  }
0x1dd: {  	v8 =	vadd.f32 v13, v17;
	v13 =	vld [tilespmem:s19+$0x6430];
	v10 =	vsel vm0, v10, v12;
	(erf) = vrcp.f32 v19;
	v11 =	vpop (erf)  }
0x1de: {  	v12 =	vld [tilespmem:s19+$0x10430];
	v16 =	vmul.f32 $1.442695020e+00, v10;
	v11 =	vadd.f32 $1.000000000e+00, v11;
	v15 =	vpop (erf)  }
0x1df: {  	v9 =	vadd.f32 v14, v9;
	v14 =	vld [tilespmem:s19+$0x6440];
	[tilespmem:v6+s29+$0x0] =	vst.idx.msk $0xffff, v15  }
0x1e0: {  	v6 =	vld [tilespmem:s19+$0x10440];
	(erf) = vpow2.f32 v16  }
0x1e1: {  	v8 =	vsel vm0, v8, v9;
	v7 =	vadd.f32 v7, v18;
	v9 =	vld [tilespmem:s19+$0x6450];
	(erf) = vrcp.f32 v11;
	v10 =	vpop (erf)  }
0x1e2: {  	v8 =	vmul.f32 $1.442695020e+00, v8;
	v11 =	vld [tilespmem:s19+$0x10450];
	v16 =	vadd.f32 $1.000000000e+00, v10;
	v15 =	vpop (erf)  }
0x1e3: {  	v12 =	vadd.f32 v12, v13;
	v13 =	vld [tilespmem:s19+$0x6460];
	[tilespmem:v5+s29+$0x0] =	vst.idx.msk $0xffff, v15  }
0x1e4: {  	v5 =	vld [tilespmem:s19+$0x10460];
	(erf) = vpow2.f32 v8  }
0x1e5: {  	v7 =	vsel vm0, v7, v12;
	v6 =	vadd.f32 v6, v14;
	v8 =	vld [tilespmem:s19+$0x6470];
	(erf) = vrcp.f32 v16;
	v10 =	vpop (erf)  }
0x1e6: {  	v7 =	vmul.f32 $1.442695020e+00, v7;
	v12 =	vld [tilespmem:s19+$0x10470];
	v10 =	vadd.f32 $1.000000000e+00, v10;
	v14 =	vpop (erf)  }
0x1e7: {  	v15 =	vadd.f32 v11, v9;
	v11 =	vld [tilespmem:s19+$0x6480];
	[tilespmem:v4+s29+$0x0] =	vst.idx.msk $0xffff, v14  }
0x1e8: {  	v4 =	vld [tilespmem:s19+$0x10480];
	(erf) = vpow2.f32 v7  }
0x1e9: {  	v6 =	vsel vm0, v6, v15;
	v5 =	vadd.f32 v5, v13;
	v7 =	vld [tilespmem:s19+$0x6490];
	v9 =	vpop (erf);
	(erf) = vrcp.f32 v10  }
0x1ea: {  	v6 =	vmul.f32 $1.442695020e+00, v6;
	v10 =	vld [tilespmem:s19+$0x10490];
	v14 =	vadd.f32 $1.000000000e+00, v9;
	v13 =	vpop (erf)  }
0x1eb: {  	v8 =	vadd.f32 v12, v8;
	v12 =	vld [tilespmem:s19+$0x64A0];
	[tilespmem:v2+s29+$0x0] =	vst.idx.msk $0xffff, v13  }
0x1ec: {  	v2 =	vld [tilespmem:s19+$0x104A0];
	(erf) = vrcp.f32 v14  }
0x1ed: {  	v5 =	vsel vm0, v5, v8;
	v4 =	vadd.f32 v4, v11;
	v8 =	vld [tilespmem:s19+$0x64B0];
	v9 =	vpop (erf);
	(erf) = vpow2.f32 v6  }
0x1ee: {  	s12 =	sadd.s32 $0x20, s12;
	s9 =	sadd.s32 $0x100, s9;
	v6 =	vadd.f32 $1.000000000e+00, v9;
	v5 =	vmul.f32 $1.442695020e+00, v5;
	v9 =	vld [tilespmem:s19+$0x104B0];
	v11 =	vpop (erf)  }
0x1ef: {  	s15 =	sand.u32 $0x3C00, s9;
	s1 =	sadd.s32 $0xFFFFFFE2, s12;
	s2 =	sand.u32 $0x7E, s12;
	v7 =	vadd.f32 v10, v7;
	v10 =	vld [tilespmem:s19+$0x64C0];
	[tilespmem:v3+s29+$0x0] =	vst.idx.msk $0xffff, v11  }
0x1f0: {  	s3 =	sadd.s32 $0xFFFFFFE4, s12;
	s7 =	sadd.s32 $0xFFFFFFE6, s12;
	s2 =	sor.u32 s15, s2;
	v3 =	vld [tilespmem:s19+$0x104C0];
	(erf) = vpow2.f32 v5  }
0x1f1: {  	s10 =	sadd.s32 $0xFFFFFFE8, s12;
	s16 =	sadd.s32 $0xFFFFFFEA, s12;
	s17 =	sadd.s32 $0xFFFFFFEC, s12;
	v4 =	vsel vm0, v4, v7;
	v2 =	vadd.f32 v2, v12;
	v5 =	vld [tilespmem:s19+$0x64D0];
	v7 =	vor.u32 s2, v0;
	v11 =	vpop (erf)  }
0x1f2: {  	s18 =	sadd.s32 $0xFFFFFFF0, s12;
	s1 =	sand.u32 $0x60, s1;
	s2 =	sadd.s32 $0xFFFFFFEE, s12;
	v11 =	vadd.f32 $1.000000000e+00, v11;
	v4 =	vmul.f32 $1.442695020e+00, v4;
	v12 =	vld [tilespmem:s19+$0x104D0];
	(erf) = vrcp.f32 v6;
	v6 =	vpop (erf)  }
0x1f3: {  	s21 =	sadd.s32 $0xFFFFFFF2, s12;
	s22 =	sadd.s32 $0xFFFFFFF4, s12;
	s24 =	sadd.s32 $0xFFFFFFF6, s12;
	v8 =	vadd.f32 v9, v8;
	v9 =	vld [tilespmem:s19+$0x64E0];
	[tilespmem:v1+s29+$0x0] =	vst.idx.msk $0xffff, v6  }
0x1f4: {  	s25 =	sadd.s32 $0xFFFFFFF8, s12;
	s26 =	sadd.s32 $0xFFFFFFFA, s12;
	s28 =	sadd.s32 $0xFFFFFFFC, s12;
	v1 =	vld [tilespmem:s19+$0x104E0];
	(erf) = vpow2.f32 v4  }
0x1f5: {  	s30 =	sadd.s32 $0xFFFFFFFE, s12;
	s3 =	sand.u32 $0x62, s3;
	s7 =	sand.u32 $0x64, s7;
	v2 =	vsel vm0, v2, v8;
	v3 =	vadd.f32 v3, v10;
	v4 =	vld [tilespmem:s19+$0x64F0];
	(erf) = vrcp.f32 v11;
	v6 =	vpop (erf)  }
0x1f6: {  	s10 =	sand.u32 $0x66, s10;
	s16 =	sand.u32 $0x68, s16;
	s1 =	sor.u32 s1, s15;
	v2 =	vmul.f32 $1.442695020e+00, v2;
	v8 =	vld [tilespmem:s19+$0x104F0];
	[tilespmem:v7+s29+$0x0] =	vst.idx.msk $0xffff, v6;
	v6 =	vpop (erf)  }
0x1f7: {  	s2 =	sand.u32 $0x6C, s2;
	v7 =	vor.u32 s1, v0;
	s1 =	sand.u32 $0x6A, s17;
	s17 =	sand.u32 $0x6E, s18;
	v6 =	vadd.f32 $1.000000000e+00, v6;
	v12 =	vadd.f32 v12, v5;
	v10 =	vld [tilespmem:s19+$0x6500]  }
0x1f8: {  	s18 =	sand.u32 $0x70, s21;
	s21 =	sand.u32 $0x72, s22;
	s22 =	sand.u32 $0x74, s24;
	v11 =	vld [tilespmem:s19+$0x10500];
	(erf) = vpow2.f32 v2  }
0x1f9: {  	s24 =	sand.u32 $0x76, s25;
	s25 =	sand.u32 $0x78, s26;
	s26 =	sand.u32 $0x7A, s28;
	v2 =	vsel vm0, v3, v12;
	v1 =	vadd.f32 v1, v9;
	v3 =	vld [tilespmem:s19+$0x6510];
	(erf) = vrcp.f32 v6;
	v5 =	vpop (erf)  }
0x1fa: {  	s3 =	sor.u32 s15, s3;
	s7 =	sor.u32 s15, s7;
	s28 =	sand.u32 $0x7C, s30;
	v9 =	vadd.f32 $1.000000000e+00, v5;
	v2 =	vmul.f32 $1.442695020e+00, v2;
	v6 =	vld [tilespmem:s19+$0x10510]  }
0x1fb: {  	v13 =	vor.u32 s7, v0;
	s7 =	sor.u32 s15, s16;
	s1 =	sor.u32 s15, s1;
	v12 =	vor.u32 s3, v0;
	s3 =	sor.u32 s15, s10;
	v4 =	vadd.f32 v8, v4;
	v14 =	vld [tilespmem:s19+$0x6520];
	v8 =	vpop (erf)  }
0x1fc: {  	v16 =	vor.u32 s7, v0;
	s2 =	sor.u32 s15, s2;
	s7 =	sor.u32 s15, s18;
	v15 =	vor.u32 s3, v0;
	s3 =	sor.u32 s15, s17;
	[tilespmem:v7+s29+$0x0] =	vst.idx.msk $0xffff, v8;
	v17 =	vld [tilespmem:s19+$0x10520];
	(erf) = vpow2.f32 v2  }
0x1fd: {  	s16 =	sor.u32 s15, s22;
	s10 =	sor.u32 s15, s21;
	s17 =	sor.u32 s15, s24;
	v1 =	vsel vm0, v1, v4;
	v2 =	vadd.f32 v11, v10;
	v4 =	vld [tilespmem:s19+$0x6530];
	(erf) = vrcp.f32 v9;
	v5 =	vpop (erf)  }
0x1fe: {  	s18 =	sor.u32 s15, s26;
	v11 =	vor.u32 s1, v0;
	s1 =	sor.u32 s15, s25;
	s15 =	sor.u32 s15, s28;
	v5 =	vadd.f32 $1.000000000e+00, v5;
	v1 =	vmul.f32 $1.442695020e+00, v1;
	v10 =	vld [tilespmem:s19+$0x10530];
	v7 =	vpop (erf)  }
0x1ff: {  	v8 =	vor.u32 s3, v0;
	v9 =	vor.u32 s2, v0;
	v3 =	vadd.f32 v6, v3;
	v18 =	vld [tilespmem:s19+$0x6540]  }
0x200: {  	v6 =	vor.u32 s10, v0;
	[tilespmem:v12+s29+$0x0] =	vst.idx.msk $0xffff, v7;
	v7 =	vor.u32 s7, v0;
	v12 =	vld [tilespmem:s19+$0x10540];
	(erf) = vpow2.f32 v1  }
0x201: {  	v3 =	vsel vm0, v2, v3;
	v14 =	vadd.f32 v17, v14;
	v17 =	vld [tilespmem:s19+$0x6550];
	(erf) = vrcp.f32 v5;
	v2 =	vpop (erf)  }
0x202: {  	v5 =	vor.u32 s16, v0;
	v19 =	vadd.f32 $1.000000000e+00, v2;
	v20 =	vmul.f32 $1.442695020e+00, v3;
	v21 =	vld [tilespmem:s19+$0x10550];
	v1 =	vpop (erf)  }
0x203: {  	v2 =	vor.u32 s1, v0;
	[tilespmem:v13+s29+$0x0] =	vst.idx.msk $0xffff, v1;
	v10 =	vadd.f32 v10, v4;
	v13 =	vld [tilespmem:s19+$0x6560];
	v4 =	vor.u32 s17, v0  }
0x204: {  	v3 =	vor.u32 s18, v0;
	v1 =	vor.u32 s15, v0;
	v22 =	vld [tilespmem:s19+$0x10560];
	(erf) = vpow2.f32 v20  }
0x205: {  	v10 =	vsel vm0, v14, v10;
	v12 =	vadd.f32 v12, v18;
	v14 =	vld [tilespmem:s19+$0x6570];
	(erf) = vrcp.f32 v19;
	v18 =	vpop (erf)  }
0x206: {  	v18 =	vadd.f32 $1.000000000e+00, v18;
	v10 =	vmul.f32 $1.442695020e+00, v10;
	v19 =	vld [tilespmem:s19+$0x10570];
	v20 =	vpop (erf)  }
0x207: {  	[tilespmem:v15+s29+$0x0] =	vst.idx.msk $0xffff, v20;
	v23 =	vadd.f32 v21, v17;
	v17 =	vld [tilespmem:s19+$0x6580]  }
0x208: {  	v20 =	vld [tilespmem:s19+$0x10580];
	(erf) = vpow2.f32 v10  }
0x209: {  	v10 =	vsel vm0, v12, v23;
	v12 =	vadd.f32 v22, v13;
	v13 =	vld [tilespmem:s19+$0x6590];
	(erf) = vrcp.f32 v18;
	v15 =	vpop (erf)  }
0x20a: {  	v15 =	vadd.f32 $1.000000000e+00, v15;
	v10 =	vmul.f32 $1.442695020e+00, v10;
	v18 =	vld [tilespmem:s19+$0x10590];
	v21 =	vpop (erf)  }
0x20b: {  	[tilespmem:v16+s29+$0x0] =	vst.idx.msk $0xffff, v21;
	v22 =	vadd.f32 v19, v14;
	v19 =	vld [tilespmem:s19+$0x65A0]  }
0x20c: {  	v21 =	vld [tilespmem:s19+$0x105A0];
	(erf) = vpow2.f32 v10  }
.Ltmp9:
0x20d: {  	v12 =	vsel vm0, v12, v22;
	v16 =	vadd.f32 v20, v17;
	v10 =	vld [tilespmem:s19+$0x65B0];
	(erf) = vrcp.f32 v15;
	v14 =	vpop (erf);
	(pc) =	sbr.rel @p0 .LBB2_12-.Ltmp9, $4  }
0x20e: {  	v20 =	vadd.f32 $1.000000000e+00, v14;
	v15 =	vmul.f32 $1.442695020e+00, v12;
	v12 =	vld [tilespmem:s19+$0x105B0];
	v14 =	vpop (erf)  }
0x20f: {  	[tilespmem:v11+s29+$0x0] =	vst.idx.msk $0xffff, v14;
	v13 =	vadd.f32 v18, v13;
	v11 =	vld [tilespmem:s19+$0x65C0]  }
0x210: {  	v14 =	vld [tilespmem:s19+$0x105C0];
	(erf) = vpow2.f32 v15  }
0x211: {  	s14 =	sadd.s32 $0x800, s14;
	v16 =	vsel vm0, v16, v13;
	v15 =	vadd.f32 v21, v19;
	v13 =	vld [tilespmem:s19+$0x65D0];
	(erf) = vrcp.f32 v20;
	v17 =	vpop (erf)  }
0x212: {  	v18 =	vld [tilespmem:s19+$0x105D0];
	_ =	sdelay $0x2  }
0x213: {  	v10 =	vadd.f32 v12, v10  }
0x214: {  	v47 =	vadd.f32 $1.000000000e+00, v17;
	v16 =	vmul.f32 $1.442695020e+00, v16  }
0x215: {  	v48 =	vpop (erf);
	v10 =	vsel vm0, v15, v10;
	v11 =	vadd.f32 v14, v11;
	v13 =	vadd.f32 v18, v13  }
0x216: {  	(erf) = vpow2.f32 v16;
	v49 =	vpop (erf);
	v10 =	vmul.f32 $1.442695020e+00, v10  }
0x217: {  	(erf) = vrcp.f32 v47;
	v50 =	vadd.f32 $1.000000000e+00, v49;
	v11 =	vsel vm0, v11, v13  }
0x218: {  	(erf) = vpow2.f32 v10;
	v51 =	vmul.f32 $1.442695020e+00, v11  }
0x219: {  	(erf) = vrcp.f32 v50  }
0x21a: {  	(erf) = vpow2.f32 v51;
	_ =	sdelay $0x1  }
0x21b: {  	v52 =	vpop (erf)  }
0x21c: {  	v53 =	vpop (erf)  }
0x21d: {  	v54 =	vpop (erf)  }
0x21e: {  	v55 =	vpop (erf)  }
0x21f: {  	v56 =	vpop (erf)  }
0x220: {  	v11 =	vadd.f32 $1.000000000e+00, v53;
	v57 =	vpop (erf)  }
0x221: {  	v13 =	vadd.f32 $1.000000000e+00, v55;
	v58 =	vpop (erf)  }
0x222: {  	(erf) = vrcp.f32 v11;
	v59 =	vadd.f32 $1.000000000e+00, v57;
	v60 =	vpop (erf)  }
0x223: {  	(erf) = vrcp.f32 v13;
	v61 =	vadd.f32 $1.000000000e+00, v60  }
0x224: {  	(erf) = vrcp.f32 v59  }
0x225: {  	(erf) = vrcp.f32 v61;
	_ =	sdelay $0x1  }
0x226: {  	[tilespmem:v9+s29+$0x0] =	vst.idx.msk $0xffff, v48  }
0x227: {  	[tilespmem:v8+s29+$0x0] =	vst.idx.msk $0xffff, v52  }
0x228: {  	[tilespmem:v7+s29+$0x0] =	vst.idx.msk $0xffff, v54  }
0x229: {  	[tilespmem:v6+s29+$0x0] =	vst.idx.msk $0xffff, v56  }
0x22a: {  	[tilespmem:v5+s29+$0x0] =	vst.idx.msk $0xffff, v58;
	v62 =	vpop (erf)  }
0x22b: {  	s1 =	smul.u32 $0x500, s4;
	[tilespmem:v4+s29+$0x0] =	vst.idx.msk $0xffff, v62;
	v63 =	vpop (erf)  }
.Ltmp10:
0x22c: {  	[tilespmem:v2+s29+$0x0] =	vst.idx.msk $0xffff, v63;
	v2 =	vpop (erf);
	(pc) =	sbr.rel .LBB2_14-.Ltmp10, $4  }
0x22d: {  	s2 =	rddreg [dreg:$0x3];
	[tilespmem:v3+s29+$0x0] =	vst.idx.msk $0xffff, v2;
	v2 =	vpop (erf)  }
0x22e: {  	s3 =	simm.s32 $0x0;
	s1 =	sadd.s32 s2, s1;
	[tilespmem:v1+s29+$0x0] =	vst.idx.msk $0xffff, v2  }
0x22f: {  	[hbm4b:s1+s3] =	stream.linear.scatter [tilespmem:s29], [sflag:$0x5], $0x2800, $0x38;
	[tilespmem:$0x1CA20] =	vst v63  }
0x230: {  	s7 =	rddreg [dreg:$0x7]  }
.LBB2_16:
0x231: {  	_ =	sfence.sel $0x180000  }
0x232: {  	[bflag:$0x0] =	sbarrier.arrive $0xFFFF  }
0x233: {  	_ =	strace $0x90000047  }
0x234: {  	s0 =	stileid.u32;
	[bflag:$0x2] =	sbarrier.arrive $0xFFFF  }
0x235: {  	p0 =	sne.s32 s0, $0x0;
	s0 =	rddreg [dreg:$0x6]  }
0x236: {  	s0 =	sadd.s32 @!p0 $0x100000, s0  }
0x237: {  	[sflag:s0] =	ssyncadd.tile.s32 @!p0 $0x1;
	_ =	shalt  }
.Lfunc_end2:
_tile_overlayer_lowered:
.L_overlay_start_2:
0x238: {  	(tag) =	ssettag $0x2  }
0x239: {  	s0 =	rddreg [dreg:$0x0];
	s2 =	stileid.u32  }
0x23a: {  	s1 =	rddreg [dreg:$0x1];
	p0 =	sne.s32 s2, $0x0  }
0x23b: {  	s3 =	rddreg [dreg:$0x2];
	[bflag:$0x3] =	sbarrier.arrive $0xFFFF;
	s2 =	simm.s32 @!p0 $0x1C06  }
0x23c: {  	[timem:s3], [sflag:s2] =	dma.local @!p0 [hbm:s0], s1  }
0x23d: {  	s0 =	simm.s32 @!p0 $0x6  }
0x23e: {  	_ =	swait.ge @!p0 [sflag:s0], s1  }
0x23f: {  	s1 =	ssub.s32 @!p0 $0x0, s1;
	[sflag:s0] =	ssyncset.done @!p0 $0x0  }
0x240: {  	[sflag:s0] =	ssyncadd.s32 @!p0 s1  }
0x241: {  	[bflag:$0x3] =	sbarrier.arrive $0xFFFF  }
0x242: {  	_ =	shalt  }

</sc_bundles>
